<compile_context>
chip_gen: v7x
topology: tpu7x:2x2x1
jax: 0.10.2.dev20260603
libtpu: 0.0.44.dev20260713+nightly
codegen_flags: <defaults>
</compile_context>

<pallas_src>
import functools

import numpy as np

import jax
import jax.numpy as jnp
from jax import lax
from jax.experimental import pallas as pl
from jax.experimental.pallas import tpu as pltpu
from jax.experimental.pallas import tpu_sc as plsc

N = 10000
E = 320000
D = 128
N_PAD = 10112
NC = 2
NS = 16
EW = 64
ROWS = 5120
E_PAD = ROWS * EW
ROWS_PER_TILE = ROWS // NS
CHUNK_ROWS = 8
NCHUNKS = ROWS_PER_TILE // CHUNK_ROWS
ZROWS = N_PAD // NS
CW = 16

_QPERM = np.empty((D,), dtype=np.int32)
for _g in range(D // 32):
    for _i in range(16):
        _QPERM[32 * _g + 2 * _i] = 32 * _g + _i
        _QPERM[32 * _g + 2 * _i + 1] = 32 * _g + 16 + _i

_mesh = plsc.VectorSubcoreMesh(
    core_axis_name="c", subcore_axis_name="s", num_cores=NC, num_subcores=NS)


@functools.partial(
    pl.kernel,
    out_type=[jax.ShapeDtypeStruct((NC, N_PAD, D), jnp.float32),
              jax.ShapeDtypeStruct((NC, N_PAD, CW), jnp.float32)],
    mesh=_mesh,
    scratch_types=[
        pltpu.VMEM((2, CHUNK_ROWS, EW), jnp.int32),
        pltpu.VMEM((2, CHUNK_ROWS, EW), jnp.int32),
        pltpu.VMEM((4, EW, D), jnp.bfloat16),
        pltpu.VMEM((2, EW, D), jnp.float32),
        pltpu.VMEM((EW, CW), jnp.float32),
        pltpu.VMEM_SHARED((N_PAD, D), jnp.float32),
        pltpu.VMEM_SHARED((N_PAD, CW), jnp.float32),
        pltpu.SemaphoreType.DMA,
        pltpu.SemaphoreType.DMA,
        pltpu.SemaphoreType.DMA,
    ],
    compiler_params=pltpu.CompilerParams(use_tc_tiling_on_sc=False,
                                         needs_layout_passes=False),
)
def _sc_agg(idx_hbm, xb_hbm, zeros_hbm, zeros_cnt_hbm, out_hbm, cnt_hbm,
            gidx, sidx, rbf, rf32, ones, acc, acc_cnt, gsem, ssem, isem):
    c = lax.axis_index("c")
    s = lax.axis_index("s")
    pltpu.sync_copy(zeros_hbm, acc.at[pl.ds(s * ZROWS, ZROWS)])
    pltpu.sync_copy(zeros_cnt_hbm, acc_cnt.at[pl.ds(s * ZROWS, ZROWS)])

    def ones_body(r, carry):
        ones[r, :] = jnp.full((CW,), 1.0, jnp.float32)
        return carry

    lax.fori_loop(0, EW, ones_body, 0)
    plsc.subcore_barrier()

    base0 = s * ROWS_PER_TILE
    pltpu.sync_copy(idx_hbm.at[c, pl.ds(base0, CHUNK_ROWS)], gidx.at[0])
    pltpu.sync_copy(idx_hbm.at[1 - c, pl.ds(base0, CHUNK_ROWS)], sidx.at[0])
    pltpu.async_copy(xb_hbm.at[gidx.at[0, 0]], rbf.at[0], gsem)
    pltpu.async_copy(xb_hbm.at[gidx.at[0, 1]], rbf.at[1], gsem)

    def chunk_body(k, carry):
        slot = lax.rem(k, 2)
        nslot = 1 - slot
        nbase = s * ROWS_PER_TILE + (k + 1) * CHUNK_ROWS

        @pl.when(k + 1 < NCHUNKS)
        def _prefetch():
            pltpu.async_copy(idx_hbm.at[c, pl.ds(nbase, CHUNK_ROWS)],
                             gidx.at[nslot], isem)
            pltpu.async_copy(idx_hbm.at[1 - c, pl.ds(nbase, CHUNK_ROWS)],
                             sidx.at[nslot], isem)

        for j in range(CHUNK_ROWS):
            b4 = j % 4
            b = j % 2
            pltpu.make_async_copy(
                xb_hbm.at[gidx.at[slot, j]], rbf.at[b4], gsem).wait()
            f4 = (j + 2) % 4
            if j + 2 < CHUNK_ROWS:
                pltpu.async_copy(xb_hbm.at[gidx.at[slot, j + 2]],
                                 rbf.at[f4], gsem)
            else:
                @pl.when(k + 1 < NCHUNKS)
                def _next_gather():
                    if j + 2 == CHUNK_ROWS:
                        pltpu.make_async_copy(
                            idx_hbm.at[c, pl.ds(nbase, CHUNK_ROWS)],
                            gidx.at[nslot], isem).wait()
                        pltpu.make_async_copy(
                            idx_hbm.at[1 - c, pl.ds(nbase, CHUNK_ROWS)],
                            sidx.at[nslot], isem).wait()
                    pltpu.async_copy(
                        xb_hbm.at[gidx.at[nslot, j + 2 - CHUNK_ROWS]],
                        rbf.at[f4], gsem)
            if j >= 2:
                pltpu.make_async_copy(
                    rf32.at[b], acc.at[sidx.at[slot, j]], ssem).wait()
                pltpu.make_async_copy(
                    ones, acc_cnt.at[sidx.at[slot, j]], ssem).wait()
            else:
                @pl.when(k > 0)
                def _retire():
                    pltpu.make_async_copy(
                        rf32.at[b], acc.at[sidx.at[slot, j]], ssem).wait()
                    pltpu.make_async_copy(
                        ones, acc_cnt.at[sidx.at[slot, j]], ssem).wait()

            def conv_body(r, carry):
                for g in range(D // 32):
                    ab = rbf[b4, r, pl.ds(32 * g, 32)]
                    lo, hi = plsc.unpack(ab, format=plsc.PackFormat.INTERLEAVED)
                    rf32[b, r, pl.ds(32 * g, 16)] = lo
                    rf32[b, r, pl.ds(32 * g + 16, 16)] = hi
                return carry

            lax.fori_loop(0, EW, conv_body, 0)

            pltpu.async_copy(rf32.at[b], acc.at[sidx.at[slot, j]], ssem,
                             add=True)
            pltpu.async_copy(ones, acc_cnt.at[sidx.at[slot, j]], ssem,
                             add=True)
        return carry

    lax.fori_loop(0, NCHUNKS, chunk_body, 0)
    for b in (0, 1):
        pltpu.make_async_copy(rf32.at[b], acc.at[sidx.at[0, 0]], ssem).wait()
        pltpu.make_async_copy(ones, acc_cnt.at[sidx.at[0, 0]], ssem).wait()
    plsc.subcore_barrier()
    pltpu.sync_copy(acc.at[pl.ds(s * ZROWS, ZROWS)],
                    out_hbm.at[c, pl.ds(s * ZROWS, ZROWS)])
    pltpu.sync_copy(acc_cnt.at[pl.ds(s * ZROWS, ZROWS)],
                    cnt_hbm.at[c, pl.ds(s * ZROWS, ZROWS)])


_RB = 2528


def _elu(v):
    return jnp.where(v > 0, v, jnp.exp(jnp.minimum(v, 0.0)) - 1.0)


def _full(shape):
    return pl.BlockSpec(shape, lambda i: (0,) * len(shape))


def _agg_body(acc_ref, cnt_ref, ws2d_ref, bs2d_ref, wd2s_ref, bd2s_ref,
              xin_ref, xout_ref):
    f32 = jnp.float32
    mi = acc_ref[0] / jnp.maximum(cnt_ref[0, :, 0:1], 1.0)
    xin_ref[...] = _elu(
        jnp.dot(mi, ws2d_ref[...], preferred_element_type=f32) + bs2d_ref[...])
    mo = acc_ref[1] / jnp.maximum(cnt_ref[1, :, 0:1], 1.0)
    xout_ref[...] = _elu(
        jnp.dot(mo, wd2s_ref[...], preferred_element_type=f32) + bd2s_ref[...])


def _dense_agg(acc, cnt, W_s2d, b_s2d, W_d2s, b_d2s):
    return pl.pallas_call(
        _agg_body,
        grid=(N_PAD // _RB,),
        in_specs=[
            pl.BlockSpec((NC, _RB, D), lambda i: (0, i, 0)),
            pl.BlockSpec((NC, _RB, CW), lambda i: (0, i, 0)),
            _full((D, D)), _full((1, D)), _full((D, D)), _full((1, D)),
        ],
        out_specs=[pl.BlockSpec((_RB, D), lambda i: (i, 0))] * 2,
        out_shape=[jax.ShapeDtypeStruct((N, D), jnp.float32)] * 2,
    )(acc, cnt, W_s2d, b_s2d, W_d2s, b_d2s)


def _mlp_body(x_ref, w1_ref, b1_ref, w2_ref, b2_ref, xself_ref):
    f32 = jnp.float32
    h = _elu(jnp.dot(x_ref[...], w1_ref[...], preferred_element_type=f32)
             + b1_ref[...])
    xself_ref[...] = _elu(
        jnp.dot(h, w2_ref[...], preferred_element_type=f32) + b2_ref[...])


def _dense_mlp(x, W1, b1, W2, b2):
    return pl.pallas_call(
        _mlp_body,
        grid=(N_PAD // _RB,),
        in_specs=[
            pl.BlockSpec((_RB, D), lambda i: (i, 0)),
            _full((D, 4 * D)), _full((1, 4 * D)), _full((4 * D, D)), _full((1, D)),
        ],
        out_specs=pl.BlockSpec((_RB, D), lambda i: (i, 0)),
        out_shape=jax.ShapeDtypeStruct((N, D), jnp.float32),
    )(x, W1, b1, W2, b2)


def kernel(x, edge_index, W_s2d, b_s2d, W_d2s, b_d2s, W1, b1, W2, b2):
    src = edge_index[0].astype(jnp.int32)
    dst = edge_index[1].astype(jnp.int32)
    pad = jnp.full((E_PAD - E,), N, jnp.int32)
    idx = jnp.stack([
        jnp.concatenate([src, pad]).reshape(ROWS, EW),
        jnp.concatenate([dst, pad]).reshape(ROWS, EW),
    ])
    xb = jnp.zeros((N_PAD, D), jnp.bfloat16)
    xb = xb.at[:N].set(x[:, _QPERM].astype(jnp.bfloat16))
    zeros = jnp.zeros((ZROWS, D), jnp.float32)
    zeros_cnt = jnp.zeros((ZROWS, CW), jnp.float32)
    x_self = _dense_mlp(x, W1, b1.reshape(1, 4 * D), W2, b2.reshape(1, D))
    acc, cnt = _sc_agg(idx, xb, zeros, zeros_cnt)
    x_in, x_out = _dense_agg(
        acc, cnt, W_s2d, b_s2d.reshape(1, D), W_d2s, b_d2s.reshape(1, D))
    return (x_in, x_out, x_self)

# --- scband reference (transcript-rebuilt; emitter-appended) ---
"""Pipeline reference for scband-dir-sage-conv-28054726378292 (READ-ONLY COPY).

The authoritative reference and input builder live on the scoring server;
editing this copy changes nothing except your own understanding.
"""

import jax, jax.numpy as jnp
import numpy as np

N_NODES = 10000
N_EDGES = 320000
D_FEAT = 128
OUT_C = 128  # assumes config.beta_on == 0


def setup_inputs(seed: int = 0) -> dict:
    key = jax.random.key(seed)
    ks = jax.random.split(key, 12)
    x = jax.random.normal(ks[0], (N_NODES, D_FEAT), dtype=jnp.float32)
    edge_index = jax.random.randint(ks[1], (2, N_EDGES), 0, N_NODES, dtype=jnp.int64)
    s = 1.0 / np.sqrt(D_FEAT)
    W_s2d = jax.random.uniform(ks[2], (D_FEAT, OUT_C), jnp.float32, -s, s)
    b_s2d = jax.random.uniform(ks[3], (OUT_C,), jnp.float32, -s, s)
    W_d2s = jax.random.uniform(ks[4], (D_FEAT, OUT_C), jnp.float32, -s, s)
    b_d2s = jax.random.uniform(ks[5], (OUT_C,), jnp.float32, -s, s)
    W1 = jax.random.uniform(ks[6], (D_FEAT, 4 * OUT_C), jnp.float32, -s, s)
    b1 = jax.random.uniform(ks[7], (4 * OUT_C,), jnp.float32, -s, s)
    s2 = 1.0 / np.sqrt(4 * OUT_C)
    W2 = jax.random.uniform(ks[8], (4 * OUT_C, OUT_C), jnp.float32, -s2, s2)
    b2 = jax.random.uniform(ks[9], (OUT_C,), jnp.float32, -s2, s2)
    return {"x": x, "edge_index": edge_index, "W_s2d": W_s2d, "b_s2d": b_s2d,
            "W_d2s": W_d2s, "b_d2s": b_d2s, "W1": W1, "b1": b1, "W2": W2, "b2": b2}


def _mean_aggregate(x, idx_from, idx_to, n):
    # gather source features, scatter-mean to destination nodes
    msg = jnp.take(x, idx_from, axis=0)
    agg = jax.ops.segment_sum(msg, idx_to, num_segments=n)
    cnt = jax.ops.segment_sum(jnp.ones((idx_from.shape[0],), dtype=x.dtype), idx_to, num_segments=n)
    return agg / jnp.clip(cnt, 1.0)[:, None]


def reference(x, edge_index, W_s2d, b_s2d, W_d2s, b_d2s, W1, b1, W2, b2):
    n = x.shape[0]
    src = edge_index[0]
    dst = edge_index[1]
    # SAGEConv flow='source_to_target', root_weight=False: mean of src neighbors at dst
    agg_in = _mean_aggregate(x, src, dst, n)
    x_in = jax.nn.elu(agg_in @ W_s2d + b_s2d)
    # SAGEConv flow='target_to_source', root_weight=False: mean of dst neighbors at src
    agg_out = _mean_aggregate(x, dst, src, n)
    x_out = jax.nn.elu(agg_out @ W_d2s + b_d2s)
    # self path (the F.dropout in the original is discarded; eval mode => identity)
    x1 = jax.nn.elu(x @ W1 + b1)
    x_self = jax.nn.elu(x1 @ W2 + b2)
    return (x_in, x_out, x_self)

if __name__ == "__main__":
    import jax
    _d = setup_inputs()
    print(jax.jit(kernel)(*tuple(_d.values())))

</pallas_src>

<mosaic_0001>
#map = affine_map<(d0, d1) -> (0, 0, 0)>
#map1 = affine_map<(d0, d1) -> (0, 0)>
module attributes {stable_mosaic.version = 14 : i64} {
  func.func @_sc_agg(%arg0: i32, %arg1: i32, %arg2: memref<2x5120x64xi32, #tpu.memory_space<hbm>>, %arg3: memref<10112x128xbf16, #tpu.memory_space<hbm>>, %arg4: memref<632x128xf32, #tpu.memory_space<hbm>>, %arg5: memref<632x16xf32, #tpu.memory_space<hbm>>, %arg6: memref<2x10112x128xf32, #tpu.memory_space<hbm>>, %arg7: memref<2x10112x16xf32, #tpu.memory_space<hbm>>, %arg8: memref<2x8x64xi32, #tpu.memory_space<vmem>>, %arg9: memref<2x8x64xi32, #tpu.memory_space<vmem>>, %arg10: memref<4x64x128xbf16, #tpu.memory_space<vmem>>, %arg11: memref<2x64x128xf32, #tpu.memory_space<vmem>>, %arg12: memref<64x16xf32, #tpu.memory_space<vmem>>, %arg13: memref<10112x128xf32, #tpu.memory_space<vmem_shared>>, %arg14: memref<10112x16xf32, #tpu.memory_space<vmem_shared>>, %arg15: memref<!tpu.dma_semaphore, #tpu.memory_space<semaphore_mem>>, %arg16: memref<!tpu.dma_semaphore, #tpu.memory_space<semaphore_mem>>, %arg17: memref<!tpu.dma_semaphore, #tpu.memory_space<semaphore_mem>>) attributes {dimension_semantics = [#tpu.dimension_semantics<core_parallel>, #tpu.dimension_semantics<subcore_parallel>], iteration_bounds = array<i64: 2, 16>, scalar_prefetch = 0 : i64, scratch_operands = 10 : i64, tpu.core_type = #tpu.core_type<sc_vector_subcore>, window_params = [{transform_indices = #map}, {transform_indices = #map1}, {transform_indices = #map1}, {transform_indices = #map1}, {transform_indices = #map}, {transform_indices = #map}]} {
    %mul3A = arith.constant 632 : i32
    %mul3A_0 = arith.muli %arg1, %mul3A : i32
    "tpu.region"() ({
      %run_scoped3A_93 = tpu.sem_alloc : memref<!tpu.dma_semaphore, #tpu.memory_space<semaphore_mem>>
      %dma_start3A_94 = arith.constant 0 : i32
      %dma_start3A_95 = tpu.memref_slice %arg13[%mul3A_0, %dma_start3A_94] : memref<10112x128xf32, #tpu.memory_space<vmem_shared>> -> memref<632x128xf32, #tpu.memory_space<vmem_shared>>
      tpu.enqueue_dma source(%arg4 : memref<632x128xf32, #tpu.memory_space<hbm>>) target(%dma_start3A_95 : memref<632x128xf32, #tpu.memory_space<vmem_shared>>) target_semaphore(%run_scoped3A_93 : memref<!tpu.dma_semaphore, #tpu.memory_space<semaphore_mem>>)
      %dma_wait3A_96 = arith.constant 0 : i32
      %dma_wait3A_97 = tpu.memref_slice %arg13[%mul3A_0, %dma_wait3A_96] : memref<10112x128xf32, #tpu.memory_space<vmem_shared>> -> memref<632x128xf32, #tpu.memory_space<vmem_shared>>
      tpu.wait_dma2 semaphore(%run_scoped3A_93 : memref<!tpu.dma_semaphore, #tpu.memory_space<semaphore_mem>>) src(%arg4 : memref<632x128xf32, #tpu.memory_space<hbm>>) dst(%dma_wait3A_97 : memref<632x128xf32, #tpu.memory_space<vmem_shared>>)
      tpu.yield
    }) : () -> ()
    %mul3A_1 = arith.constant 632 : i32
    %mul3A_2 = arith.muli %arg1, %mul3A_1 : i32
    "tpu.region"() ({
      %run_scoped3A_93 = tpu.sem_alloc : memref<!tpu.dma_semaphore, #tpu.memory_space<semaphore_mem>>
      %dma_start3A_94 = arith.constant 0 : i32
      %dma_start3A_95 = tpu.memref_slice %arg14[%mul3A_2, %dma_start3A_94] : memref<10112x16xf32, #tpu.memory_space<vmem_shared>> -> memref<632x16xf32, #tpu.memory_space<vmem_shared>>
      tpu.enqueue_dma source(%arg5 : memref<632x16xf32, #tpu.memory_space<hbm>>) target(%dma_start3A_95 : memref<632x16xf32, #tpu.memory_space<vmem_shared>>) target_semaphore(%run_scoped3A_93 : memref<!tpu.dma_semaphore, #tpu.memory_space<semaphore_mem>>)
      %dma_wait3A_96 = arith.constant 0 : i32
      %dma_wait3A_97 = tpu.memref_slice %arg14[%mul3A_2, %dma_wait3A_96] : memref<10112x16xf32, #tpu.memory_space<vmem_shared>> -> memref<632x16xf32, #tpu.memory_space<vmem_shared>>
      tpu.wait_dma2 semaphore(%run_scoped3A_93 : memref<!tpu.dma_semaphore, #tpu.memory_space<semaphore_mem>>) src(%arg5 : memref<632x16xf32, #tpu.memory_space<hbm>>) dst(%dma_wait3A_97 : memref<632x16xf32, #tpu.memory_space<vmem_shared>>)
      tpu.yield
    }) : () -> ()
    %scan3A = arith.constant 0 : i32
    %scan3A_3 = arith.constant 0 : i32
    %scan3A_4 = arith.constant 64 : i32
    %scan3A_5 = arith.addi %scan3A_3, %scan3A_4 : i32
    %scan3A_6 = arith.constant 1 : i32
    scf.for %scan3A_93 = %scan3A_3 to %scan3A_5 step %scan3A_6  : i32 {
      %broadcast_in_dim3A = arith.constant 1.000000e+00 : f32
      %broadcast_in_dim3A_94 = vector.broadcast %broadcast_in_dim3A : f32 to vector<16xf32>
      %swap3A = arith.index_cast %scan3A_93 : i32 to index
      %swap3A_95 = arith.constant 0 : index
      %swap3A_96 = tpu.vector_load %arg12[%swap3A, %swap3A_95] {strides = array<i32>} : memref<64x16xf32, #tpu.memory_space<vmem>>, vector<16xf32>,
      tpu.vector_store %arg12[%swap3A, %swap3A_95], %broadcast_in_dim3A_94 {strides = array<i32>} : memref<64x16xf32, #tpu.memory_space<vmem>>, vector<16xf32>,
    }
    %scan3A_7 = arith.constant 64 : i32
    %barrier3A = arith.constant 0 : index
    tpu.barrier barrier_id(%barrier3A)
    %mul3A_8 = arith.constant 320 : i32
    %mul3A_9 = arith.muli %arg1, %mul3A_8 : i32
    %run_scoped3A = arith.constant 0 : i32
    "tpu.region"() ({
      %run_scoped3A_93 = tpu.sem_alloc : memref<!tpu.dma_semaphore, #tpu.memory_space<semaphore_mem>>
      %dma_start3A_94 = arith.constant 0 : i32
      %dma_start3A_95 = arith.constant 0 : i32
      %dma_start3A_96 = tpu.memref_slice %arg8[%run_scoped3A, %dma_start3A_94, %dma_start3A_95] : memref<2x8x64xi32, #tpu.memory_space<vmem>> -> memref<1x8x64xi32, #tpu.memory_space<vmem>>
      %dma_start3A_97 = tpu.memref_squeeze %dma_start3A_96 : memref<1x8x64xi32, #tpu.memory_space<vmem>> -> memref<8x64xi32, #tpu.memory_space<vmem>>
      %dma_start3A_98 = arith.constant 0 : i32
      %dma_start3A_99 = tpu.memref_slice %arg2[%arg0, %mul3A_9, %dma_start3A_98] : memref<2x5120x64xi32, #tpu.memory_space<hbm>> -> memref<1x8x64xi32, #tpu.memory_space<hbm>>
      %dma_start3A_100 = tpu.memref_squeeze %dma_start3A_99 : memref<1x8x64xi32, #tpu.memory_space<hbm>> -> memref<8x64xi32, #tpu.memory_space<hbm>>
      %dma_start3A_101 = arith.constant 0 : i32
      %dma_start3A_102 = arith.constant 0 : i32
      %dma_start3A_103 = tpu.memref_slice %arg8[%run_scoped3A, %dma_start3A_101, %dma_start3A_102] : memref<2x8x64xi32, #tpu.memory_space<vmem>> -> memref<1x8x64xi32, #tpu.memory_space<vmem>>
      %dma_start3A_104 = tpu.memref_squeeze %dma_start3A_103 : memref<1x8x64xi32, #tpu.memory_space<vmem>> -> memref<8x64xi32, #tpu.memory_space<vmem>>
      %dma_start3A_105 = arith.constant 0 : i32
      %dma_start3A_106 = tpu.memref_slice %arg2[%arg0, %mul3A_9, %dma_start3A_105] : memref<2x5120x64xi32, #tpu.memory_space<hbm>> -> memref<1x8x64xi32, #tpu.memory_space<hbm>>
      %dma_start3A_107 = tpu.memref_squeeze %dma_start3A_106 : memref<1x8x64xi32, #tpu.memory_space<hbm>> -> memref<8x64xi32, #tpu.memory_space<hbm>>
      tpu.enqueue_dma source(%dma_start3A_107 : memref<8x64xi32, #tpu.memory_space<hbm>>) target(%dma_start3A_104 : memref<8x64xi32, #tpu.memory_space<vmem>>) target_semaphore(%run_scoped3A_93 : memref<!tpu.dma_semaphore, #tpu.memory_space<semaphore_mem>>)
      %dma_wait3A_108 = arith.constant 0 : i32
      %dma_wait3A_109 = arith.constant 0 : i32
      %dma_wait3A_110 = tpu.memref_slice %arg8[%run_scoped3A, %dma_wait3A_108, %dma_wait3A_109] : memref<2x8x64xi32, #tpu.memory_space<vmem>> -> memref<1x8x64xi32, #tpu.memory_space<vmem>>
      %dma_wait3A_111 = tpu.memref_squeeze %dma_wait3A_110 : memref<1x8x64xi32, #tpu.memory_space<vmem>> -> memref<8x64xi32, #tpu.memory_space<vmem>>
      %dma_wait3A_112 = arith.constant 0 : i32
      %dma_wait3A_113 = tpu.memref_slice %arg2[%arg0, %mul3A_9, %dma_wait3A_112] : memref<2x5120x64xi32, #tpu.memory_space<hbm>> -> memref<1x8x64xi32, #tpu.memory_space<hbm>>
      %dma_wait3A_114 = tpu.memref_squeeze %dma_wait3A_113 : memref<1x8x64xi32, #tpu.memory_space<hbm>> -> memref<8x64xi32, #tpu.memory_space<hbm>>
      %dma_wait3A_115 = arith.constant 0 : i32
      %dma_wait3A_116 = arith.constant 0 : i32
      %dma_wait3A_117 = tpu.memref_slice %arg8[%run_scoped3A, %dma_wait3A_115, %dma_wait3A_116] : memref<2x8x64xi32, #tpu.memory_space<vmem>> -> memref<1x8x64xi32, #tpu.memory_space<vmem>>
      %dma_wait3A_118 = tpu.memref_squeeze %dma_wait3A_117 : memref<1x8x64xi32, #tpu.memory_space<vmem>> -> memref<8x64xi32, #tpu.memory_space<vmem>>
      %dma_wait3A_119 = arith.constant 0 : i32
      %dma_wait3A_120 = tpu.memref_slice %arg2[%arg0, %mul3A_9, %dma_wait3A_119] : memref<2x5120x64xi32, #tpu.memory_space<hbm>> -> memref<1x8x64xi32, #tpu.memory_space<hbm>>
      %dma_wait3A_121 = tpu.memref_squeeze %dma_wait3A_120 : memref<1x8x64xi32, #tpu.memory_space<hbm>> -> memref<8x64xi32, #tpu.memory_space<hbm>>
      tpu.wait_dma2 semaphore(%run_scoped3A_93 : memref<!tpu.dma_semaphore, #tpu.memory_space<semaphore_mem>>) src(%dma_wait3A_121 : memref<8x64xi32, #tpu.memory_space<hbm>>) dst(%dma_wait3A_118 : memref<8x64xi32, #tpu.memory_space<vmem>>)
      tpu.yield
    }) : () -> ()
    %sub3A = arith.constant 1 : i32
    %sub3A_10 = arith.subi %sub3A, %arg0 : i32
    %run_scoped3A_11 = arith.constant 0 : i32
    "tpu.region"() ({
      %run_scoped3A_93 = tpu.sem_alloc : memref<!tpu.dma_semaphore, #tpu.memory_space<semaphore_mem>>
      %dma_start3A_94 = arith.constant 0 : i32
      %dma_start3A_95 = arith.constant 0 : i32
      %dma_start3A_96 = tpu.memref_slice %arg9[%run_scoped3A_11, %dma_start3A_94, %dma_start3A_95] : memref<2x8x64xi32, #tpu.memory_space<vmem>> -> memref<1x8x64xi32, #tpu.memory_space<vmem>>
      %dma_start3A_97 = tpu.memref_squeeze %dma_start3A_96 : memref<1x8x64xi32, #tpu.memory_space<vmem>> -> memref<8x64xi32, #tpu.memory_space<vmem>>
      %dma_start3A_98 = arith.constant 0 : i32
      %dma_start3A_99 = tpu.memref_slice %arg2[%sub3A_10, %mul3A_9, %dma_start3A_98] : memref<2x5120x64xi32, #tpu.memory_space<hbm>> -> memref<1x8x64xi32, #tpu.memory_space<hbm>>
      %dma_start3A_100 = tpu.memref_squeeze %dma_start3A_99 : memref<1x8x64xi32, #tpu.memory_space<hbm>> -> memref<8x64xi32, #tpu.memory_space<hbm>>
      %dma_start3A_101 = arith.constant 0 : i32
      %dma_start3A_102 = arith.constant 0 : i32
      %dma_start3A_103 = tpu.memref_slice %arg9[%run_scoped3A_11, %dma_start3A_101, %dma_start3A_102] : memref<2x8x64xi32, #tpu.memory_space<vmem>> -> memref<1x8x64xi32, #tpu.memory_space<vmem>>
      %dma_start3A_104 = tpu.memref_squeeze %dma_start3A_103 : memref<1x8x64xi32, #tpu.memory_space<vmem>> -> memref<8x64xi32, #tpu.memory_space<vmem>>
      %dma_start3A_105 = arith.constant 0 : i32
      %dma_start3A_106 = tpu.memref_slice %arg2[%sub3A_10, %mul3A_9, %dma_start3A_105] : memref<2x5120x64xi32, #tpu.memory_space<hbm>> -> memref<1x8x64xi32, #tpu.memory_space<hbm>>
      %dma_start3A_107 = tpu.memref_squeeze %dma_start3A_106 : memref<1x8x64xi32, #tpu.memory_space<hbm>> -> memref<8x64xi32, #tpu.memory_space<hbm>>
      tpu.enqueue_dma source(%dma_start3A_107 : memref<8x64xi32, #tpu.memory_space<hbm>>) target(%dma_start3A_104 : memref<8x64xi32, #tpu.memory_space<vmem>>) target_semaphore(%run_scoped3A_93 : memref<!tpu.dma_semaphore, #tpu.memory_space<semaphore_mem>>)
      %dma_wait3A_108 = arith.constant 0 : i32
      %dma_wait3A_109 = arith.constant 0 : i32
      %dma_wait3A_110 = tpu.memref_slice %arg9[%run_scoped3A_11, %dma_wait3A_108, %dma_wait3A_109] : memref<2x8x64xi32, #tpu.memory_space<vmem>> -> memref<1x8x64xi32, #tpu.memory_space<vmem>>
      %dma_wait3A_111 = tpu.memref_squeeze %dma_wait3A_110 : memref<1x8x64xi32, #tpu.memory_space<vmem>> -> memref<8x64xi32, #tpu.memory_space<vmem>>
      %dma_wait3A_112 = arith.constant 0 : i32
      %dma_wait3A_113 = tpu.memref_slice %arg2[%sub3A_10, %mul3A_9, %dma_wait3A_112] : memref<2x5120x64xi32, #tpu.memory_space<hbm>> -> memref<1x8x64xi32, #tpu.memory_space<hbm>>
      %dma_wait3A_114 = tpu.memref_squeeze %dma_wait3A_113 : memref<1x8x64xi32, #tpu.memory_space<hbm>> -> memref<8x64xi32, #tpu.memory_space<hbm>>
      %dma_wait3A_115 = arith.constant 0 : i32
      %dma_wait3A_116 = arith.constant 0 : i32
      %dma_wait3A_117 = tpu.memref_slice %arg9[%run_scoped3A_11, %dma_wait3A_115, %dma_wait3A_116] : memref<2x8x64xi32, #tpu.memory_space<vmem>> -> memref<1x8x64xi32, #tpu.memory_space<vmem>>
      %dma_wait3A_118 = tpu.memref_squeeze %dma_wait3A_117 : memref<1x8x64xi32, #tpu.memory_space<vmem>> -> memref<8x64xi32, #tpu.memory_space<vmem>>
      %dma_wait3A_119 = arith.constant 0 : i32
      %dma_wait3A_120 = tpu.memref_slice %arg2[%sub3A_10, %mul3A_9, %dma_wait3A_119] : memref<2x5120x64xi32, #tpu.memory_space<hbm>> -> memref<1x8x64xi32, #tpu.memory_space<hbm>>
      %dma_wait3A_121 = tpu.memref_squeeze %dma_wait3A_120 : memref<1x8x64xi32, #tpu.memory_space<hbm>> -> memref<8x64xi32, #tpu.memory_space<hbm>>
      tpu.wait_dma2 semaphore(%run_scoped3A_93 : memref<!tpu.dma_semaphore, #tpu.memory_space<semaphore_mem>>) src(%dma_wait3A_121 : memref<8x64xi32, #tpu.memory_space<hbm>>) dst(%dma_wait3A_118 : memref<8x64xi32, #tpu.memory_space<vmem>>)
      tpu.yield
    }) : () -> ()
    %dma_start3A = arith.constant 0 : i32
    %dma_start3A_12 = arith.constant 0 : i32
    %dma_start3A_13 = arith.constant 0 : i32
    %dma_start3A_14 = arith.constant 0 : i32
    %dma_start3A_15 = arith.constant 0 : i32
    %dma_start3A_16 = tpu.memref_slice %arg10[%dma_start3A_13, %dma_start3A_14, %dma_start3A_15] : memref<4x64x128xbf16, #tpu.memory_space<vmem>> -> memref<1x64x128xbf16, #tpu.memory_space<vmem>>
    %dma_start3A_17 = tpu.memref_squeeze %dma_start3A_16 : memref<1x64x128xbf16, #tpu.memory_space<vmem>> -> memref<64x128xbf16, #tpu.memory_space<vmem>>
    %dma_start3A_18 = arith.constant 0 : i32
    %dma_start3A_19 = tpu.memref_slice %arg8[%dma_start3A, %dma_start3A_12, %dma_start3A_18] : memref<2x8x64xi32, #tpu.memory_space<vmem>> -> memref<1x1x64xi32, #tpu.memory_space<vmem>>
    %dma_start3A_20 = tpu.memref_squeeze %dma_start3A_19 : memref<1x1x64xi32, #tpu.memory_space<vmem>> -> memref<64xi32, #tpu.memory_space<vmem>>
    %dma_start3A_21 = arith.constant 0 : i32
    %dma_start3A_22 = arith.constant 0 : i32
    %dma_start3A_23 = tpu.memref_slice %arg3[%dma_start3A_21, %dma_start3A_22] : memref<10112x128xbf16, #tpu.memory_space<hbm>> -> memref<10112x128xbf16, #tpu.memory_space<hbm>>
    tpu.enqueue_indirect_dma source(%dma_start3A_23 : memref<10112x128xbf16, #tpu.memory_space<hbm>>) target(%dma_start3A_17 : memref<64x128xbf16, #tpu.memory_space<vmem>>) offsets(%dma_start3A_20 : memref<64xi32, #tpu.memory_space<vmem>>) semaphore(%arg15 : memref<!tpu.dma_semaphore, #tpu.memory_space<semaphore_mem>>)
    %dma_start3A_24 = arith.constant 0 : i32
    %dma_start3A_25 = arith.constant 1 : i32
    %dma_start3A_26 = arith.constant 1 : i32
    %dma_start3A_27 = arith.constant 0 : i32
    %dma_start3A_28 = arith.constant 0 : i32
    %dma_start3A_29 = tpu.memref_slice %arg10[%dma_start3A_26, %dma_start3A_27, %dma_start3A_28] : memref<4x64x128xbf16, #tpu.memory_space<vmem>> -> memref<1x64x128xbf16, #tpu.memory_space<vmem>>
    %dma_start3A_30 = tpu.memref_squeeze %dma_start3A_29 : memref<1x64x128xbf16, #tpu.memory_space<vmem>> -> memref<64x128xbf16, #tpu.memory_space<vmem>>
    %dma_start3A_31 = arith.constant 0 : i32
    %dma_start3A_32 = tpu.memref_slice %arg8[%dma_start3A_24, %dma_start3A_25, %dma_start3A_31] : memref<2x8x64xi32, #tpu.memory_space<vmem>> -> memref<1x1x64xi32, #tpu.memory_space<vmem>>
    %dma_start3A_33 = tpu.memref_squeeze %dma_start3A_32 : memref<1x1x64xi32, #tpu.memory_space<vmem>> -> memref<64xi32, #tpu.memory_space<vmem>>
    %dma_start3A_34 = arith.constant 0 : i32
    %dma_start3A_35 = arith.constant 0 : i32
    %dma_start3A_36 = tpu.memref_slice %arg3[%dma_start3A_34, %dma_start3A_35] : memref<10112x128xbf16, #tpu.memory_space<hbm>> -> memref<10112x128xbf16, #tpu.memory_space<hbm>>
    tpu.enqueue_indirect_dma source(%dma_start3A_36 : memref<10112x128xbf16, #tpu.memory_space<hbm>>) target(%dma_start3A_30 : memref<64x128xbf16, #tpu.memory_space<vmem>>) offsets(%dma_start3A_33 : memref<64xi32, #tpu.memory_space<vmem>>) semaphore(%arg15 : memref<!tpu.dma_semaphore, #tpu.memory_space<semaphore_mem>>)
    %scan3A_37 = arith.constant 0 : i32
    %scan3A_38 = arith.constant 0 : i32
    %scan3A_39 = arith.constant 40 : i32
    %scan3A_40 = arith.addi %scan3A_38, %scan3A_39 : i32
    %scan3A_41 = arith.constant 1 : i32
    scf.for %scan3A_93 = %scan3A_38 to %scan3A_40 step %scan3A_41  : i32 {
      %rem3A = arith.constant 2 : i32
      %rem3A_94 = arith.remsi %scan3A_93, %rem3A : i32
      %sub3A_95 = arith.constant 1 : i32
      %sub3A_96 = arith.subi %sub3A_95, %rem3A_94 : i32
      %mul3A_97 = arith.constant 320 : i32
      %mul3A_98 = arith.muli %arg1, %mul3A_97 : i32
      %add3A = arith.constant 1 : i32
      %add3A_99 = arith.addi %scan3A_93, %add3A : i32
      %mul3A_100 = arith.constant 8 : i32
      %mul3A_101 = arith.muli %add3A_99, %mul3A_100 : i32
      %add3A_102 = arith.addi %mul3A_98, %mul3A_101 : i32
      %add3A_103 = arith.constant 1 : i32
      %add3A_104 = arith.addi %scan3A_93, %add3A_103 : i32
      %lt3A = arith.constant 40 : i32
      %lt3A_105 = arith.cmpi slt, %add3A_104, %lt3A : i32
      %convert_element_type3A = arith.extui %lt3A_105 : i1 to i32
      %cond3A = arith.constant 0 : i32
      %cond3A_106 = arith.cmpi ne, %convert_element_type3A, %cond3A : i32
      scf.if %cond3A_106 {
        %dma_start3A_612 = arith.constant 0 : i32
        %dma_start3A_613 = arith.constant 0 : i32
        %dma_start3A_614 = tpu.memref_slice %arg8[%sub3A_96, %dma_start3A_612, %dma_start3A_613] : memref<2x8x64xi32, #tpu.memory_space<vmem>> -> memref<1x8x64xi32, #tpu.memory_space<vmem>>
        %dma_start3A_615 = tpu.memref_squeeze %dma_start3A_614 : memref<1x8x64xi32, #tpu.memory_space<vmem>> -> memref<8x64xi32, #tpu.memory_space<vmem>>
        %dma_start3A_616 = arith.constant 0 : i32
        %dma_start3A_617 = tpu.memref_slice %arg2[%arg0, %add3A_102, %dma_start3A_616] : memref<2x5120x64xi32, #tpu.memory_space<hbm>> -> memref<1x8x64xi32, #tpu.memory_space<hbm>>
        %dma_start3A_618 = tpu.memref_squeeze %dma_start3A_617 : memref<1x8x64xi32, #tpu.memory_space<hbm>> -> memref<8x64xi32, #tpu.memory_space<hbm>>
        %dma_start3A_619 = arith.constant 0 : i32
        %dma_start3A_620 = arith.constant 0 : i32
        %dma_start3A_621 = tpu.memref_slice %arg8[%sub3A_96, %dma_start3A_619, %dma_start3A_620] : memref<2x8x64xi32, #tpu.memory_space<vmem>> -> memref<1x8x64xi32, #tpu.memory_space<vmem>>
        %dma_start3A_622 = tpu.memref_squeeze %dma_start3A_621 : memref<1x8x64xi32, #tpu.memory_space<vmem>> -> memref<8x64xi32, #tpu.memory_space<vmem>>
        %dma_start3A_623 = arith.constant 0 : i32
        %dma_start3A_624 = tpu.memref_slice %arg2[%arg0, %add3A_102, %dma_start3A_623] : memref<2x5120x64xi32, #tpu.memory_space<hbm>> -> memref<1x8x64xi32, #tpu.memory_space<hbm>>
        %dma_start3A_625 = tpu.memref_squeeze %dma_start3A_624 : memref<1x8x64xi32, #tpu.memory_space<hbm>> -> memref<8x64xi32, #tpu.memory_space<hbm>>
        tpu.enqueue_dma source(%dma_start3A_625 : memref<8x64xi32, #tpu.memory_space<hbm>>) target(%dma_start3A_622 : memref<8x64xi32, #tpu.memory_space<vmem>>) target_semaphore(%arg17 : memref<!tpu.dma_semaphore, #tpu.memory_space<semaphore_mem>>)
        %sub3A_626 = arith.constant 1 : i32
        %sub3A_627 = arith.subi %sub3A_626, %arg0 : i32
        %dma_start3A_628 = arith.constant 0 : i32
        %dma_start3A_629 = arith.constant 0 : i32
        %dma_start3A_630 = tpu.memref_slice %arg9[%sub3A_96, %dma_start3A_628, %dma_start3A_629] : memref<2x8x64xi32, #tpu.memory_space<vmem>> -> memref<1x8x64xi32, #tpu.memory_space<vmem>>
        %dma_start3A_631 = tpu.memref_squeeze %dma_start3A_630 : memref<1x8x64xi32, #tpu.memory_space<vmem>> -> memref<8x64xi32, #tpu.memory_space<vmem>>
        %dma_start3A_632 = arith.constant 0 : i32
        %dma_start3A_633 = tpu.memref_slice %arg2[%sub3A_627, %add3A_102, %dma_start3A_632] : memref<2x5120x64xi32, #tpu.memory_space<hbm>> -> memref<1x8x64xi32, #tpu.memory_space<hbm>>
        %dma_start3A_634 = tpu.memref_squeeze %dma_start3A_633 : memref<1x8x64xi32, #tpu.memory_space<hbm>> -> memref<8x64xi32, #tpu.memory_space<hbm>>
        %dma_start3A_635 = arith.constant 0 : i32
        %dma_start3A_636 = arith.constant 0 : i32
        %dma_start3A_637 = tpu.memref_slice %arg9[%sub3A_96, %dma_start3A_635, %dma_start3A_636] : memref<2x8x64xi32, #tpu.memory_space<vmem>> -> memref<1x8x64xi32, #tpu.memory_space<vmem>>
        %dma_start3A_638 = tpu.memref_squeeze %dma_start3A_637 : memref<1x8x64xi32, #tpu.memory_space<vmem>> -> memref<8x64xi32, #tpu.memory_space<vmem>>
        %dma_start3A_639 = arith.constant 0 : i32
        %dma_start3A_640 = tpu.memref_slice %arg2[%sub3A_627, %add3A_102, %dma_start3A_639] : memref<2x5120x64xi32, #tpu.memory_space<hbm>> -> memref<1x8x64xi32, #tpu.memory_space<hbm>>
        %dma_start3A_641 = tpu.memref_squeeze %dma_start3A_640 : memref<1x8x64xi32, #tpu.memory_space<hbm>> -> memref<8x64xi32, #tpu.memory_space<hbm>>
        tpu.enqueue_dma source(%dma_start3A_641 : memref<8x64xi32, #tpu.memory_space<hbm>>) target(%dma_start3A_638 : memref<8x64xi32, #tpu.memory_space<vmem>>) target_semaphore(%arg17 : memref<!tpu.dma_semaphore, #tpu.memory_space<semaphore_mem>>)
      } else {
      }
      %dma_wait3A_107 = arith.constant 0 : i32
      %dma_wait3A_108 = arith.constant 0 : i32
      %dma_wait3A_109 = arith.constant 0 : i32
      %dma_wait3A_110 = arith.constant 0 : i32
      %dma_wait3A_111 = tpu.memref_slice %arg10[%dma_wait3A_108, %dma_wait3A_109, %dma_wait3A_110] : memref<4x64x128xbf16, #tpu.memory_space<vmem>> -> memref<1x64x128xbf16, #tpu.memory_space<vmem>>
      %dma_wait3A_112 = tpu.memref_squeeze %dma_wait3A_111 : memref<1x64x128xbf16, #tpu.memory_space<vmem>> -> memref<64x128xbf16, #tpu.memory_space<vmem>>
      %dma_wait3A_113 = arith.constant 0 : i32
      %dma_wait3A_114 = tpu.memref_slice %arg8[%rem3A_94, %dma_wait3A_107, %dma_wait3A_113] : memref<2x8x64xi32, #tpu.memory_space<vmem>> -> memref<1x1x64xi32, #tpu.memory_space<vmem>>
      %dma_wait3A_115 = tpu.memref_squeeze %dma_wait3A_114 : memref<1x1x64xi32, #tpu.memory_space<vmem>> -> memref<64xi32, #tpu.memory_space<vmem>>
      %dma_wait3A_116 = arith.constant 0 : i32
      %dma_wait3A_117 = arith.constant 0 : i32
      %dma_wait3A_118 = tpu.memref_slice %arg3[%dma_wait3A_116, %dma_wait3A_117] : memref<10112x128xbf16, #tpu.memory_space<hbm>> -> memref<10112x128xbf16, #tpu.memory_space<hbm>>
      tpu.wait_indirect_dma semaphore(%arg15 : memref<!tpu.dma_semaphore, #tpu.memory_space<semaphore_mem>>) src(%dma_wait3A_118 : memref<10112x128xbf16, #tpu.memory_space<hbm>>) dst(%dma_wait3A_112 : memref<64x128xbf16, #tpu.memory_space<vmem>>)
      %dma_start3A_119 = arith.constant 2 : i32
      %dma_start3A_120 = arith.constant 2 : i32
      %dma_start3A_121 = arith.constant 0 : i32
      %dma_start3A_122 = arith.constant 0 : i32
      %dma_start3A_123 = tpu.memref_slice %arg10[%dma_start3A_120, %dma_start3A_121, %dma_start3A_122] : memref<4x64x128xbf16, #tpu.memory_space<vmem>> -> memref<1x64x128xbf16, #tpu.memory_space<vmem>>
      %dma_start3A_124 = tpu.memref_squeeze %dma_start3A_123 : memref<1x64x128xbf16, #tpu.memory_space<vmem>> -> memref<64x128xbf16, #tpu.memory_space<vmem>>
      %dma_start3A_125 = arith.constant 0 : i32
      %dma_start3A_126 = tpu.memref_slice %arg8[%rem3A_94, %dma_start3A_119, %dma_start3A_125] : memref<2x8x64xi32, #tpu.memory_space<vmem>> -> memref<1x1x64xi32, #tpu.memory_space<vmem>>
      %dma_start3A_127 = tpu.memref_squeeze %dma_start3A_126 : memref<1x1x64xi32, #tpu.memory_space<vmem>> -> memref<64xi32, #tpu.memory_space<vmem>>
      %dma_start3A_128 = arith.constant 0 : i32
      %dma_start3A_129 = arith.constant 0 : i32
      %dma_start3A_130 = tpu.memref_slice %arg3[%dma_start3A_128, %dma_start3A_129] : memref<10112x128xbf16, #tpu.memory_space<hbm>> -> memref<10112x128xbf16, #tpu.memory_space<hbm>>
      tpu.enqueue_indirect_dma source(%dma_start3A_130 : memref<10112x128xbf16, #tpu.memory_space<hbm>>) target(%dma_start3A_124 : memref<64x128xbf16, #tpu.memory_space<vmem>>) offsets(%dma_start3A_127 : memref<64xi32, #tpu.memory_space<vmem>>) semaphore(%arg15 : memref<!tpu.dma_semaphore, #tpu.memory_space<semaphore_mem>>)
      %gt3A = arith.constant 0 : i32
      %gt3A_131 = arith.cmpi sgt, %scan3A_93, %gt3A : i32
      %convert_element_type3A_132 = arith.extui %gt3A_131 : i1 to i32
      %cond3A_133 = arith.constant 0 : i32
      %cond3A_134 = arith.cmpi ne, %convert_element_type3A_132, %cond3A_133 : i32
      scf.if %cond3A_134 {
        %dma_wait3A_612 = arith.constant 0 : i32
        %dma_wait3A_613 = arith.constant 0 : i32
        %dma_wait3A_614 = arith.constant 0 : i32
        %dma_wait3A_615 = arith.constant 0 : i32
        %dma_wait3A_616 = tpu.memref_slice %arg11[%dma_wait3A_612, %dma_wait3A_614, %dma_wait3A_615] : memref<2x64x128xf32, #tpu.memory_space<vmem>> -> memref<1x64x128xf32, #tpu.memory_space<vmem>>
        %dma_wait3A_617 = tpu.memref_squeeze %dma_wait3A_616 : memref<1x64x128xf32, #tpu.memory_space<vmem>> -> memref<64x128xf32, #tpu.memory_space<vmem>>
        %dma_wait3A_618 = arith.constant 0 : i32
        %dma_wait3A_619 = tpu.memref_slice %arg9[%rem3A_94, %dma_wait3A_613, %dma_wait3A_618] : memref<2x8x64xi32, #tpu.memory_space<vmem>> -> memref<1x1x64xi32, #tpu.memory_space<vmem>>
        %dma_wait3A_620 = tpu.memref_squeeze %dma_wait3A_619 : memref<1x1x64xi32, #tpu.memory_space<vmem>> -> memref<64xi32, #tpu.memory_space<vmem>>
        %dma_wait3A_621 = arith.constant 0 : i32
        %dma_wait3A_622 = arith.constant 0 : i32
        %dma_wait3A_623 = tpu.memref_slice %arg13[%dma_wait3A_621, %dma_wait3A_622] : memref<10112x128xf32, #tpu.memory_space<vmem_shared>> -> memref<10112x128xf32, #tpu.memory_space<vmem_shared>>
        tpu.wait_indirect_dma semaphore(%arg16 : memref<!tpu.dma_semaphore, #tpu.memory_space<semaphore_mem>>) src(%dma_wait3A_617 : memref<64x128xf32, #tpu.memory_space<vmem>>) dst(%dma_wait3A_623 : memref<10112x128xf32, #tpu.memory_space<vmem_shared>>)
        %dma_wait3A_624 = arith.constant 0 : i32
        %dma_wait3A_625 = arith.constant 0 : i32
        %dma_wait3A_626 = tpu.memref_slice %arg9[%rem3A_94, %dma_wait3A_624, %dma_wait3A_625] : memref<2x8x64xi32, #tpu.memory_space<vmem>> -> memref<1x1x64xi32, #tpu.memory_space<vmem>>
        %dma_wait3A_627 = tpu.memref_squeeze %dma_wait3A_626 : memref<1x1x64xi32, #tpu.memory_space<vmem>> -> memref<64xi32, #tpu.memory_space<vmem>>
        %dma_wait3A_628 = arith.constant 0 : i32
        %dma_wait3A_629 = arith.constant 0 : i32
        %dma_wait3A_630 = tpu.memref_slice %arg14[%dma_wait3A_628, %dma_wait3A_629] : memref<10112x16xf32, #tpu.memory_space<vmem_shared>> -> memref<10112x16xf32, #tpu.memory_space<vmem_shared>>
        tpu.wait_indirect_dma semaphore(%arg16 : memref<!tpu.dma_semaphore, #tpu.memory_space<semaphore_mem>>) src(%arg12 : memref<64x16xf32, #tpu.memory_space<vmem>>) dst(%dma_wait3A_630 : memref<10112x16xf32, #tpu.memory_space<vmem_shared>>)
      } else {
      }
      %scan3A_135 = arith.constant 0 : i32
      %scan3A_136 = arith.constant 0 : i32
      %scan3A_137 = arith.constant 64 : i32
      %scan3A_138 = arith.addi %scan3A_136, %scan3A_137 : i32
      %scan3A_139 = arith.constant 1 : i32
      scf.for %scan3A_612 = %scan3A_136 to %scan3A_138 step %scan3A_139  : i32 {
        %get3A = arith.constant 0 : i32
        %get3A_613 = arith.index_cast %get3A : i32 to index
        %get3A_614 = arith.index_cast %scan3A_612 : i32 to index
        %get3A_615 = arith.constant 0 : index
        %get3A_616 = tpu.vector_load %arg10[%get3A_613, %get3A_614, %get3A_615] {strides = array<i32>} : memref<4x64x128xbf16, #tpu.memory_space<vmem>>, vector<32xbf16>,
        %unpack3A = tpu.unpack_subelements %get3A_616, 0 {pack_format = #tpu.pack_format<interleaved>} : vector<32xbf16> -> vector<16xf32>
        %unpack3A_617 = tpu.unpack_subelements %get3A_616, 1 {pack_format = #tpu.pack_format<interleaved>} : vector<32xbf16> -> vector<16xf32>
        %swap3A = arith.constant 0 : i32
        %swap3A_618 = arith.index_cast %swap3A : i32 to index
        %swap3A_619 = arith.index_cast %scan3A_612 : i32 to index
        %swap3A_620 = arith.constant 0 : index
        %swap3A_621 = tpu.vector_load %arg11[%swap3A_618, %swap3A_619, %swap3A_620] {strides = array<i32>} : memref<2x64x128xf32, #tpu.memory_space<vmem>>, vector<16xf32>,
        tpu.vector_store %arg11[%swap3A_618, %swap3A_619, %swap3A_620], %unpack3A {strides = array<i32>} : memref<2x64x128xf32, #tpu.memory_space<vmem>>, vector<16xf32>,
        %swap3A_622 = arith.constant 0 : i32
        %swap3A_623 = arith.index_cast %swap3A_622 : i32 to index
        %swap3A_624 = arith.index_cast %scan3A_612 : i32 to index
        %swap3A_625 = arith.constant 16 : index
        %swap3A_626 = tpu.vector_load %arg11[%swap3A_623, %swap3A_624, %swap3A_625] {strides = array<i32>} : memref<2x64x128xf32, #tpu.memory_space<vmem>>, vector<16xf32>,
        tpu.vector_store %arg11[%swap3A_623, %swap3A_624, %swap3A_625], %unpack3A_617 {strides = array<i32>} : memref<2x64x128xf32, #tpu.memory_space<vmem>>, vector<16xf32>,
        %get3A_627 = arith.constant 0 : i32
        %get3A_628 = arith.index_cast %get3A_627 : i32 to index
        %get3A_629 = arith.index_cast %scan3A_612 : i32 to index
        %get3A_630 = arith.constant 32 : index
        %get3A_631 = tpu.vector_load %arg10[%get3A_628, %get3A_629, %get3A_630] {strides = array<i32>} : memref<4x64x128xbf16, #tpu.memory_space<vmem>>, vector<32xbf16>,
        %unpack3A_632 = tpu.unpack_subelements %get3A_631, 0 {pack_format = #tpu.pack_format<interleaved>} : vector<32xbf16> -> vector<16xf32>
        %unpack3A_633 = tpu.unpack_subelements %get3A_631, 1 {pack_format = #tpu.pack_format<interleaved>} : vector<32xbf16> -> vector<16xf32>
        %swap3A_634 = arith.constant 0 : i32
        %swap3A_635 = arith.index_cast %swap3A_634 : i32 to index
        %swap3A_636 = arith.index_cast %scan3A_612 : i32 to index
        %swap3A_637 = arith.constant 32 : index
        %swap3A_638 = tpu.vector_load %arg11[%swap3A_635, %swap3A_636, %swap3A_637] {strides = array<i32>} : memref<2x64x128xf32, #tpu.memory_space<vmem>>, vector<16xf32>,
        tpu.vector_store %arg11[%swap3A_635, %swap3A_636, %swap3A_637], %unpack3A_632 {strides = array<i32>} : memref<2x64x128xf32, #tpu.memory_space<vmem>>, vector<16xf32>,
        %swap3A_639 = arith.constant 0 : i32
        %swap3A_640 = arith.index_cast %swap3A_639 : i32 to index
        %swap3A_641 = arith.index_cast %scan3A_612 : i32 to index
        %swap3A_642 = arith.constant 48 : index
        %swap3A_643 = tpu.vector_load %arg11[%swap3A_640, %swap3A_641, %swap3A_642] {strides = array<i32>} : memref<2x64x128xf32, #tpu.memory_space<vmem>>, vector<16xf32>,
        tpu.vector_store %arg11[%swap3A_640, %swap3A_641, %swap3A_642], %unpack3A_633 {strides = array<i32>} : memref<2x64x128xf32, #tpu.memory_space<vmem>>, vector<16xf32>,
        %get3A_644 = arith.constant 0 : i32
        %get3A_645 = arith.index_cast %get3A_644 : i32 to index
        %get3A_646 = arith.index_cast %scan3A_612 : i32 to index
        %get3A_647 = arith.constant 64 : index
        %get3A_648 = tpu.vector_load %arg10[%get3A_645, %get3A_646, %get3A_647] {strides = array<i32>} : memref<4x64x128xbf16, #tpu.memory_space<vmem>>, vector<32xbf16>,
        %unpack3A_649 = tpu.unpack_subelements %get3A_648, 0 {pack_format = #tpu.pack_format<interleaved>} : vector<32xbf16> -> vector<16xf32>
        %unpack3A_650 = tpu.unpack_subelements %get3A_648, 1 {pack_format = #tpu.pack_format<interleaved>} : vector<32xbf16> -> vector<16xf32>
        %swap3A_651 = arith.constant 0 : i32
        %swap3A_652 = arith.index_cast %swap3A_651 : i32 to index
        %swap3A_653 = arith.index_cast %scan3A_612 : i32 to index
        %swap3A_654 = arith.constant 64 : index
        %swap3A_655 = tpu.vector_load %arg11[%swap3A_652, %swap3A_653, %swap3A_654] {strides = array<i32>} : memref<2x64x128xf32, #tpu.memory_space<vmem>>, vector<16xf32>,
        tpu.vector_store %arg11[%swap3A_652, %swap3A_653, %swap3A_654], %unpack3A_649 {strides = array<i32>} : memref<2x64x128xf32, #tpu.memory_space<vmem>>, vector<16xf32>,
        %swap3A_656 = arith.constant 0 : i32
        %swap3A_657 = arith.index_cast %swap3A_656 : i32 to index
        %swap3A_658 = arith.index_cast %scan3A_612 : i32 to index
        %swap3A_659 = arith.constant 80 : index
        %swap3A_660 = tpu.vector_load %arg11[%swap3A_657, %swap3A_658, %swap3A_659] {strides = array<i32>} : memref<2x64x128xf32, #tpu.memory_space<vmem>>, vector<16xf32>,
        tpu.vector_store %arg11[%swap3A_657, %swap3A_658, %swap3A_659], %unpack3A_650 {strides = array<i32>} : memref<2x64x128xf32, #tpu.memory_space<vmem>>, vector<16xf32>,
        %get3A_661 = arith.constant 0 : i32
        %get3A_662 = arith.index_cast %get3A_661 : i32 to index
        %get3A_663 = arith.index_cast %scan3A_612 : i32 to index
        %get3A_664 = arith.constant 96 : index
        %get3A_665 = tpu.vector_load %arg10[%get3A_662, %get3A_663, %get3A_664] {strides = array<i32>} : memref<4x64x128xbf16, #tpu.memory_space<vmem>>, vector<32xbf16>,
        %unpack3A_666 = tpu.unpack_subelements %get3A_665, 0 {pack_format = #tpu.pack_format<interleaved>} : vector<32xbf16> -> vector<16xf32>
        %unpack3A_667 = tpu.unpack_subelements %get3A_665, 1 {pack_format = #tpu.pack_format<interleaved>} : vector<32xbf16> -> vector<16xf32>
        %swap3A_668 = arith.constant 0 : i32
        %swap3A_669 = arith.index_cast %swap3A_668 : i32 to index
        %swap3A_670 = arith.index_cast %scan3A_612 : i32 to index
        %swap3A_671 = arith.constant 96 : index
        %swap3A_672 = tpu.vector_load %arg11[%swap3A_669, %swap3A_670, %swap3A_671] {strides = array<i32>} : memref<2x64x128xf32, #tpu.memory_space<vmem>>, vector<16xf32>,
        tpu.vector_store %arg11[%swap3A_669, %swap3A_670, %swap3A_671], %unpack3A_666 {strides = array<i32>} : memref<2x64x128xf32, #tpu.memory_space<vmem>>, vector<16xf32>,
        %swap3A_673 = arith.constant 0 : i32
        %swap3A_674 = arith.index_cast %swap3A_673 : i32 to index
        %swap3A_675 = arith.index_cast %scan3A_612 : i32 to index
        %swap3A_676 = arith.constant 112 : index
        %swap3A_677 = tpu.vector_load %arg11[%swap3A_674, %swap3A_675, %swap3A_676] {strides = array<i32>} : memref<2x64x128xf32, #tpu.memory_space<vmem>>, vector<16xf32>,
        tpu.vector_store %arg11[%swap3A_674, %swap3A_675, %swap3A_676], %unpack3A_667 {strides = array<i32>} : memref<2x64x128xf32, #tpu.memory_space<vmem>>, vector<16xf32>,
      }
      %scan3A_140 = arith.constant 64 : i32
      %dma_start3A_141 = arith.constant 0 : i32
      %dma_start3A_142 = arith.constant 0 : i32
      %dma_start3A_143 = arith.constant 0 : i32
      %dma_start3A_144 = arith.constant 0 : i32
      %dma_start3A_145 = tpu.memref_slice %arg11[%dma_start3A_141, %dma_start3A_143, %dma_start3A_144] : memref<2x64x128xf32, #tpu.memory_space<vmem>> -> memref<1x64x128xf32, #tpu.memory_space<vmem>>
      %dma_start3A_146 = tpu.memref_squeeze %dma_start3A_145 : memref<1x64x128xf32, #tpu.memory_space<vmem>> -> memref<64x128xf32, #tpu.memory_space<vmem>>
      %dma_start3A_147 = arith.constant 0 : i32
      %dma_start3A_148 = tpu.memref_slice %arg9[%rem3A_94, %dma_start3A_142, %dma_start3A_147] : memref<2x8x64xi32, #tpu.memory_space<vmem>> -> memref<1x1x64xi32, #tpu.memory_space<vmem>>
      %dma_start3A_149 = tpu.memref_squeeze %dma_start3A_148 : memref<1x1x64xi32, #tpu.memory_space<vmem>> -> memref<64xi32, #tpu.memory_space<vmem>>
      %dma_start3A_150 = arith.constant 0 : i32
      %dma_start3A_151 = arith.constant 0 : i32
      %dma_start3A_152 = tpu.memref_slice %arg13[%dma_start3A_150, %dma_start3A_151] : memref<10112x128xf32, #tpu.memory_space<vmem_shared>> -> memref<10112x128xf32, #tpu.memory_space<vmem_shared>>
      tpu.enqueue_indirect_dma source(%dma_start3A_146 : memref<64x128xf32, #tpu.memory_space<vmem>>) target(%dma_start3A_152 : memref<10112x128xf32, #tpu.memory_space<vmem_shared>>) offsets(%dma_start3A_149 : memref<64xi32, #tpu.memory_space<vmem>>) semaphore(%arg16 : memref<!tpu.dma_semaphore, #tpu.memory_space<semaphore_mem>>) {add = true}
      %dma_start3A_153 = arith.constant 0 : i32
      %dma_start3A_154 = arith.constant 0 : i32
      %dma_start3A_155 = tpu.memref_slice %arg9[%rem3A_94, %dma_start3A_153, %dma_start3A_154] : memref<2x8x64xi32, #tpu.memory_space<vmem>> -> memref<1x1x64xi32, #tpu.memory_space<vmem>>
      %dma_start3A_156 = tpu.memref_squeeze %dma_start3A_155 : memref<1x1x64xi32, #tpu.memory_space<vmem>> -> memref<64xi32, #tpu.memory_space<vmem>>
      %dma_start3A_157 = arith.constant 0 : i32
      %dma_start3A_158 = arith.constant 0 : i32
      %dma_start3A_159 = tpu.memref_slice %arg14[%dma_start3A_157, %dma_start3A_158] : memref<10112x16xf32, #tpu.memory_space<vmem_shared>> -> memref<10112x16xf32, #tpu.memory_space<vmem_shared>>
      tpu.enqueue_indirect_dma source(%arg12 : memref<64x16xf32, #tpu.memory_space<vmem>>) target(%dma_start3A_159 : memref<10112x16xf32, #tpu.memory_space<vmem_shared>>) offsets(%dma_start3A_156 : memref<64xi32, #tpu.memory_space<vmem>>) semaphore(%arg16 : memref<!tpu.dma_semaphore, #tpu.memory_space<semaphore_mem>>) {add = true}
      %dma_wait3A_160 = arith.constant 1 : i32
      %dma_wait3A_161 = arith.constant 1 : i32
      %dma_wait3A_162 = arith.constant 0 : i32
      %dma_wait3A_163 = arith.constant 0 : i32
      %dma_wait3A_164 = tpu.memref_slice %arg10[%dma_wait3A_161, %dma_wait3A_162, %dma_wait3A_163] : memref<4x64x128xbf16, #tpu.memory_space<vmem>> -> memref<1x64x128xbf16, #tpu.memory_space<vmem>>
      %dma_wait3A_165 = tpu.memref_squeeze %dma_wait3A_164 : memref<1x64x128xbf16, #tpu.memory_space<vmem>> -> memref<64x128xbf16, #tpu.memory_space<vmem>>
      %dma_wait3A_166 = arith.constant 0 : i32
      %dma_wait3A_167 = tpu.memref_slice %arg8[%rem3A_94, %dma_wait3A_160, %dma_wait3A_166] : memref<2x8x64xi32, #tpu.memory_space<vmem>> -> memref<1x1x64xi32, #tpu.memory_space<vmem>>
      %dma_wait3A_168 = tpu.memref_squeeze %dma_wait3A_167 : memref<1x1x64xi32, #tpu.memory_space<vmem>> -> memref<64xi32, #tpu.memory_space<vmem>>
      %dma_wait3A_169 = arith.constant 0 : i32
      %dma_wait3A_170 = arith.constant 0 : i32
      %dma_wait3A_171 = tpu.memref_slice %arg3[%dma_wait3A_169, %dma_wait3A_170] : memref<10112x128xbf16, #tpu.memory_space<hbm>> -> memref<10112x128xbf16, #tpu.memory_space<hbm>>
      tpu.wait_indirect_dma semaphore(%arg15 : memref<!tpu.dma_semaphore, #tpu.memory_space<semaphore_mem>>) src(%dma_wait3A_171 : memref<10112x128xbf16, #tpu.memory_space<hbm>>) dst(%dma_wait3A_165 : memref<64x128xbf16, #tpu.memory_space<vmem>>)
      %dma_start3A_172 = arith.constant 3 : i32
      %dma_start3A_173 = arith.constant 3 : i32
      %dma_start3A_174 = arith.constant 0 : i32
      %dma_start3A_175 = arith.constant 0 : i32
      %dma_start3A_176 = tpu.memref_slice %arg10[%dma_start3A_173, %dma_start3A_174, %dma_start3A_175] : memref<4x64x128xbf16, #tpu.memory_space<vmem>> -> memref<1x64x128xbf16, #tpu.memory_space<vmem>>
      %dma_start3A_177 = tpu.memref_squeeze %dma_start3A_176 : memref<1x64x128xbf16, #tpu.memory_space<vmem>> -> memref<64x128xbf16, #tpu.memory_space<vmem>>
      %dma_start3A_178 = arith.constant 0 : i32
      %dma_start3A_179 = tpu.memref_slice %arg8[%rem3A_94, %dma_start3A_172, %dma_start3A_178] : memref<2x8x64xi32, #tpu.memory_space<vmem>> -> memref<1x1x64xi32, #tpu.memory_space<vmem>>
      %dma_start3A_180 = tpu.memref_squeeze %dma_start3A_179 : memref<1x1x64xi32, #tpu.memory_space<vmem>> -> memref<64xi32, #tpu.memory_space<vmem>>
      %dma_start3A_181 = arith.constant 0 : i32
      %dma_start3A_182 = arith.constant 0 : i32
      %dma_start3A_183 = tpu.memref_slice %arg3[%dma_start3A_181, %dma_start3A_182] : memref<10112x128xbf16, #tpu.memory_space<hbm>> -> memref<10112x128xbf16, #tpu.memory_space<hbm>>
      tpu.enqueue_indirect_dma source(%dma_start3A_183 : memref<10112x128xbf16, #tpu.memory_space<hbm>>) target(%dma_start3A_177 : memref<64x128xbf16, #tpu.memory_space<vmem>>) offsets(%dma_start3A_180 : memref<64xi32, #tpu.memory_space<vmem>>) semaphore(%arg15 : memref<!tpu.dma_semaphore, #tpu.memory_space<semaphore_mem>>)
      %gt3A_184 = arith.constant 0 : i32
      %gt3A_185 = arith.cmpi sgt, %scan3A_93, %gt3A_184 : i32
      %convert_element_type3A_186 = arith.extui %gt3A_185 : i1 to i32
      %cond3A_187 = arith.constant 0 : i32
      %cond3A_188 = arith.cmpi ne, %convert_element_type3A_186, %cond3A_187 : i32
      scf.if %cond3A_188 {
        %dma_wait3A_612 = arith.constant 1 : i32
        %dma_wait3A_613 = arith.constant 1 : i32
        %dma_wait3A_614 = arith.constant 0 : i32
        %dma_wait3A_615 = arith.constant 0 : i32
        %dma_wait3A_616 = tpu.memref_slice %arg11[%dma_wait3A_612, %dma_wait3A_614, %dma_wait3A_615] : memref<2x64x128xf32, #tpu.memory_space<vmem>> -> memref<1x64x128xf32, #tpu.memory_space<vmem>>
        %dma_wait3A_617 = tpu.memref_squeeze %dma_wait3A_616 : memref<1x64x128xf32, #tpu.memory_space<vmem>> -> memref<64x128xf32, #tpu.memory_space<vmem>>
        %dma_wait3A_618 = arith.constant 0 : i32
        %dma_wait3A_619 = tpu.memref_slice %arg9[%rem3A_94, %dma_wait3A_613, %dma_wait3A_618] : memref<2x8x64xi32, #tpu.memory_space<vmem>> -> memref<1x1x64xi32, #tpu.memory_space<vmem>>
        %dma_wait3A_620 = tpu.memref_squeeze %dma_wait3A_619 : memref<1x1x64xi32, #tpu.memory_space<vmem>> -> memref<64xi32, #tpu.memory_space<vmem>>
        %dma_wait3A_621 = arith.constant 0 : i32
        %dma_wait3A_622 = arith.constant 0 : i32
        %dma_wait3A_623 = tpu.memref_slice %arg13[%dma_wait3A_621, %dma_wait3A_622] : memref<10112x128xf32, #tpu.memory_space<vmem_shared>> -> memref<10112x128xf32, #tpu.memory_space<vmem_shared>>
        tpu.wait_indirect_dma semaphore(%arg16 : memref<!tpu.dma_semaphore, #tpu.memory_space<semaphore_mem>>) src(%dma_wait3A_617 : memref<64x128xf32, #tpu.memory_space<vmem>>) dst(%dma_wait3A_623 : memref<10112x128xf32, #tpu.memory_space<vmem_shared>>)
        %dma_wait3A_624 = arith.constant 1 : i32
        %dma_wait3A_625 = arith.constant 0 : i32
        %dma_wait3A_626 = tpu.memref_slice %arg9[%rem3A_94, %dma_wait3A_624, %dma_wait3A_625] : memref<2x8x64xi32, #tpu.memory_space<vmem>> -> memref<1x1x64xi32, #tpu.memory_space<vmem>>
        %dma_wait3A_627 = tpu.memref_squeeze %dma_wait3A_626 : memref<1x1x64xi32, #tpu.memory_space<vmem>> -> memref<64xi32, #tpu.memory_space<vmem>>
        %dma_wait3A_628 = arith.constant 0 : i32
        %dma_wait3A_629 = arith.constant 0 : i32
        %dma_wait3A_630 = tpu.memref_slice %arg14[%dma_wait3A_628, %dma_wait3A_629] : memref<10112x16xf32, #tpu.memory_space<vmem_shared>> -> memref<10112x16xf32, #tpu.memory_space<vmem_shared>>
        tpu.wait_indirect_dma semaphore(%arg16 : memref<!tpu.dma_semaphore, #tpu.memory_space<semaphore_mem>>) src(%arg12 : memref<64x16xf32, #tpu.memory_space<vmem>>) dst(%dma_wait3A_630 : memref<10112x16xf32, #tpu.memory_space<vmem_shared>>)
      } else {
      }
      %scan3A_189 = arith.constant 0 : i32
      %scan3A_190 = arith.constant 0 : i32
      %scan3A_191 = arith.constant 64 : i32
      %scan3A_192 = arith.addi %scan3A_190, %scan3A_191 : i32
      %scan3A_193 = arith.constant 1 : i32
      scf.for %scan3A_612 = %scan3A_190 to %scan3A_192 step %scan3A_193  : i32 {
        %get3A = arith.constant 1 : i32
        %get3A_613 = arith.index_cast %get3A : i32 to index
        %get3A_614 = arith.index_cast %scan3A_612 : i32 to index
        %get3A_615 = arith.constant 0 : index
        %get3A_616 = tpu.vector_load %arg10[%get3A_613, %get3A_614, %get3A_615] {strides = array<i32>} : memref<4x64x128xbf16, #tpu.memory_space<vmem>>, vector<32xbf16>,
        %unpack3A = tpu.unpack_subelements %get3A_616, 0 {pack_format = #tpu.pack_format<interleaved>} : vector<32xbf16> -> vector<16xf32>
        %unpack3A_617 = tpu.unpack_subelements %get3A_616, 1 {pack_format = #tpu.pack_format<interleaved>} : vector<32xbf16> -> vector<16xf32>
        %swap3A = arith.constant 1 : i32
        %swap3A_618 = arith.index_cast %swap3A : i32 to index
        %swap3A_619 = arith.index_cast %scan3A_612 : i32 to index
        %swap3A_620 = arith.constant 0 : index
        %swap3A_621 = tpu.vector_load %arg11[%swap3A_618, %swap3A_619, %swap3A_620] {strides = array<i32>} : memref<2x64x128xf32, #tpu.memory_space<vmem>>, vector<16xf32>,
        tpu.vector_store %arg11[%swap3A_618, %swap3A_619, %swap3A_620], %unpack3A {strides = array<i32>} : memref<2x64x128xf32, #tpu.memory_space<vmem>>, vector<16xf32>,
        %swap3A_622 = arith.constant 1 : i32
        %swap3A_623 = arith.index_cast %swap3A_622 : i32 to index
        %swap3A_624 = arith.index_cast %scan3A_612 : i32 to index
        %swap3A_625 = arith.constant 16 : index
        %swap3A_626 = tpu.vector_load %arg11[%swap3A_623, %swap3A_624, %swap3A_625] {strides = array<i32>} : memref<2x64x128xf32, #tpu.memory_space<vmem>>, vector<16xf32>,
        tpu.vector_store %arg11[%swap3A_623, %swap3A_624, %swap3A_625], %unpack3A_617 {strides = array<i32>} : memref<2x64x128xf32, #tpu.memory_space<vmem>>, vector<16xf32>,
        %get3A_627 = arith.constant 1 : i32
        %get3A_628 = arith.index_cast %get3A_627 : i32 to index
        %get3A_629 = arith.index_cast %scan3A_612 : i32 to index
        %get3A_630 = arith.constant 32 : index
        %get3A_631 = tpu.vector_load %arg10[%get3A_628, %get3A_629, %get3A_630] {strides = array<i32>} : memref<4x64x128xbf16, #tpu.memory_space<vmem>>, vector<32xbf16>,
        %unpack3A_632 = tpu.unpack_subelements %get3A_631, 0 {pack_format = #tpu.pack_format<interleaved>} : vector<32xbf16> -> vector<16xf32>
        %unpack3A_633 = tpu.unpack_subelements %get3A_631, 1 {pack_format = #tpu.pack_format<interleaved>} : vector<32xbf16> -> vector<16xf32>
        %swap3A_634 = arith.constant 1 : i32
        %swap3A_635 = arith.index_cast %swap3A_634 : i32 to index
        %swap3A_636 = arith.index_cast %scan3A_612 : i32 to index
        %swap3A_637 = arith.constant 32 : index
        %swap3A_638 = tpu.vector_load %arg11[%swap3A_635, %swap3A_636, %swap3A_637] {strides = array<i32>} : memref<2x64x128xf32, #tpu.memory_space<vmem>>, vector<16xf32>,
        tpu.vector_store %arg11[%swap3A_635, %swap3A_636, %swap3A_637], %unpack3A_632 {strides = array<i32>} : memref<2x64x128xf32, #tpu.memory_space<vmem>>, vector<16xf32>,
        %swap3A_639 = arith.constant 1 : i32
        %swap3A_640 = arith.index_cast %swap3A_639 : i32 to index
        %swap3A_641 = arith.index_cast %scan3A_612 : i32 to index
        %swap3A_642 = arith.constant 48 : index
        %swap3A_643 = tpu.vector_load %arg11[%swap3A_640, %swap3A_641, %swap3A_642] {strides = array<i32>} : memref<2x64x128xf32, #tpu.memory_space<vmem>>, vector<16xf32>,
        tpu.vector_store %arg11[%swap3A_640, %swap3A_641, %swap3A_642], %unpack3A_633 {strides = array<i32>} : memref<2x64x128xf32, #tpu.memory_space<vmem>>, vector<16xf32>,
        %get3A_644 = arith.constant 1 : i32
        %get3A_645 = arith.index_cast %get3A_644 : i32 to index
        %get3A_646 = arith.index_cast %scan3A_612 : i32 to index
        %get3A_647 = arith.constant 64 : index
        %get3A_648 = tpu.vector_load %arg10[%get3A_645, %get3A_646, %get3A_647] {strides = array<i32>} : memref<4x64x128xbf16, #tpu.memory_space<vmem>>, vector<32xbf16>,
        %unpack3A_649 = tpu.unpack_subelements %get3A_648, 0 {pack_format = #tpu.pack_format<interleaved>} : vector<32xbf16> -> vector<16xf32>
        %unpack3A_650 = tpu.unpack_subelements %get3A_648, 1 {pack_format = #tpu.pack_format<interleaved>} : vector<32xbf16> -> vector<16xf32>
        %swap3A_651 = arith.constant 1 : i32
        %swap3A_652 = arith.index_cast %swap3A_651 : i32 to index
        %swap3A_653 = arith.index_cast %scan3A_612 : i32 to index
        %swap3A_654 = arith.constant 64 : index
        %swap3A_655 = tpu.vector_load %arg11[%swap3A_652, %swap3A_653, %swap3A_654] {strides = array<i32>} : memref<2x64x128xf32, #tpu.memory_space<vmem>>, vector<16xf32>,
        tpu.vector_store %arg11[%swap3A_652, %swap3A_653, %swap3A_654], %unpack3A_649 {strides = array<i32>} : memref<2x64x128xf32, #tpu.memory_space<vmem>>, vector<16xf32>,
        %swap3A_656 = arith.constant 1 : i32
        %swap3A_657 = arith.index_cast %swap3A_656 : i32 to index
        %swap3A_658 = arith.index_cast %scan3A_612 : i32 to index
        %swap3A_659 = arith.constant 80 : index
        %swap3A_660 = tpu.vector_load %arg11[%swap3A_657, %swap3A_658, %swap3A_659] {strides = array<i32>} : memref<2x64x128xf32, #tpu.memory_space<vmem>>, vector<16xf32>,
        tpu.vector_store %arg11[%swap3A_657, %swap3A_658, %swap3A_659], %unpack3A_650 {strides = array<i32>} : memref<2x64x128xf32, #tpu.memory_space<vmem>>, vector<16xf32>,
        %get3A_661 = arith.constant 1 : i32
        %get3A_662 = arith.index_cast %get3A_661 : i32 to index
        %get3A_663 = arith.index_cast %scan3A_612 : i32 to index
        %get3A_664 = arith.constant 96 : index
        %get3A_665 = tpu.vector_load %arg10[%get3A_662, %get3A_663, %get3A_664] {strides = array<i32>} : memref<4x64x128xbf16, #tpu.memory_space<vmem>>, vector<32xbf16>,
        %unpack3A_666 = tpu.unpack_subelements %get3A_665, 0 {pack_format = #tpu.pack_format<interleaved>} : vector<32xbf16> -> vector<16xf32>
        %unpack3A_667 = tpu.unpack_subelements %get3A_665, 1 {pack_format = #tpu.pack_format<interleaved>} : vector<32xbf16> -> vector<16xf32>
        %swap3A_668 = arith.constant 1 : i32
        %swap3A_669 = arith.index_cast %swap3A_668 : i32 to index
        %swap3A_670 = arith.index_cast %scan3A_612 : i32 to index
        %swap3A_671 = arith.constant 96 : index
        %swap3A_672 = tpu.vector_load %arg11[%swap3A_669, %swap3A_670, %swap3A_671] {strides = array<i32>} : memref<2x64x128xf32, #tpu.memory_space<vmem>>, vector<16xf32>,
        tpu.vector_store %arg11[%swap3A_669, %swap3A_670, %swap3A_671], %unpack3A_666 {strides = array<i32>} : memref<2x64x128xf32, #tpu.memory_space<vmem>>, vector<16xf32>,
        %swap3A_673 = arith.constant 1 : i32
        %swap3A_674 = arith.index_cast %swap3A_673 : i32 to index
        %swap3A_675 = arith.index_cast %scan3A_612 : i32 to index
        %swap3A_676 = arith.constant 112 : index
        %swap3A_677 = tpu.vector_load %arg11[%swap3A_674, %swap3A_675, %swap3A_676] {strides = array<i32>} : memref<2x64x128xf32, #tpu.memory_space<vmem>>, vector<16xf32>,
        tpu.vector_store %arg11[%swap3A_674, %swap3A_675, %swap3A_676], %unpack3A_667 {strides = array<i32>} : memref<2x64x128xf32, #tpu.memory_space<vmem>>, vector<16xf32>,
      }
      %scan3A_194 = arith.constant 64 : i32
      %dma_start3A_195 = arith.constant 1 : i32
      %dma_start3A_196 = arith.constant 1 : i32
      %dma_start3A_197 = arith.constant 0 : i32
      %dma_start3A_198 = arith.constant 0 : i32
      %dma_start3A_199 = tpu.memref_slice %arg11[%dma_start3A_195, %dma_start3A_197, %dma_start3A_198] : memref<2x64x128xf32, #tpu.memory_space<vmem>> -> memref<1x64x128xf32, #tpu.memory_space<vmem>>
      %dma_start3A_200 = tpu.memref_squeeze %dma_start3A_199 : memref<1x64x128xf32, #tpu.memory_space<vmem>> -> memref<64x128xf32, #tpu.memory_space<vmem>>
      %dma_start3A_201 = arith.constant 0 : i32
      %dma_start3A_202 = tpu.memref_slice %arg9[%rem3A_94, %dma_start3A_196, %dma_start3A_201] : memref<2x8x64xi32, #tpu.memory_space<vmem>> -> memref<1x1x64xi32, #tpu.memory_space<vmem>>
      %dma_start3A_203 = tpu.memref_squeeze %dma_start3A_202 : memref<1x1x64xi32, #tpu.memory_space<vmem>> -> memref<64xi32, #tpu.memory_space<vmem>>
      %dma_start3A_204 = arith.constant 0 : i32
      %dma_start3A_205 = arith.constant 0 : i32
      %dma_start3A_206 = tpu.memref_slice %arg13[%dma_start3A_204, %dma_start3A_205] : memref<10112x128xf32, #tpu.memory_space<vmem_shared>> -> memref<10112x128xf32, #tpu.memory_space<vmem_shared>>
      tpu.enqueue_indirect_dma source(%dma_start3A_200 : memref<64x128xf32, #tpu.memory_space<vmem>>) target(%dma_start3A_206 : memref<10112x128xf32, #tpu.memory_space<vmem_shared>>) offsets(%dma_start3A_203 : memref<64xi32, #tpu.memory_space<vmem>>) semaphore(%arg16 : memref<!tpu.dma_semaphore, #tpu.memory_space<semaphore_mem>>) {add = true}
      %dma_start3A_207 = arith.constant 1 : i32
      %dma_start3A_208 = arith.constant 0 : i32
      %dma_start3A_209 = tpu.memref_slice %arg9[%rem3A_94, %dma_start3A_207, %dma_start3A_208] : memref<2x8x64xi32, #tpu.memory_space<vmem>> -> memref<1x1x64xi32, #tpu.memory_space<vmem>>
      %dma_start3A_210 = tpu.memref_squeeze %dma_start3A_209 : memref<1x1x64xi32, #tpu.memory_space<vmem>> -> memref<64xi32, #tpu.memory_space<vmem>>
      %dma_start3A_211 = arith.constant 0 : i32
      %dma_start3A_212 = arith.constant 0 : i32
      %dma_start3A_213 = tpu.memref_slice %arg14[%dma_start3A_211, %dma_start3A_212] : memref<10112x16xf32, #tpu.memory_space<vmem_shared>> -> memref<10112x16xf32, #tpu.memory_space<vmem_shared>>
      tpu.enqueue_indirect_dma source(%arg12 : memref<64x16xf32, #tpu.memory_space<vmem>>) target(%dma_start3A_213 : memref<10112x16xf32, #tpu.memory_space<vmem_shared>>) offsets(%dma_start3A_210 : memref<64xi32, #tpu.memory_space<vmem>>) semaphore(%arg16 : memref<!tpu.dma_semaphore, #tpu.memory_space<semaphore_mem>>) {add = true}
      %dma_wait3A_214 = arith.constant 2 : i32
      %dma_wait3A_215 = arith.constant 2 : i32
      %dma_wait3A_216 = arith.constant 0 : i32
      %dma_wait3A_217 = arith.constant 0 : i32
      %dma_wait3A_218 = tpu.memref_slice %arg10[%dma_wait3A_215, %dma_wait3A_216, %dma_wait3A_217] : memref<4x64x128xbf16, #tpu.memory_space<vmem>> -> memref<1x64x128xbf16, #tpu.memory_space<vmem>>
      %dma_wait3A_219 = tpu.memref_squeeze %dma_wait3A_218 : memref<1x64x128xbf16, #tpu.memory_space<vmem>> -> memref<64x128xbf16, #tpu.memory_space<vmem>>
      %dma_wait3A_220 = arith.constant 0 : i32
      %dma_wait3A_221 = tpu.memref_slice %arg8[%rem3A_94, %dma_wait3A_214, %dma_wait3A_220] : memref<2x8x64xi32, #tpu.memory_space<vmem>> -> memref<1x1x64xi32, #tpu.memory_space<vmem>>
      %dma_wait3A_222 = tpu.memref_squeeze %dma_wait3A_221 : memref<1x1x64xi32, #tpu.memory_space<vmem>> -> memref<64xi32, #tpu.memory_space<vmem>>
      %dma_wait3A_223 = arith.constant 0 : i32
      %dma_wait3A_224 = arith.constant 0 : i32
      %dma_wait3A_225 = tpu.memref_slice %arg3[%dma_wait3A_223, %dma_wait3A_224] : memref<10112x128xbf16, #tpu.memory_space<hbm>> -> memref<10112x128xbf16, #tpu.memory_space<hbm>>
      tpu.wait_indirect_dma semaphore(%arg15 : memref<!tpu.dma_semaphore, #tpu.memory_space<semaphore_mem>>) src(%dma_wait3A_225 : memref<10112x128xbf16, #tpu.memory_space<hbm>>) dst(%dma_wait3A_219 : memref<64x128xbf16, #tpu.memory_space<vmem>>)
      %dma_start3A_226 = arith.constant 4 : i32
      %dma_start3A_227 = arith.constant 0 : i32
      %dma_start3A_228 = arith.constant 0 : i32
      %dma_start3A_229 = arith.constant 0 : i32
      %dma_start3A_230 = tpu.memref_slice %arg10[%dma_start3A_227, %dma_start3A_228, %dma_start3A_229] : memref<4x64x128xbf16, #tpu.memory_space<vmem>> -> memref<1x64x128xbf16, #tpu.memory_space<vmem>>
      %dma_start3A_231 = tpu.memref_squeeze %dma_start3A_230 : memref<1x64x128xbf16, #tpu.memory_space<vmem>> -> memref<64x128xbf16, #tpu.memory_space<vmem>>
      %dma_start3A_232 = arith.constant 0 : i32
      %dma_start3A_233 = tpu.memref_slice %arg8[%rem3A_94, %dma_start3A_226, %dma_start3A_232] : memref<2x8x64xi32, #tpu.memory_space<vmem>> -> memref<1x1x64xi32, #tpu.memory_space<vmem>>
      %dma_start3A_234 = tpu.memref_squeeze %dma_start3A_233 : memref<1x1x64xi32, #tpu.memory_space<vmem>> -> memref<64xi32, #tpu.memory_space<vmem>>
      %dma_start3A_235 = arith.constant 0 : i32
      %dma_start3A_236 = arith.constant 0 : i32
      %dma_start3A_237 = tpu.memref_slice %arg3[%dma_start3A_235, %dma_start3A_236] : memref<10112x128xbf16, #tpu.memory_space<hbm>> -> memref<10112x128xbf16, #tpu.memory_space<hbm>>
      tpu.enqueue_indirect_dma source(%dma_start3A_237 : memref<10112x128xbf16, #tpu.memory_space<hbm>>) target(%dma_start3A_231 : memref<64x128xbf16, #tpu.memory_space<vmem>>) offsets(%dma_start3A_234 : memref<64xi32, #tpu.memory_space<vmem>>) semaphore(%arg15 : memref<!tpu.dma_semaphore, #tpu.memory_space<semaphore_mem>>)
      %dma_wait3A_238 = arith.constant 0 : i32
      %dma_wait3A_239 = arith.constant 2 : i32
      %dma_wait3A_240 = arith.constant 0 : i32
      %dma_wait3A_241 = arith.constant 0 : i32
      %dma_wait3A_242 = tpu.memref_slice %arg11[%dma_wait3A_238, %dma_wait3A_240, %dma_wait3A_241] : memref<2x64x128xf32, #tpu.memory_space<vmem>> -> memref<1x64x128xf32, #tpu.memory_space<vmem>>
      %dma_wait3A_243 = tpu.memref_squeeze %dma_wait3A_242 : memref<1x64x128xf32, #tpu.memory_space<vmem>> -> memref<64x128xf32, #tpu.memory_space<vmem>>
      %dma_wait3A_244 = arith.constant 0 : i32
      %dma_wait3A_245 = tpu.memref_slice %arg9[%rem3A_94, %dma_wait3A_239, %dma_wait3A_244] : memref<2x8x64xi32, #tpu.memory_space<vmem>> -> memref<1x1x64xi32, #tpu.memory_space<vmem>>
      %dma_wait3A_246 = tpu.memref_squeeze %dma_wait3A_245 : memref<1x1x64xi32, #tpu.memory_space<vmem>> -> memref<64xi32, #tpu.memory_space<vmem>>
      %dma_wait3A_247 = arith.constant 0 : i32
      %dma_wait3A_248 = arith.constant 0 : i32
      %dma_wait3A_249 = tpu.memref_slice %arg13[%dma_wait3A_247, %dma_wait3A_248] : memref<10112x128xf32, #tpu.memory_space<vmem_shared>> -> memref<10112x128xf32, #tpu.memory_space<vmem_shared>>
      tpu.wait_indirect_dma semaphore(%arg16 : memref<!tpu.dma_semaphore, #tpu.memory_space<semaphore_mem>>) src(%dma_wait3A_243 : memref<64x128xf32, #tpu.memory_space<vmem>>) dst(%dma_wait3A_249 : memref<10112x128xf32, #tpu.memory_space<vmem_shared>>)
      %dma_wait3A_250 = arith.constant 2 : i32
      %dma_wait3A_251 = arith.constant 0 : i32
      %dma_wait3A_252 = tpu.memref_slice %arg9[%rem3A_94, %dma_wait3A_250, %dma_wait3A_251] : memref<2x8x64xi32, #tpu.memory_space<vmem>> -> memref<1x1x64xi32, #tpu.memory_space<vmem>>
      %dma_wait3A_253 = tpu.memref_squeeze %dma_wait3A_252 : memref<1x1x64xi32, #tpu.memory_space<vmem>> -> memref<64xi32, #tpu.memory_space<vmem>>
      %dma_wait3A_254 = arith.constant 0 : i32
      %dma_wait3A_255 = arith.constant 0 : i32
      %dma_wait3A_256 = tpu.memref_slice %arg14[%dma_wait3A_254, %dma_wait3A_255] : memref<10112x16xf32, #tpu.memory_space<vmem_shared>> -> memref<10112x16xf32, #tpu.memory_space<vmem_shared>>
      tpu.wait_indirect_dma semaphore(%arg16 : memref<!tpu.dma_semaphore, #tpu.memory_space<semaphore_mem>>) src(%arg12 : memref<64x16xf32, #tpu.memory_space<vmem>>) dst(%dma_wait3A_256 : memref<10112x16xf32, #tpu.memory_space<vmem_shared>>)
      %scan3A_257 = arith.constant 0 : i32
      %scan3A_258 = arith.constant 0 : i32
      %scan3A_259 = arith.constant 64 : i32
      %scan3A_260 = arith.addi %scan3A_258, %scan3A_259 : i32
      %scan3A_261 = arith.constant 1 : i32
      scf.for %scan3A_612 = %scan3A_258 to %scan3A_260 step %scan3A_261  : i32 {
        %get3A = arith.constant 2 : i32
        %get3A_613 = arith.index_cast %get3A : i32 to index
        %get3A_614 = arith.index_cast %scan3A_612 : i32 to index
        %get3A_615 = arith.constant 0 : index
        %get3A_616 = tpu.vector_load %arg10[%get3A_613, %get3A_614, %get3A_615] {strides = array<i32>} : memref<4x64x128xbf16, #tpu.memory_space<vmem>>, vector<32xbf16>,
        %unpack3A = tpu.unpack_subelements %get3A_616, 0 {pack_format = #tpu.pack_format<interleaved>} : vector<32xbf16> -> vector<16xf32>
        %unpack3A_617 = tpu.unpack_subelements %get3A_616, 1 {pack_format = #tpu.pack_format<interleaved>} : vector<32xbf16> -> vector<16xf32>
        %swap3A = arith.constant 0 : i32
        %swap3A_618 = arith.index_cast %swap3A : i32 to index
        %swap3A_619 = arith.index_cast %scan3A_612 : i32 to index
        %swap3A_620 = arith.constant 0 : index
        %swap3A_621 = tpu.vector_load %arg11[%swap3A_618, %swap3A_619, %swap3A_620] {strides = array<i32>} : memref<2x64x128xf32, #tpu.memory_space<vmem>>, vector<16xf32>,
        tpu.vector_store %arg11[%swap3A_618, %swap3A_619, %swap3A_620], %unpack3A {strides = array<i32>} : memref<2x64x128xf32, #tpu.memory_space<vmem>>, vector<16xf32>,
        %swap3A_622 = arith.constant 0 : i32
        %swap3A_623 = arith.index_cast %swap3A_622 : i32 to index
        %swap3A_624 = arith.index_cast %scan3A_612 : i32 to index
        %swap3A_625 = arith.constant 16 : index
        %swap3A_626 = tpu.vector_load %arg11[%swap3A_623, %swap3A_624, %swap3A_625] {strides = array<i32>} : memref<2x64x128xf32, #tpu.memory_space<vmem>>, vector<16xf32>,
        tpu.vector_store %arg11[%swap3A_623, %swap3A_624, %swap3A_625], %unpack3A_617 {strides = array<i32>} : memref<2x64x128xf32, #tpu.memory_space<vmem>>, vector<16xf32>,
        %get3A_627 = arith.constant 2 : i32
        %get3A_628 = arith.index_cast %get3A_627 : i32 to index
        %get3A_629 = arith.index_cast %scan3A_612 : i32 to index
        %get3A_630 = arith.constant 32 : index
        %get3A_631 = tpu.vector_load %arg10[%get3A_628, %get3A_629, %get3A_630] {strides = array<i32>} : memref<4x64x128xbf16, #tpu.memory_space<vmem>>, vector<32xbf16>,
        %unpack3A_632 = tpu.unpack_subelements %get3A_631, 0 {pack_format = #tpu.pack_format<interleaved>} : vector<32xbf16> -> vector<16xf32>
        %unpack3A_633 = tpu.unpack_subelements %get3A_631, 1 {pack_format = #tpu.pack_format<interleaved>} : vector<32xbf16> -> vector<16xf32>
        %swap3A_634 = arith.constant 0 : i32
        %swap3A_635 = arith.index_cast %swap3A_634 : i32 to index
        %swap3A_636 = arith.index_cast %scan3A_612 : i32 to index
        %swap3A_637 = arith.constant 32 : index
        %swap3A_638 = tpu.vector_load %arg11[%swap3A_635, %swap3A_636, %swap3A_637] {strides = array<i32>} : memref<2x64x128xf32, #tpu.memory_space<vmem>>, vector<16xf32>,
        tpu.vector_store %arg11[%swap3A_635, %swap3A_636, %swap3A_637], %unpack3A_632 {strides = array<i32>} : memref<2x64x128xf32, #tpu.memory_space<vmem>>, vector<16xf32>,
        %swap3A_639 = arith.constant 0 : i32
        %swap3A_640 = arith.index_cast %swap3A_639 : i32 to index
        %swap3A_641 = arith.index_cast %scan3A_612 : i32 to index
        %swap3A_642 = arith.constant 48 : index
        %swap3A_643 = tpu.vector_load %arg11[%swap3A_640, %swap3A_641, %swap3A_642] {strides = array<i32>} : memref<2x64x128xf32, #tpu.memory_space<vmem>>, vector<16xf32>,
        tpu.vector_store %arg11[%swap3A_640, %swap3A_641, %swap3A_642], %unpack3A_633 {strides = array<i32>} : memref<2x64x128xf32, #tpu.memory_space<vmem>>, vector<16xf32>,
        %get3A_644 = arith.constant 2 : i32
        %get3A_645 = arith.index_cast %get3A_644 : i32 to index
        %get3A_646 = arith.index_cast %scan3A_612 : i32 to index
        %get3A_647 = arith.constant 64 : index
        %get3A_648 = tpu.vector_load %arg10[%get3A_645, %get3A_646, %get3A_647] {strides = array<i32>} : memref<4x64x128xbf16, #tpu.memory_space<vmem>>, vector<32xbf16>,
        %unpack3A_649 = tpu.unpack_subelements %get3A_648, 0 {pack_format = #tpu.pack_format<interleaved>} : vector<32xbf16> -> vector<16xf32>
        %unpack3A_650 = tpu.unpack_subelements %get3A_648, 1 {pack_format = #tpu.pack_format<interleaved>} : vector<32xbf16> -> vector<16xf32>
        %swap3A_651 = arith.constant 0 : i32
        %swap3A_652 = arith.index_cast %swap3A_651 : i32 to index
        %swap3A_653 = arith.index_cast %scan3A_612 : i32 to index
        %swap3A_654 = arith.constant 64 : index
        %swap3A_655 = tpu.vector_load %arg11[%swap3A_652, %swap3A_653, %swap3A_654] {strides = array<i32>} : memref<2x64x128xf32, #tpu.memory_space<vmem>>, vector<16xf32>,
        tpu.vector_store %arg11[%swap3A_652, %swap3A_653, %swap3A_654], %unpack3A_649 {strides = array<i32>} : memref<2x64x128xf32, #tpu.memory_space<vmem>>, vector<16xf32>,
        %swap3A_656 = arith.constant 0 : i32
        %swap3A_657 = arith.index_cast %swap3A_656 : i32 to index
        %swap3A_658 = arith.index_cast %scan3A_612 : i32 to index
        %swap3A_659 = arith.constant 80 : index
        %swap3A_660 = tpu.vector_load %arg11[%swap3A_657, %swap3A_658, %swap3A_659] {strides = array<i32>} : memref<2x64x128xf32, #tpu.memory_space<vmem>>, vector<16xf32>,
        tpu.vector_store %arg11[%swap3A_657, %swap3A_658, %swap3A_659], %unpack3A_650 {strides = array<i32>} : memref<2x64x128xf32, #tpu.memory_space<vmem>>, vector<16xf32>,
        %get3A_661 = arith.constant 2 : i32
        %get3A_662 = arith.index_cast %get3A_661 : i32 to index
        %get3A_663 = arith.index_cast %scan3A_612 : i32 to index
        %get3A_664 = arith.constant 96 : index
        %get3A_665 = tpu.vector_load %arg10[%get3A_662, %get3A_663, %get3A_664] {strides = array<i32>} : memref<4x64x128xbf16, #tpu.memory_space<vmem>>, vector<32xbf16>,
        %unpack3A_666 = tpu.unpack_subelements %get3A_665, 0 {pack_format = #tpu.pack_format<interleaved>} : vector<32xbf16> -> vector<16xf32>
        %unpack3A_667 = tpu.unpack_subelements %get3A_665, 1 {pack_format = #tpu.pack_format<interleaved>} : vector<32xbf16> -> vector<16xf32>
        %swap3A_668 = arith.constant 0 : i32
        %swap3A_669 = arith.index_cast %swap3A_668 : i32 to index
        %swap3A_670 = arith.index_cast %scan3A_612 : i32 to index
        %swap3A_671 = arith.constant 96 : index
        %swap3A_672 = tpu.vector_load %arg11[%swap3A_669, %swap3A_670, %swap3A_671] {strides = array<i32>} : memref<2x64x128xf32, #tpu.memory_space<vmem>>, vector<16xf32>,
        tpu.vector_store %arg11[%swap3A_669, %swap3A_670, %swap3A_671], %unpack3A_666 {strides = array<i32>} : memref<2x64x128xf32, #tpu.memory_space<vmem>>, vector<16xf32>,
        %swap3A_673 = arith.constant 0 : i32
        %swap3A_674 = arith.index_cast %swap3A_673 : i32 to index
        %swap3A_675 = arith.index_cast %scan3A_612 : i32 to index
        %swap3A_676 = arith.constant 112 : index
        %swap3A_677 = tpu.vector_load %arg11[%swap3A_674, %swap3A_675, %swap3A_676] {strides = array<i32>} : memref<2x64x128xf32, #tpu.memory_space<vmem>>, vector<16xf32>,
        tpu.vector_store %arg11[%swap3A_674, %swap3A_675, %swap3A_676], %unpack3A_667 {strides = array<i32>} : memref<2x64x128xf32, #tpu.memory_space<vmem>>, vector<16xf32>,
      }
      %scan3A_262 = arith.constant 64 : i32
      %dma_start3A_263 = arith.constant 0 : i32
      %dma_start3A_264 = arith.constant 2 : i32
      %dma_start3A_265 = arith.constant 0 : i32
      %dma_start3A_266 = arith.constant 0 : i32
      %dma_start3A_267 = tpu.memref_slice %arg11[%dma_start3A_263, %dma_start3A_265, %dma_start3A_266] : memref<2x64x128xf32, #tpu.memory_space<vmem>> -> memref<1x64x128xf32, #tpu.memory_space<vmem>>
      %dma_start3A_268 = tpu.memref_squeeze %dma_start3A_267 : memref<1x64x128xf32, #tpu.memory_space<vmem>> -> memref<64x128xf32, #tpu.memory_space<vmem>>
      %dma_start3A_269 = arith.constant 0 : i32
      %dma_start3A_270 = tpu.memref_slice %arg9[%rem3A_94, %dma_start3A_264, %dma_start3A_269] : memref<2x8x64xi32, #tpu.memory_space<vmem>> -> memref<1x1x64xi32, #tpu.memory_space<vmem>>
      %dma_start3A_271 = tpu.memref_squeeze %dma_start3A_270 : memref<1x1x64xi32, #tpu.memory_space<vmem>> -> memref<64xi32, #tpu.memory_space<vmem>>
      %dma_start3A_272 = arith.constant 0 : i32
      %dma_start3A_273 = arith.constant 0 : i32
      %dma_start3A_274 = tpu.memref_slice %arg13[%dma_start3A_272, %dma_start3A_273] : memref<10112x128xf32, #tpu.memory_space<vmem_shared>> -> memref<10112x128xf32, #tpu.memory_space<vmem_shared>>
      tpu.enqueue_indirect_dma source(%dma_start3A_268 : memref<64x128xf32, #tpu.memory_space<vmem>>) target(%dma_start3A_274 : memref<10112x128xf32, #tpu.memory_space<vmem_shared>>) offsets(%dma_start3A_271 : memref<64xi32, #tpu.memory_space<vmem>>) semaphore(%arg16 : memref<!tpu.dma_semaphore, #tpu.memory_space<semaphore_mem>>) {add = true}
      %dma_start3A_275 = arith.constant 2 : i32
      %dma_start3A_276 = arith.constant 0 : i32
      %dma_start3A_277 = tpu.memref_slice %arg9[%rem3A_94, %dma_start3A_275, %dma_start3A_276] : memref<2x8x64xi32, #tpu.memory_space<vmem>> -> memref<1x1x64xi32, #tpu.memory_space<vmem>>
      %dma_start3A_278 = tpu.memref_squeeze %dma_start3A_277 : memref<1x1x64xi32, #tpu.memory_space<vmem>> -> memref<64xi32, #tpu.memory_space<vmem>>
      %dma_start3A_279 = arith.constant 0 : i32
      %dma_start3A_280 = arith.constant 0 : i32
      %dma_start3A_281 = tpu.memref_slice %arg14[%dma_start3A_279, %dma_start3A_280] : memref<10112x16xf32, #tpu.memory_space<vmem_shared>> -> memref<10112x16xf32, #tpu.memory_space<vmem_shared>>
      tpu.enqueue_indirect_dma source(%arg12 : memref<64x16xf32, #tpu.memory_space<vmem>>) target(%dma_start3A_281 : memref<10112x16xf32, #tpu.memory_space<vmem_shared>>) offsets(%dma_start3A_278 : memref<64xi32, #tpu.memory_space<vmem>>) semaphore(%arg16 : memref<!tpu.dma_semaphore, #tpu.memory_space<semaphore_mem>>) {add = true}
      %dma_wait3A_282 = arith.constant 3 : i32
      %dma_wait3A_283 = arith.constant 3 : i32
      %dma_wait3A_284 = arith.constant 0 : i32
      %dma_wait3A_285 = arith.constant 0 : i32
      %dma_wait3A_286 = tpu.memref_slice %arg10[%dma_wait3A_283, %dma_wait3A_284, %dma_wait3A_285] : memref<4x64x128xbf16, #tpu.memory_space<vmem>> -> memref<1x64x128xbf16, #tpu.memory_space<vmem>>
      %dma_wait3A_287 = tpu.memref_squeeze %dma_wait3A_286 : memref<1x64x128xbf16, #tpu.memory_space<vmem>> -> memref<64x128xbf16, #tpu.memory_space<vmem>>
      %dma_wait3A_288 = arith.constant 0 : i32
      %dma_wait3A_289 = tpu.memref_slice %arg8[%rem3A_94, %dma_wait3A_282, %dma_wait3A_288] : memref<2x8x64xi32, #tpu.memory_space<vmem>> -> memref<1x1x64xi32, #tpu.memory_space<vmem>>
      %dma_wait3A_290 = tpu.memref_squeeze %dma_wait3A_289 : memref<1x1x64xi32, #tpu.memory_space<vmem>> -> memref<64xi32, #tpu.memory_space<vmem>>
      %dma_wait3A_291 = arith.constant 0 : i32
      %dma_wait3A_292 = arith.constant 0 : i32
      %dma_wait3A_293 = tpu.memref_slice %arg3[%dma_wait3A_291, %dma_wait3A_292] : memref<10112x128xbf16, #tpu.memory_space<hbm>> -> memref<10112x128xbf16, #tpu.memory_space<hbm>>
      tpu.wait_indirect_dma semaphore(%arg15 : memref<!tpu.dma_semaphore, #tpu.memory_space<semaphore_mem>>) src(%dma_wait3A_293 : memref<10112x128xbf16, #tpu.memory_space<hbm>>) dst(%dma_wait3A_287 : memref<64x128xbf16, #tpu.memory_space<vmem>>)
      %dma_start3A_294 = arith.constant 5 : i32
      %dma_start3A_295 = arith.constant 1 : i32
      %dma_start3A_296 = arith.constant 0 : i32
      %dma_start3A_297 = arith.constant 0 : i32
      %dma_start3A_298 = tpu.memref_slice %arg10[%dma_start3A_295, %dma_start3A_296, %dma_start3A_297] : memref<4x64x128xbf16, #tpu.memory_space<vmem>> -> memref<1x64x128xbf16, #tpu.memory_space<vmem>>
      %dma_start3A_299 = tpu.memref_squeeze %dma_start3A_298 : memref<1x64x128xbf16, #tpu.memory_space<vmem>> -> memref<64x128xbf16, #tpu.memory_space<vmem>>
      %dma_start3A_300 = arith.constant 0 : i32
      %dma_start3A_301 = tpu.memref_slice %arg8[%rem3A_94, %dma_start3A_294, %dma_start3A_300] : memref<2x8x64xi32, #tpu.memory_space<vmem>> -> memref<1x1x64xi32, #tpu.memory_space<vmem>>
      %dma_start3A_302 = tpu.memref_squeeze %dma_start3A_301 : memref<1x1x64xi32, #tpu.memory_space<vmem>> -> memref<64xi32, #tpu.memory_space<vmem>>
      %dma_start3A_303 = arith.constant 0 : i32
      %dma_start3A_304 = arith.constant 0 : i32
      %dma_start3A_305 = tpu.memref_slice %arg3[%dma_start3A_303, %dma_start3A_304] : memref<10112x128xbf16, #tpu.memory_space<hbm>> -> memref<10112x128xbf16, #tpu.memory_space<hbm>>
      tpu.enqueue_indirect_dma source(%dma_start3A_305 : memref<10112x128xbf16, #tpu.memory_space<hbm>>) target(%dma_start3A_299 : memref<64x128xbf16, #tpu.memory_space<vmem>>) offsets(%dma_start3A_302 : memref<64xi32, #tpu.memory_space<vmem>>) semaphore(%arg15 : memref<!tpu.dma_semaphore, #tpu.memory_space<semaphore_mem>>)
      %dma_wait3A_306 = arith.constant 1 : i32
      %dma_wait3A_307 = arith.constant 3 : i32
      %dma_wait3A_308 = arith.constant 0 : i32
      %dma_wait3A_309 = arith.constant 0 : i32
      %dma_wait3A_310 = tpu.memref_slice %arg11[%dma_wait3A_306, %dma_wait3A_308, %dma_wait3A_309] : memref<2x64x128xf32, #tpu.memory_space<vmem>> -> memref<1x64x128xf32, #tpu.memory_space<vmem>>
      %dma_wait3A_311 = tpu.memref_squeeze %dma_wait3A_310 : memref<1x64x128xf32, #tpu.memory_space<vmem>> -> memref<64x128xf32, #tpu.memory_space<vmem>>
      %dma_wait3A_312 = arith.constant 0 : i32
      %dma_wait3A_313 = tpu.memref_slice %arg9[%rem3A_94, %dma_wait3A_307, %dma_wait3A_312] : memref<2x8x64xi32, #tpu.memory_space<vmem>> -> memref<1x1x64xi32, #tpu.memory_space<vmem>>
      %dma_wait3A_314 = tpu.memref_squeeze %dma_wait3A_313 : memref<1x1x64xi32, #tpu.memory_space<vmem>> -> memref<64xi32, #tpu.memory_space<vmem>>
      %dma_wait3A_315 = arith.constant 0 : i32
      %dma_wait3A_316 = arith.constant 0 : i32
      %dma_wait3A_317 = tpu.memref_slice %arg13[%dma_wait3A_315, %dma_wait3A_316] : memref<10112x128xf32, #tpu.memory_space<vmem_shared>> -> memref<10112x128xf32, #tpu.memory_space<vmem_shared>>
      tpu.wait_indirect_dma semaphore(%arg16 : memref<!tpu.dma_semaphore, #tpu.memory_space<semaphore_mem>>) src(%dma_wait3A_311 : memref<64x128xf32, #tpu.memory_space<vmem>>) dst(%dma_wait3A_317 : memref<10112x128xf32, #tpu.memory_space<vmem_shared>>)
      %dma_wait3A_318 = arith.constant 3 : i32
      %dma_wait3A_319 = arith.constant 0 : i32
      %dma_wait3A_320 = tpu.memref_slice %arg9[%rem3A_94, %dma_wait3A_318, %dma_wait3A_319] : memref<2x8x64xi32, #tpu.memory_space<vmem>> -> memref<1x1x64xi32, #tpu.memory_space<vmem>>
      %dma_wait3A_321 = tpu.memref_squeeze %dma_wait3A_320 : memref<1x1x64xi32, #tpu.memory_space<vmem>> -> memref<64xi32, #tpu.memory_space<vmem>>
      %dma_wait3A_322 = arith.constant 0 : i32
      %dma_wait3A_323 = arith.constant 0 : i32
      %dma_wait3A_324 = tpu.memref_slice %arg14[%dma_wait3A_322, %dma_wait3A_323] : memref<10112x16xf32, #tpu.memory_space<vmem_shared>> -> memref<10112x16xf32, #tpu.memory_space<vmem_shared>>
      tpu.wait_indirect_dma semaphore(%arg16 : memref<!tpu.dma_semaphore, #tpu.memory_space<semaphore_mem>>) src(%arg12 : memref<64x16xf32, #tpu.memory_space<vmem>>) dst(%dma_wait3A_324 : memref<10112x16xf32, #tpu.memory_space<vmem_shared>>)
      %scan3A_325 = arith.constant 0 : i32
      %scan3A_326 = arith.constant 0 : i32
      %scan3A_327 = arith.constant 64 : i32
      %scan3A_328 = arith.addi %scan3A_326, %scan3A_327 : i32
      %scan3A_329 = arith.constant 1 : i32
      scf.for %scan3A_612 = %scan3A_326 to %scan3A_328 step %scan3A_329  : i32 {
        %get3A = arith.constant 3 : i32
        %get3A_613 = arith.index_cast %get3A : i32 to index
        %get3A_614 = arith.index_cast %scan3A_612 : i32 to index
        %get3A_615 = arith.constant 0 : index
        %get3A_616 = tpu.vector_load %arg10[%get3A_613, %get3A_614, %get3A_615] {strides = array<i32>} : memref<4x64x128xbf16, #tpu.memory_space<vmem>>, vector<32xbf16>,
        %unpack3A = tpu.unpack_subelements %get3A_616, 0 {pack_format = #tpu.pack_format<interleaved>} : vector<32xbf16> -> vector<16xf32>
        %unpack3A_617 = tpu.unpack_subelements %get3A_616, 1 {pack_format = #tpu.pack_format<interleaved>} : vector<32xbf16> -> vector<16xf32>
        %swap3A = arith.constant 1 : i32
        %swap3A_618 = arith.index_cast %swap3A : i32 to index
        %swap3A_619 = arith.index_cast %scan3A_612 : i32 to index
        %swap3A_620 = arith.constant 0 : index
        %swap3A_621 = tpu.vector_load %arg11[%swap3A_618, %swap3A_619, %swap3A_620] {strides = array<i32>} : memref<2x64x128xf32, #tpu.memory_space<vmem>>, vector<16xf32>,
        tpu.vector_store %arg11[%swap3A_618, %swap3A_619, %swap3A_620], %unpack3A {strides = array<i32>} : memref<2x64x128xf32, #tpu.memory_space<vmem>>, vector<16xf32>,
        %swap3A_622 = arith.constant 1 : i32
        %swap3A_623 = arith.index_cast %swap3A_622 : i32 to index
        %swap3A_624 = arith.index_cast %scan3A_612 : i32 to index
        %swap3A_625 = arith.constant 16 : index
        %swap3A_626 = tpu.vector_load %arg11[%swap3A_623, %swap3A_624, %swap3A_625] {strides = array<i32>} : memref<2x64x128xf32, #tpu.memory_space<vmem>>, vector<16xf32>,
        tpu.vector_store %arg11[%swap3A_623, %swap3A_624, %swap3A_625], %unpack3A_617 {strides = array<i32>} : memref<2x64x128xf32, #tpu.memory_space<vmem>>, vector<16xf32>,
        %get3A_627 = arith.constant 3 : i32
        %get3A_628 = arith.index_cast %get3A_627 : i32 to index
        %get3A_629 = arith.index_cast %scan3A_612 : i32 to index
        %get3A_630 = arith.constant 32 : index
        %get3A_631 = tpu.vector_load %arg10[%get3A_628, %get3A_629, %get3A_630] {strides = array<i32>} : memref<4x64x128xbf16, #tpu.memory_space<vmem>>, vector<32xbf16>,
        %unpack3A_632 = tpu.unpack_subelements %get3A_631, 0 {pack_format = #tpu.pack_format<interleaved>} : vector<32xbf16> -> vector<16xf32>
        %unpack3A_633 = tpu.unpack_subelements %get3A_631, 1 {pack_format = #tpu.pack_format<interleaved>} : vector<32xbf16> -> vector<16xf32>
        %swap3A_634 = arith.constant 1 : i32
        %swap3A_635 = arith.index_cast %swap3A_634 : i32 to index
        %swap3A_636 = arith.index_cast %scan3A_612 : i32 to index
        %swap3A_637 = arith.constant 32 : index
        %swap3A_638 = tpu.vector_load %arg11[%swap3A_635, %swap3A_636, %swap3A_637] {strides = array<i32>} : memref<2x64x128xf32, #tpu.memory_space<vmem>>, vector<16xf32>,
        tpu.vector_store %arg11[%swap3A_635, %swap3A_636, %swap3A_637], %unpack3A_632 {strides = array<i32>} : memref<2x64x128xf32, #tpu.memory_space<vmem>>, vector<16xf32>,
        %swap3A_639 = arith.constant 1 : i32
        %swap3A_640 = arith.index_cast %swap3A_639 : i32 to index
        %swap3A_641 = arith.index_cast %scan3A_612 : i32 to index
        %swap3A_642 = arith.constant 48 : index
        %swap3A_643 = tpu.vector_load %arg11[%swap3A_640, %swap3A_641, %swap3A_642] {strides = array<i32>} : memref<2x64x128xf32, #tpu.memory_space<vmem>>, vector<16xf32>,
        tpu.vector_store %arg11[%swap3A_640, %swap3A_641, %swap3A_642], %unpack3A_633 {strides = array<i32>} : memref<2x64x128xf32, #tpu.memory_space<vmem>>, vector<16xf32>,
        %get3A_644 = arith.constant 3 : i32
        %get3A_645 = arith.index_cast %get3A_644 : i32 to index
        %get3A_646 = arith.index_cast %scan3A_612 : i32 to index
        %get3A_647 = arith.constant 64 : index
        %get3A_648 = tpu.vector_load %arg10[%get3A_645, %get3A_646, %get3A_647] {strides = array<i32>} : memref<4x64x128xbf16, #tpu.memory_space<vmem>>, vector<32xbf16>,
        %unpack3A_649 = tpu.unpack_subelements %get3A_648, 0 {pack_format = #tpu.pack_format<interleaved>} : vector<32xbf16> -> vector<16xf32>
        %unpack3A_650 = tpu.unpack_subelements %get3A_648, 1 {pack_format = #tpu.pack_format<interleaved>} : vector<32xbf16> -> vector<16xf32>
        %swap3A_651 = arith.constant 1 : i32
        %swap3A_652 = arith.index_cast %swap3A_651 : i32 to index
        %swap3A_653 = arith.index_cast %scan3A_612 : i32 to index
        %swap3A_654 = arith.constant 64 : index
        %swap3A_655 = tpu.vector_load %arg11[%swap3A_652, %swap3A_653, %swap3A_654] {strides = array<i32>} : memref<2x64x128xf32, #tpu.memory_space<vmem>>, vector<16xf32>,
        tpu.vector_store %arg11[%swap3A_652, %swap3A_653, %swap3A_654], %unpack3A_649 {strides = array<i32>} : memref<2x64x128xf32, #tpu.memory_space<vmem>>, vector<16xf32>,
        %swap3A_656 = arith.constant 1 : i32
        %swap3A_657 = arith.index_cast %swap3A_656 : i32 to index
        %swap3A_658 = arith.index_cast %scan3A_612 : i32 to index
        %swap3A_659 = arith.constant 80 : index
        %swap3A_660 = tpu.vector_load %arg11[%swap3A_657, %swap3A_658, %swap3A_659] {strides = array<i32>} : memref<2x64x128xf32, #tpu.memory_space<vmem>>, vector<16xf32>,
        tpu.vector_store %arg11[%swap3A_657, %swap3A_658, %swap3A_659], %unpack3A_650 {strides = array<i32>} : memref<2x64x128xf32, #tpu.memory_space<vmem>>, vector<16xf32>,
        %get3A_661 = arith.constant 3 : i32
        %get3A_662 = arith.index_cast %get3A_661 : i32 to index
        %get3A_663 = arith.index_cast %scan3A_612 : i32 to index
        %get3A_664 = arith.constant 96 : index
        %get3A_665 = tpu.vector_load %arg10[%get3A_662, %get3A_663, %get3A_664] {strides = array<i32>} : memref<4x64x128xbf16, #tpu.memory_space<vmem>>, vector<32xbf16>,
        %unpack3A_666 = tpu.unpack_subelements %get3A_665, 0 {pack_format = #tpu.pack_format<interleaved>} : vector<32xbf16> -> vector<16xf32>
        %unpack3A_667 = tpu.unpack_subelements %get3A_665, 1 {pack_format = #tpu.pack_format<interleaved>} : vector<32xbf16> -> vector<16xf32>
        %swap3A_668 = arith.constant 1 : i32
        %swap3A_669 = arith.index_cast %swap3A_668 : i32 to index
        %swap3A_670 = arith.index_cast %scan3A_612 : i32 to index
        %swap3A_671 = arith.constant 96 : index
        %swap3A_672 = tpu.vector_load %arg11[%swap3A_669, %swap3A_670, %swap3A_671] {strides = array<i32>} : memref<2x64x128xf32, #tpu.memory_space<vmem>>, vector<16xf32>,
        tpu.vector_store %arg11[%swap3A_669, %swap3A_670, %swap3A_671], %unpack3A_666 {strides = array<i32>} : memref<2x64x128xf32, #tpu.memory_space<vmem>>, vector<16xf32>,
        %swap3A_673 = arith.constant 1 : i32
        %swap3A_674 = arith.index_cast %swap3A_673 : i32 to index
        %swap3A_675 = arith.index_cast %scan3A_612 : i32 to index
        %swap3A_676 = arith.constant 112 : index
        %swap3A_677 = tpu.vector_load %arg11[%swap3A_674, %swap3A_675, %swap3A_676] {strides = array<i32>} : memref<2x64x128xf32, #tpu.memory_space<vmem>>, vector<16xf32>,
        tpu.vector_store %arg11[%swap3A_674, %swap3A_675, %swap3A_676], %unpack3A_667 {strides = array<i32>} : memref<2x64x128xf32, #tpu.memory_space<vmem>>, vector<16xf32>,
      }
      %scan3A_330 = arith.constant 64 : i32
      %dma_start3A_331 = arith.constant 1 : i32
      %dma_start3A_332 = arith.constant 3 : i32
      %dma_start3A_333 = arith.constant 0 : i32
      %dma_start3A_334 = arith.constant 0 : i32
      %dma_start3A_335 = tpu.memref_slice %arg11[%dma_start3A_331, %dma_start3A_333, %dma_start3A_334] : memref<2x64x128xf32, #tpu.memory_space<vmem>> -> memref<1x64x128xf32, #tpu.memory_space<vmem>>
      %dma_start3A_336 = tpu.memref_squeeze %dma_start3A_335 : memref<1x64x128xf32, #tpu.memory_space<vmem>> -> memref<64x128xf32, #tpu.memory_space<vmem>>
      %dma_start3A_337 = arith.constant 0 : i32
      %dma_start3A_338 = tpu.memref_slice %arg9[%rem3A_94, %dma_start3A_332, %dma_start3A_337] : memref<2x8x64xi32, #tpu.memory_space<vmem>> -> memref<1x1x64xi32, #tpu.memory_space<vmem>>
      %dma_start3A_339 = tpu.memref_squeeze %dma_start3A_338 : memref<1x1x64xi32, #tpu.memory_space<vmem>> -> memref<64xi32, #tpu.memory_space<vmem>>
      %dma_start3A_340 = arith.constant 0 : i32
      %dma_start3A_341 = arith.constant 0 : i32
      %dma_start3A_342 = tpu.memref_slice %arg13[%dma_start3A_340, %dma_start3A_341] : memref<10112x128xf32, #tpu.memory_space<vmem_shared>> -> memref<10112x128xf32, #tpu.memory_space<vmem_shared>>
      tpu.enqueue_indirect_dma source(%dma_start3A_336 : memref<64x128xf32, #tpu.memory_space<vmem>>) target(%dma_start3A_342 : memref<10112x128xf32, #tpu.memory_space<vmem_shared>>) offsets(%dma_start3A_339 : memref<64xi32, #tpu.memory_space<vmem>>) semaphore(%arg16 : memref<!tpu.dma_semaphore, #tpu.memory_space<semaphore_mem>>) {add = true}
      %dma_start3A_343 = arith.constant 3 : i32
      %dma_start3A_344 = arith.constant 0 : i32
      %dma_start3A_345 = tpu.memref_slice %arg9[%rem3A_94, %dma_start3A_343, %dma_start3A_344] : memref<2x8x64xi32, #tpu.memory_space<vmem>> -> memref<1x1x64xi32, #tpu.memory_space<vmem>>
      %dma_start3A_346 = tpu.memref_squeeze %dma_start3A_345 : memref<1x1x64xi32, #tpu.memory_space<vmem>> -> memref<64xi32, #tpu.memory_space<vmem>>
      %dma_start3A_347 = arith.constant 0 : i32
      %dma_start3A_348 = arith.constant 0 : i32
      %dma_start3A_349 = tpu.memref_slice %arg14[%dma_start3A_347, %dma_start3A_348] : memref<10112x16xf32, #tpu.memory_space<vmem_shared>> -> memref<10112x16xf32, #tpu.memory_space<vmem_shared>>
      tpu.enqueue_indirect_dma source(%arg12 : memref<64x16xf32, #tpu.memory_space<vmem>>) target(%dma_start3A_349 : memref<10112x16xf32, #tpu.memory_space<vmem_shared>>) offsets(%dma_start3A_346 : memref<64xi32, #tpu.memory_space<vmem>>) semaphore(%arg16 : memref<!tpu.dma_semaphore, #tpu.memory_space<semaphore_mem>>) {add = true}
      %dma_wait3A_350 = arith.constant 4 : i32
      %dma_wait3A_351 = arith.constant 0 : i32
      %dma_wait3A_352 = arith.constant 0 : i32
      %dma_wait3A_353 = arith.constant 0 : i32
      %dma_wait3A_354 = tpu.memref_slice %arg10[%dma_wait3A_351, %dma_wait3A_352, %dma_wait3A_353] : memref<4x64x128xbf16, #tpu.memory_space<vmem>> -> memref<1x64x128xbf16, #tpu.memory_space<vmem>>
      %dma_wait3A_355 = tpu.memref_squeeze %dma_wait3A_354 : memref<1x64x128xbf16, #tpu.memory_space<vmem>> -> memref<64x128xbf16, #tpu.memory_space<vmem>>
      %dma_wait3A_356 = arith.constant 0 : i32
      %dma_wait3A_357 = tpu.memref_slice %arg8[%rem3A_94, %dma_wait3A_350, %dma_wait3A_356] : memref<2x8x64xi32, #tpu.memory_space<vmem>> -> memref<1x1x64xi32, #tpu.memory_space<vmem>>
      %dma_wait3A_358 = tpu.memref_squeeze %dma_wait3A_357 : memref<1x1x64xi32, #tpu.memory_space<vmem>> -> memref<64xi32, #tpu.memory_space<vmem>>
      %dma_wait3A_359 = arith.constant 0 : i32
      %dma_wait3A_360 = arith.constant 0 : i32
      %dma_wait3A_361 = tpu.memref_slice %arg3[%dma_wait3A_359, %dma_wait3A_360] : memref<10112x128xbf16, #tpu.memory_space<hbm>> -> memref<10112x128xbf16, #tpu.memory_space<hbm>>
      tpu.wait_indirect_dma semaphore(%arg15 : memref<!tpu.dma_semaphore, #tpu.memory_space<semaphore_mem>>) src(%dma_wait3A_361 : memref<10112x128xbf16, #tpu.memory_space<hbm>>) dst(%dma_wait3A_355 : memref<64x128xbf16, #tpu.memory_space<vmem>>)
      %dma_start3A_362 = arith.constant 6 : i32
      %dma_start3A_363 = arith.constant 2 : i32
      %dma_start3A_364 = arith.constant 0 : i32
      %dma_start3A_365 = arith.constant 0 : i32
      %dma_start3A_366 = tpu.memref_slice %arg10[%dma_start3A_363, %dma_start3A_364, %dma_start3A_365] : memref<4x64x128xbf16, #tpu.memory_space<vmem>> -> memref<1x64x128xbf16, #tpu.memory_space<vmem>>
      %dma_start3A_367 = tpu.memref_squeeze %dma_start3A_366 : memref<1x64x128xbf16, #tpu.memory_space<vmem>> -> memref<64x128xbf16, #tpu.memory_space<vmem>>
      %dma_start3A_368 = arith.constant 0 : i32
      %dma_start3A_369 = tpu.memref_slice %arg8[%rem3A_94, %dma_start3A_362, %dma_start3A_368] : memref<2x8x64xi32, #tpu.memory_space<vmem>> -> memref<1x1x64xi32, #tpu.memory_space<vmem>>
      %dma_start3A_370 = tpu.memref_squeeze %dma_start3A_369 : memref<1x1x64xi32, #tpu.memory_space<vmem>> -> memref<64xi32, #tpu.memory_space<vmem>>
      %dma_start3A_371 = arith.constant 0 : i32
      %dma_start3A_372 = arith.constant 0 : i32
      %dma_start3A_373 = tpu.memref_slice %arg3[%dma_start3A_371, %dma_start3A_372] : memref<10112x128xbf16, #tpu.memory_space<hbm>> -> memref<10112x128xbf16, #tpu.memory_space<hbm>>
      tpu.enqueue_indirect_dma source(%dma_start3A_373 : memref<10112x128xbf16, #tpu.memory_space<hbm>>) target(%dma_start3A_367 : memref<64x128xbf16, #tpu.memory_space<vmem>>) offsets(%dma_start3A_370 : memref<64xi32, #tpu.memory_space<vmem>>) semaphore(%arg15 : memref<!tpu.dma_semaphore, #tpu.memory_space<semaphore_mem>>)
      %dma_wait3A_374 = arith.constant 0 : i32
      %dma_wait3A_375 = arith.constant 4 : i32
      %dma_wait3A_376 = arith.constant 0 : i32
      %dma_wait3A_377 = arith.constant 0 : i32
      %dma_wait3A_378 = tpu.memref_slice %arg11[%dma_wait3A_374, %dma_wait3A_376, %dma_wait3A_377] : memref<2x64x128xf32, #tpu.memory_space<vmem>> -> memref<1x64x128xf32, #tpu.memory_space<vmem>>
      %dma_wait3A_379 = tpu.memref_squeeze %dma_wait3A_378 : memref<1x64x128xf32, #tpu.memory_space<vmem>> -> memref<64x128xf32, #tpu.memory_space<vmem>>
      %dma_wait3A_380 = arith.constant 0 : i32
      %dma_wait3A_381 = tpu.memref_slice %arg9[%rem3A_94, %dma_wait3A_375, %dma_wait3A_380] : memref<2x8x64xi32, #tpu.memory_space<vmem>> -> memref<1x1x64xi32, #tpu.memory_space<vmem>>
      %dma_wait3A_382 = tpu.memref_squeeze %dma_wait3A_381 : memref<1x1x64xi32, #tpu.memory_space<vmem>> -> memref<64xi32, #tpu.memory_space<vmem>>
      %dma_wait3A_383 = arith.constant 0 : i32
      %dma_wait3A_384 = arith.constant 0 : i32
      %dma_wait3A_385 = tpu.memref_slice %arg13[%dma_wait3A_383, %dma_wait3A_384] : memref<10112x128xf32, #tpu.memory_space<vmem_shared>> -> memref<10112x128xf32, #tpu.memory_space<vmem_shared>>
      tpu.wait_indirect_dma semaphore(%arg16 : memref<!tpu.dma_semaphore, #tpu.memory_space<semaphore_mem>>) src(%dma_wait3A_379 : memref<64x128xf32, #tpu.memory_space<vmem>>) dst(%dma_wait3A_385 : memref<10112x128xf32, #tpu.memory_space<vmem_shared>>)
      %dma_wait3A_386 = arith.constant 4 : i32
      %dma_wait3A_387 = arith.constant 0 : i32
      %dma_wait3A_388 = tpu.memref_slice %arg9[%rem3A_94, %dma_wait3A_386, %dma_wait3A_387] : memref<2x8x64xi32, #tpu.memory_space<vmem>> -> memref<1x1x64xi32, #tpu.memory_space<vmem>>
      %dma_wait3A_389 = tpu.memref_squeeze %dma_wait3A_388 : memref<1x1x64xi32, #tpu.memory_space<vmem>> -> memref<64xi32, #tpu.memory_space<vmem>>
      %dma_wait3A_390 = arith.constant 0 : i32
      %dma_wait3A_391 = arith.constant 0 : i32
      %dma_wait3A_392 = tpu.memref_slice %arg14[%dma_wait3A_390, %dma_wait3A_391] : memref<10112x16xf32, #tpu.memory_space<vmem_shared>> -> memref<10112x16xf32, #tpu.memory_space<vmem_shared>>
      tpu.wait_indirect_dma semaphore(%arg16 : memref<!tpu.dma_semaphore, #tpu.memory_space<semaphore_mem>>) src(%arg12 : memref<64x16xf32, #tpu.memory_space<vmem>>) dst(%dma_wait3A_392 : memref<10112x16xf32, #tpu.memory_space<vmem_shared>>)
      %scan3A_393 = arith.constant 0 : i32
      %scan3A_394 = arith.constant 0 : i32
      %scan3A_395 = arith.constant 64 : i32
      %scan3A_396 = arith.addi %scan3A_394, %scan3A_395 : i32
      %scan3A_397 = arith.constant 1 : i32
      scf.for %scan3A_612 = %scan3A_394 to %scan3A_396 step %scan3A_397  : i32 {
        %get3A = arith.constant 0 : i32
        %get3A_613 = arith.index_cast %get3A : i32 to index
        %get3A_614 = arith.index_cast %scan3A_612 : i32 to index
        %get3A_615 = arith.constant 0 : index
        %get3A_616 = tpu.vector_load %arg10[%get3A_613, %get3A_614, %get3A_615] {strides = array<i32>} : memref<4x64x128xbf16, #tpu.memory_space<vmem>>, vector<32xbf16>,
        %unpack3A = tpu.unpack_subelements %get3A_616, 0 {pack_format = #tpu.pack_format<interleaved>} : vector<32xbf16> -> vector<16xf32>
        %unpack3A_617 = tpu.unpack_subelements %get3A_616, 1 {pack_format = #tpu.pack_format<interleaved>} : vector<32xbf16> -> vector<16xf32>
        %swap3A = arith.constant 0 : i32
        %swap3A_618 = arith.index_cast %swap3A : i32 to index
        %swap3A_619 = arith.index_cast %scan3A_612 : i32 to index
        %swap3A_620 = arith.constant 0 : index
        %swap3A_621 = tpu.vector_load %arg11[%swap3A_618, %swap3A_619, %swap3A_620] {strides = array<i32>} : memref<2x64x128xf32, #tpu.memory_space<vmem>>, vector<16xf32>,
        tpu.vector_store %arg11[%swap3A_618, %swap3A_619, %swap3A_620], %unpack3A {strides = array<i32>} : memref<2x64x128xf32, #tpu.memory_space<vmem>>, vector<16xf32>,
        %swap3A_622 = arith.constant 0 : i32
        %swap3A_623 = arith.index_cast %swap3A_622 : i32 to index
        %swap3A_624 = arith.index_cast %scan3A_612 : i32 to index
        %swap3A_625 = arith.constant 16 : index
        %swap3A_626 = tpu.vector_load %arg11[%swap3A_623, %swap3A_624, %swap3A_625] {strides = array<i32>} : memref<2x64x128xf32, #tpu.memory_space<vmem>>, vector<16xf32>,
        tpu.vector_store %arg11[%swap3A_623, %swap3A_624, %swap3A_625], %unpack3A_617 {strides = array<i32>} : memref<2x64x128xf32, #tpu.memory_space<vmem>>, vector<16xf32>,
        %get3A_627 = arith.constant 0 : i32
        %get3A_628 = arith.index_cast %get3A_627 : i32 to index
        %get3A_629 = arith.index_cast %scan3A_612 : i32 to index
        %get3A_630 = arith.constant 32 : index
        %get3A_631 = tpu.vector_load %arg10[%get3A_628, %get3A_629, %get3A_630] {strides = array<i32>} : memref<4x64x128xbf16, #tpu.memory_space<vmem>>, vector<32xbf16>,
        %unpack3A_632 = tpu.unpack_subelements %get3A_631, 0 {pack_format = #tpu.pack_format<interleaved>} : vector<32xbf16> -> vector<16xf32>
        %unpack3A_633 = tpu.unpack_subelements %get3A_631, 1 {pack_format = #tpu.pack_format<interleaved>} : vector<32xbf16> -> vector<16xf32>
        %swap3A_634 = arith.constant 0 : i32
        %swap3A_635 = arith.index_cast %swap3A_634 : i32 to index
        %swap3A_636 = arith.index_cast %scan3A_612 : i32 to index
        %swap3A_637 = arith.constant 32 : index
        %swap3A_638 = tpu.vector_load %arg11[%swap3A_635, %swap3A_636, %swap3A_637] {strides = array<i32>} : memref<2x64x128xf32, #tpu.memory_space<vmem>>, vector<16xf32>,
        tpu.vector_store %arg11[%swap3A_635, %swap3A_636, %swap3A_637], %unpack3A_632 {strides = array<i32>} : memref<2x64x128xf32, #tpu.memory_space<vmem>>, vector<16xf32>,
        %swap3A_639 = arith.constant 0 : i32
        %swap3A_640 = arith.index_cast %swap3A_639 : i32 to index
        %swap3A_641 = arith.index_cast %scan3A_612 : i32 to index
        %swap3A_642 = arith.constant 48 : index
        %swap3A_643 = tpu.vector_load %arg11[%swap3A_640, %swap3A_641, %swap3A_642] {strides = array<i32>} : memref<2x64x128xf32, #tpu.memory_space<vmem>>, vector<16xf32>,
        tpu.vector_store %arg11[%swap3A_640, %swap3A_641, %swap3A_642], %unpack3A_633 {strides = array<i32>} : memref<2x64x128xf32, #tpu.memory_space<vmem>>, vector<16xf32>,
        %get3A_644 = arith.constant 0 : i32
        %get3A_645 = arith.index_cast %get3A_644 : i32 to index
        %get3A_646 = arith.index_cast %scan3A_612 : i32 to index
        %get3A_647 = arith.constant 64 : index
        %get3A_648 = tpu.vector_load %arg10[%get3A_645, %get3A_646, %get3A_647] {strides = array<i32>} : memref<4x64x128xbf16, #tpu.memory_space<vmem>>, vector<32xbf16>,
        %unpack3A_649 = tpu.unpack_subelements %get3A_648, 0 {pack_format = #tpu.pack_format<interleaved>} : vector<32xbf16> -> vector<16xf32>
        %unpack3A_650 = tpu.unpack_subelements %get3A_648, 1 {pack_format = #tpu.pack_format<interleaved>} : vector<32xbf16> -> vector<16xf32>
        %swap3A_651 = arith.constant 0 : i32
        %swap3A_652 = arith.index_cast %swap3A_651 : i32 to index
        %swap3A_653 = arith.index_cast %scan3A_612 : i32 to index
        %swap3A_654 = arith.constant 64 : index
        %swap3A_655 = tpu.vector_load %arg11[%swap3A_652, %swap3A_653, %swap3A_654] {strides = array<i32>} : memref<2x64x128xf32, #tpu.memory_space<vmem>>, vector<16xf32>,
        tpu.vector_store %arg11[%swap3A_652, %swap3A_653, %swap3A_654], %unpack3A_649 {strides = array<i32>} : memref<2x64x128xf32, #tpu.memory_space<vmem>>, vector<16xf32>,
        %swap3A_656 = arith.constant 0 : i32
        %swap3A_657 = arith.index_cast %swap3A_656 : i32 to index
        %swap3A_658 = arith.index_cast %scan3A_612 : i32 to index
        %swap3A_659 = arith.constant 80 : index
        %swap3A_660 = tpu.vector_load %arg11[%swap3A_657, %swap3A_658, %swap3A_659] {strides = array<i32>} : memref<2x64x128xf32, #tpu.memory_space<vmem>>, vector<16xf32>,
        tpu.vector_store %arg11[%swap3A_657, %swap3A_658, %swap3A_659], %unpack3A_650 {strides = array<i32>} : memref<2x64x128xf32, #tpu.memory_space<vmem>>, vector<16xf32>,
        %get3A_661 = arith.constant 0 : i32
        %get3A_662 = arith.index_cast %get3A_661 : i32 to index
        %get3A_663 = arith.index_cast %scan3A_612 : i32 to index
        %get3A_664 = arith.constant 96 : index
        %get3A_665 = tpu.vector_load %arg10[%get3A_662, %get3A_663, %get3A_664] {strides = array<i32>} : memref<4x64x128xbf16, #tpu.memory_space<vmem>>, vector<32xbf16>,
        %unpack3A_666 = tpu.unpack_subelements %get3A_665, 0 {pack_format = #tpu.pack_format<interleaved>} : vector<32xbf16> -> vector<16xf32>
        %unpack3A_667 = tpu.unpack_subelements %get3A_665, 1 {pack_format = #tpu.pack_format<interleaved>} : vector<32xbf16> -> vector<16xf32>
        %swap3A_668 = arith.constant 0 : i32
        %swap3A_669 = arith.index_cast %swap3A_668 : i32 to index
        %swap3A_670 = arith.index_cast %scan3A_612 : i32 to index
        %swap3A_671 = arith.constant 96 : index
        %swap3A_672 = tpu.vector_load %arg11[%swap3A_669, %swap3A_670, %swap3A_671] {strides = array<i32>} : memref<2x64x128xf32, #tpu.memory_space<vmem>>, vector<16xf32>,
        tpu.vector_store %arg11[%swap3A_669, %swap3A_670, %swap3A_671], %unpack3A_666 {strides = array<i32>} : memref<2x64x128xf32, #tpu.memory_space<vmem>>, vector<16xf32>,
        %swap3A_673 = arith.constant 0 : i32
        %swap3A_674 = arith.index_cast %swap3A_673 : i32 to index
        %swap3A_675 = arith.index_cast %scan3A_612 : i32 to index
        %swap3A_676 = arith.constant 112 : index
        %swap3A_677 = tpu.vector_load %arg11[%swap3A_674, %swap3A_675, %swap3A_676] {strides = array<i32>} : memref<2x64x128xf32, #tpu.memory_space<vmem>>, vector<16xf32>,
        tpu.vector_store %arg11[%swap3A_674, %swap3A_675, %swap3A_676], %unpack3A_667 {strides = array<i32>} : memref<2x64x128xf32, #tpu.memory_space<vmem>>, vector<16xf32>,
      }
      %scan3A_398 = arith.constant 64 : i32
      %dma_start3A_399 = arith.constant 0 : i32
      %dma_start3A_400 = arith.constant 4 : i32
      %dma_start3A_401 = arith.constant 0 : i32
      %dma_start3A_402 = arith.constant 0 : i32
      %dma_start3A_403 = tpu.memref_slice %arg11[%dma_start3A_399, %dma_start3A_401, %dma_start3A_402] : memref<2x64x128xf32, #tpu.memory_space<vmem>> -> memref<1x64x128xf32, #tpu.memory_space<vmem>>
      %dma_start3A_404 = tpu.memref_squeeze %dma_start3A_403 : memref<1x64x128xf32, #tpu.memory_space<vmem>> -> memref<64x128xf32, #tpu.memory_space<vmem>>
      %dma_start3A_405 = arith.constant 0 : i32
      %dma_start3A_406 = tpu.memref_slice %arg9[%rem3A_94, %dma_start3A_400, %dma_start3A_405] : memref<2x8x64xi32, #tpu.memory_space<vmem>> -> memref<1x1x64xi32, #tpu.memory_space<vmem>>
      %dma_start3A_407 = tpu.memref_squeeze %dma_start3A_406 : memref<1x1x64xi32, #tpu.memory_space<vmem>> -> memref<64xi32, #tpu.memory_space<vmem>>
      %dma_start3A_408 = arith.constant 0 : i32
      %dma_start3A_409 = arith.constant 0 : i32
      %dma_start3A_410 = tpu.memref_slice %arg13[%dma_start3A_408, %dma_start3A_409] : memref<10112x128xf32, #tpu.memory_space<vmem_shared>> -> memref<10112x128xf32, #tpu.memory_space<vmem_shared>>
      tpu.enqueue_indirect_dma source(%dma_start3A_404 : memref<64x128xf32, #tpu.memory_space<vmem>>) target(%dma_start3A_410 : memref<10112x128xf32, #tpu.memory_space<vmem_shared>>) offsets(%dma_start3A_407 : memref<64xi32, #tpu.memory_space<vmem>>) semaphore(%arg16 : memref<!tpu.dma_semaphore, #tpu.memory_space<semaphore_mem>>) {add = true}
      %dma_start3A_411 = arith.constant 4 : i32
      %dma_start3A_412 = arith.constant 0 : i32
      %dma_start3A_413 = tpu.memref_slice %arg9[%rem3A_94, %dma_start3A_411, %dma_start3A_412] : memref<2x8x64xi32, #tpu.memory_space<vmem>> -> memref<1x1x64xi32, #tpu.memory_space<vmem>>
      %dma_start3A_414 = tpu.memref_squeeze %dma_start3A_413 : memref<1x1x64xi32, #tpu.memory_space<vmem>> -> memref<64xi32, #tpu.memory_space<vmem>>
      %dma_start3A_415 = arith.constant 0 : i32
      %dma_start3A_416 = arith.constant 0 : i32
      %dma_start3A_417 = tpu.memref_slice %arg14[%dma_start3A_415, %dma_start3A_416] : memref<10112x16xf32, #tpu.memory_space<vmem_shared>> -> memref<10112x16xf32, #tpu.memory_space<vmem_shared>>
      tpu.enqueue_indirect_dma source(%arg12 : memref<64x16xf32, #tpu.memory_space<vmem>>) target(%dma_start3A_417 : memref<10112x16xf32, #tpu.memory_space<vmem_shared>>) offsets(%dma_start3A_414 : memref<64xi32, #tpu.memory_space<vmem>>) semaphore(%arg16 : memref<!tpu.dma_semaphore, #tpu.memory_space<semaphore_mem>>) {add = true}
      %dma_wait3A_418 = arith.constant 5 : i32
      %dma_wait3A_419 = arith.constant 1 : i32
      %dma_wait3A_420 = arith.constant 0 : i32
      %dma_wait3A_421 = arith.constant 0 : i32
      %dma_wait3A_422 = tpu.memref_slice %arg10[%dma_wait3A_419, %dma_wait3A_420, %dma_wait3A_421] : memref<4x64x128xbf16, #tpu.memory_space<vmem>> -> memref<1x64x128xbf16, #tpu.memory_space<vmem>>
      %dma_wait3A_423 = tpu.memref_squeeze %dma_wait3A_422 : memref<1x64x128xbf16, #tpu.memory_space<vmem>> -> memref<64x128xbf16, #tpu.memory_space<vmem>>
      %dma_wait3A_424 = arith.constant 0 : i32
      %dma_wait3A_425 = tpu.memref_slice %arg8[%rem3A_94, %dma_wait3A_418, %dma_wait3A_424] : memref<2x8x64xi32, #tpu.memory_space<vmem>> -> memref<1x1x64xi32, #tpu.memory_space<vmem>>
      %dma_wait3A_426 = tpu.memref_squeeze %dma_wait3A_425 : memref<1x1x64xi32, #tpu.memory_space<vmem>> -> memref<64xi32, #tpu.memory_space<vmem>>
      %dma_wait3A_427 = arith.constant 0 : i32
      %dma_wait3A_428 = arith.constant 0 : i32
      %dma_wait3A_429 = tpu.memref_slice %arg3[%dma_wait3A_427, %dma_wait3A_428] : memref<10112x128xbf16, #tpu.memory_space<hbm>> -> memref<10112x128xbf16, #tpu.memory_space<hbm>>
      tpu.wait_indirect_dma semaphore(%arg15 : memref<!tpu.dma_semaphore, #tpu.memory_space<semaphore_mem>>) src(%dma_wait3A_429 : memref<10112x128xbf16, #tpu.memory_space<hbm>>) dst(%dma_wait3A_423 : memref<64x128xbf16, #tpu.memory_space<vmem>>)
      %dma_start3A_430 = arith.constant 7 : i32
      %dma_start3A_431 = arith.constant 3 : i32
      %dma_start3A_432 = arith.constant 0 : i32
      %dma_start3A_433 = arith.constant 0 : i32
      %dma_start3A_434 = tpu.memref_slice %arg10[%dma_start3A_431, %dma_start3A_432, %dma_start3A_433] : memref<4x64x128xbf16, #tpu.memory_space<vmem>> -> memref<1x64x128xbf16, #tpu.memory_space<vmem>>
      %dma_start3A_435 = tpu.memref_squeeze %dma_start3A_434 : memref<1x64x128xbf16, #tpu.memory_space<vmem>> -> memref<64x128xbf16, #tpu.memory_space<vmem>>
      %dma_start3A_436 = arith.constant 0 : i32
      %dma_start3A_437 = tpu.memref_slice %arg8[%rem3A_94, %dma_start3A_430, %dma_start3A_436] : memref<2x8x64xi32, #tpu.memory_space<vmem>> -> memref<1x1x64xi32, #tpu.memory_space<vmem>>
      %dma_start3A_438 = tpu.memref_squeeze %dma_start3A_437 : memref<1x1x64xi32, #tpu.memory_space<vmem>> -> memref<64xi32, #tpu.memory_space<vmem>>
      %dma_start3A_439 = arith.constant 0 : i32
      %dma_start3A_440 = arith.constant 0 : i32
      %dma_start3A_441 = tpu.memref_slice %arg3[%dma_start3A_439, %dma_start3A_440] : memref<10112x128xbf16, #tpu.memory_space<hbm>> -> memref<10112x128xbf16, #tpu.memory_space<hbm>>
      tpu.enqueue_indirect_dma source(%dma_start3A_441 : memref<10112x128xbf16, #tpu.memory_space<hbm>>) target(%dma_start3A_435 : memref<64x128xbf16, #tpu.memory_space<vmem>>) offsets(%dma_start3A_438 : memref<64xi32, #tpu.memory_space<vmem>>) semaphore(%arg15 : memref<!tpu.dma_semaphore, #tpu.memory_space<semaphore_mem>>)
      %dma_wait3A_442 = arith.constant 1 : i32
      %dma_wait3A_443 = arith.constant 5 : i32
      %dma_wait3A_444 = arith.constant 0 : i32
      %dma_wait3A_445 = arith.constant 0 : i32
      %dma_wait3A_446 = tpu.memref_slice %arg11[%dma_wait3A_442, %dma_wait3A_444, %dma_wait3A_445] : memref<2x64x128xf32, #tpu.memory_space<vmem>> -> memref<1x64x128xf32, #tpu.memory_space<vmem>>
      %dma_wait3A_447 = tpu.memref_squeeze %dma_wait3A_446 : memref<1x64x128xf32, #tpu.memory_space<vmem>> -> memref<64x128xf32, #tpu.memory_space<vmem>>
      %dma_wait3A_448 = arith.constant 0 : i32
      %dma_wait3A_449 = tpu.memref_slice %arg9[%rem3A_94, %dma_wait3A_443, %dma_wait3A_448] : memref<2x8x64xi32, #tpu.memory_space<vmem>> -> memref<1x1x64xi32, #tpu.memory_space<vmem>>
      %dma_wait3A_450 = tpu.memref_squeeze %dma_wait3A_449 : memref<1x1x64xi32, #tpu.memory_space<vmem>> -> memref<64xi32, #tpu.memory_space<vmem>>
      %dma_wait3A_451 = arith.constant 0 : i32
      %dma_wait3A_452 = arith.constant 0 : i32
      %dma_wait3A_453 = tpu.memref_slice %arg13[%dma_wait3A_451, %dma_wait3A_452] : memref<10112x128xf32, #tpu.memory_space<vmem_shared>> -> memref<10112x128xf32, #tpu.memory_space<vmem_shared>>
      tpu.wait_indirect_dma semaphore(%arg16 : memref<!tpu.dma_semaphore, #tpu.memory_space<semaphore_mem>>) src(%dma_wait3A_447 : memref<64x128xf32, #tpu.memory_space<vmem>>) dst(%dma_wait3A_453 : memref<10112x128xf32, #tpu.memory_space<vmem_shared>>)
      %dma_wait3A_454 = arith.constant 5 : i32
      %dma_wait3A_455 = arith.constant 0 : i32
      %dma_wait3A_456 = tpu.memref_slice %arg9[%rem3A_94, %dma_wait3A_454, %dma_wait3A_455] : memref<2x8x64xi32, #tpu.memory_space<vmem>> -> memref<1x1x64xi32, #tpu.memory_space<vmem>>
      %dma_wait3A_457 = tpu.memref_squeeze %dma_wait3A_456 : memref<1x1x64xi32, #tpu.memory_space<vmem>> -> memref<64xi32, #tpu.memory_space<vmem>>
      %dma_wait3A_458 = arith.constant 0 : i32
      %dma_wait3A_459 = arith.constant 0 : i32
      %dma_wait3A_460 = tpu.memref_slice %arg14[%dma_wait3A_458, %dma_wait3A_459] : memref<10112x16xf32, #tpu.memory_space<vmem_shared>> -> memref<10112x16xf32, #tpu.memory_space<vmem_shared>>
      tpu.wait_indirect_dma semaphore(%arg16 : memref<!tpu.dma_semaphore, #tpu.memory_space<semaphore_mem>>) src(%arg12 : memref<64x16xf32, #tpu.memory_space<vmem>>) dst(%dma_wait3A_460 : memref<10112x16xf32, #tpu.memory_space<vmem_shared>>)
      %scan3A_461 = arith.constant 0 : i32
      %scan3A_462 = arith.constant 0 : i32
      %scan3A_463 = arith.constant 64 : i32
      %scan3A_464 = arith.addi %scan3A_462, %scan3A_463 : i32
      %scan3A_465 = arith.constant 1 : i32
      scf.for %scan3A_612 = %scan3A_462 to %scan3A_464 step %scan3A_465  : i32 {
        %get3A = arith.constant 1 : i32
        %get3A_613 = arith.index_cast %get3A : i32 to index
        %get3A_614 = arith.index_cast %scan3A_612 : i32 to index
        %get3A_615 = arith.constant 0 : index
        %get3A_616 = tpu.vector_load %arg10[%get3A_613, %get3A_614, %get3A_615] {strides = array<i32>} : memref<4x64x128xbf16, #tpu.memory_space<vmem>>, vector<32xbf16>,
        %unpack3A = tpu.unpack_subelements %get3A_616, 0 {pack_format = #tpu.pack_format<interleaved>} : vector<32xbf16> -> vector<16xf32>
        %unpack3A_617 = tpu.unpack_subelements %get3A_616, 1 {pack_format = #tpu.pack_format<interleaved>} : vector<32xbf16> -> vector<16xf32>
        %swap3A = arith.constant 1 : i32
        %swap3A_618 = arith.index_cast %swap3A : i32 to index
        %swap3A_619 = arith.index_cast %scan3A_612 : i32 to index
        %swap3A_620 = arith.constant 0 : index
        %swap3A_621 = tpu.vector_load %arg11[%swap3A_618, %swap3A_619, %swap3A_620] {strides = array<i32>} : memref<2x64x128xf32, #tpu.memory_space<vmem>>, vector<16xf32>,
        tpu.vector_store %arg11[%swap3A_618, %swap3A_619, %swap3A_620], %unpack3A {strides = array<i32>} : memref<2x64x128xf32, #tpu.memory_space<vmem>>, vector<16xf32>,
        %swap3A_622 = arith.constant 1 : i32
        %swap3A_623 = arith.index_cast %swap3A_622 : i32 to index
        %swap3A_624 = arith.index_cast %scan3A_612 : i32 to index
        %swap3A_625 = arith.constant 16 : index
        %swap3A_626 = tpu.vector_load %arg11[%swap3A_623, %swap3A_624, %swap3A_625] {strides = array<i32>} : memref<2x64x128xf32, #tpu.memory_space<vmem>>, vector<16xf32>,
        tpu.vector_store %arg11[%swap3A_623, %swap3A_624, %swap3A_625], %unpack3A_617 {strides = array<i32>} : memref<2x64x128xf32, #tpu.memory_space<vmem>>, vector<16xf32>,
        %get3A_627 = arith.constant 1 : i32
        %get3A_628 = arith.index_cast %get3A_627 : i32 to index
        %get3A_629 = arith.index_cast %scan3A_612 : i32 to index
        %get3A_630 = arith.constant 32 : index
        %get3A_631 = tpu.vector_load %arg10[%get3A_628, %get3A_629, %get3A_630] {strides = array<i32>} : memref<4x64x128xbf16, #tpu.memory_space<vmem>>, vector<32xbf16>,
        %unpack3A_632 = tpu.unpack_subelements %get3A_631, 0 {pack_format = #tpu.pack_format<interleaved>} : vector<32xbf16> -> vector<16xf32>
        %unpack3A_633 = tpu.unpack_subelements %get3A_631, 1 {pack_format = #tpu.pack_format<interleaved>} : vector<32xbf16> -> vector<16xf32>
        %swap3A_634 = arith.constant 1 : i32
        %swap3A_635 = arith.index_cast %swap3A_634 : i32 to index
        %swap3A_636 = arith.index_cast %scan3A_612 : i32 to index
        %swap3A_637 = arith.constant 32 : index
        %swap3A_638 = tpu.vector_load %arg11[%swap3A_635, %swap3A_636, %swap3A_637] {strides = array<i32>} : memref<2x64x128xf32, #tpu.memory_space<vmem>>, vector<16xf32>,
        tpu.vector_store %arg11[%swap3A_635, %swap3A_636, %swap3A_637], %unpack3A_632 {strides = array<i32>} : memref<2x64x128xf32, #tpu.memory_space<vmem>>, vector<16xf32>,
        %swap3A_639 = arith.constant 1 : i32
        %swap3A_640 = arith.index_cast %swap3A_639 : i32 to index
        %swap3A_641 = arith.index_cast %scan3A_612 : i32 to index
        %swap3A_642 = arith.constant 48 : index
        %swap3A_643 = tpu.vector_load %arg11[%swap3A_640, %swap3A_641, %swap3A_642] {strides = array<i32>} : memref<2x64x128xf32, #tpu.memory_space<vmem>>, vector<16xf32>,
        tpu.vector_store %arg11[%swap3A_640, %swap3A_641, %swap3A_642], %unpack3A_633 {strides = array<i32>} : memref<2x64x128xf32, #tpu.memory_space<vmem>>, vector<16xf32>,
        %get3A_644 = arith.constant 1 : i32
        %get3A_645 = arith.index_cast %get3A_644 : i32 to index
        %get3A_646 = arith.index_cast %scan3A_612 : i32 to index
        %get3A_647 = arith.constant 64 : index
        %get3A_648 = tpu.vector_load %arg10[%get3A_645, %get3A_646, %get3A_647] {strides = array<i32>} : memref<4x64x128xbf16, #tpu.memory_space<vmem>>, vector<32xbf16>,
        %unpack3A_649 = tpu.unpack_subelements %get3A_648, 0 {pack_format = #tpu.pack_format<interleaved>} : vector<32xbf16> -> vector<16xf32>
        %unpack3A_650 = tpu.unpack_subelements %get3A_648, 1 {pack_format = #tpu.pack_format<interleaved>} : vector<32xbf16> -> vector<16xf32>
        %swap3A_651 = arith.constant 1 : i32
        %swap3A_652 = arith.index_cast %swap3A_651 : i32 to index
        %swap3A_653 = arith.index_cast %scan3A_612 : i32 to index
        %swap3A_654 = arith.constant 64 : index
        %swap3A_655 = tpu.vector_load %arg11[%swap3A_652, %swap3A_653, %swap3A_654] {strides = array<i32>} : memref<2x64x128xf32, #tpu.memory_space<vmem>>, vector<16xf32>,
        tpu.vector_store %arg11[%swap3A_652, %swap3A_653, %swap3A_654], %unpack3A_649 {strides = array<i32>} : memref<2x64x128xf32, #tpu.memory_space<vmem>>, vector<16xf32>,
        %swap3A_656 = arith.constant 1 : i32
        %swap3A_657 = arith.index_cast %swap3A_656 : i32 to index
        %swap3A_658 = arith.index_cast %scan3A_612 : i32 to index
        %swap3A_659 = arith.constant 80 : index
        %swap3A_660 = tpu.vector_load %arg11[%swap3A_657, %swap3A_658, %swap3A_659] {strides = array<i32>} : memref<2x64x128xf32, #tpu.memory_space<vmem>>, vector<16xf32>,
        tpu.vector_store %arg11[%swap3A_657, %swap3A_658, %swap3A_659], %unpack3A_650 {strides = array<i32>} : memref<2x64x128xf32, #tpu.memory_space<vmem>>, vector<16xf32>,
        %get3A_661 = arith.constant 1 : i32
        %get3A_662 = arith.index_cast %get3A_661 : i32 to index
        %get3A_663 = arith.index_cast %scan3A_612 : i32 to index
        %get3A_664 = arith.constant 96 : index
        %get3A_665 = tpu.vector_load %arg10[%get3A_662, %get3A_663, %get3A_664] {strides = array<i32>} : memref<4x64x128xbf16, #tpu.memory_space<vmem>>, vector<32xbf16>,
        %unpack3A_666 = tpu.unpack_subelements %get3A_665, 0 {pack_format = #tpu.pack_format<interleaved>} : vector<32xbf16> -> vector<16xf32>
        %unpack3A_667 = tpu.unpack_subelements %get3A_665, 1 {pack_format = #tpu.pack_format<interleaved>} : vector<32xbf16> -> vector<16xf32>
        %swap3A_668 = arith.constant 1 : i32
        %swap3A_669 = arith.index_cast %swap3A_668 : i32 to index
        %swap3A_670 = arith.index_cast %scan3A_612 : i32 to index
        %swap3A_671 = arith.constant 96 : index
        %swap3A_672 = tpu.vector_load %arg11[%swap3A_669, %swap3A_670, %swap3A_671] {strides = array<i32>} : memref<2x64x128xf32, #tpu.memory_space<vmem>>, vector<16xf32>,
        tpu.vector_store %arg11[%swap3A_669, %swap3A_670, %swap3A_671], %unpack3A_666 {strides = array<i32>} : memref<2x64x128xf32, #tpu.memory_space<vmem>>, vector<16xf32>,
        %swap3A_673 = arith.constant 1 : i32
        %swap3A_674 = arith.index_cast %swap3A_673 : i32 to index
        %swap3A_675 = arith.index_cast %scan3A_612 : i32 to index
        %swap3A_676 = arith.constant 112 : index
        %swap3A_677 = tpu.vector_load %arg11[%swap3A_674, %swap3A_675, %swap3A_676] {strides = array<i32>} : memref<2x64x128xf32, #tpu.memory_space<vmem>>, vector<16xf32>,
        tpu.vector_store %arg11[%swap3A_674, %swap3A_675, %swap3A_676], %unpack3A_667 {strides = array<i32>} : memref<2x64x128xf32, #tpu.memory_space<vmem>>, vector<16xf32>,
      }
      %scan3A_466 = arith.constant 64 : i32
      %dma_start3A_467 = arith.constant 1 : i32
      %dma_start3A_468 = arith.constant 5 : i32
      %dma_start3A_469 = arith.constant 0 : i32
      %dma_start3A_470 = arith.constant 0 : i32
      %dma_start3A_471 = tpu.memref_slice %arg11[%dma_start3A_467, %dma_start3A_469, %dma_start3A_470] : memref<2x64x128xf32, #tpu.memory_space<vmem>> -> memref<1x64x128xf32, #tpu.memory_space<vmem>>
      %dma_start3A_472 = tpu.memref_squeeze %dma_start3A_471 : memref<1x64x128xf32, #tpu.memory_space<vmem>> -> memref<64x128xf32, #tpu.memory_space<vmem>>
      %dma_start3A_473 = arith.constant 0 : i32
      %dma_start3A_474 = tpu.memref_slice %arg9[%rem3A_94, %dma_start3A_468, %dma_start3A_473] : memref<2x8x64xi32, #tpu.memory_space<vmem>> -> memref<1x1x64xi32, #tpu.memory_space<vmem>>
      %dma_start3A_475 = tpu.memref_squeeze %dma_start3A_474 : memref<1x1x64xi32, #tpu.memory_space<vmem>> -> memref<64xi32, #tpu.memory_space<vmem>>
      %dma_start3A_476 = arith.constant 0 : i32
      %dma_start3A_477 = arith.constant 0 : i32
      %dma_start3A_478 = tpu.memref_slice %arg13[%dma_start3A_476, %dma_start3A_477] : memref<10112x128xf32, #tpu.memory_space<vmem_shared>> -> memref<10112x128xf32, #tpu.memory_space<vmem_shared>>
      tpu.enqueue_indirect_dma source(%dma_start3A_472 : memref<64x128xf32, #tpu.memory_space<vmem>>) target(%dma_start3A_478 : memref<10112x128xf32, #tpu.memory_space<vmem_shared>>) offsets(%dma_start3A_475 : memref<64xi32, #tpu.memory_space<vmem>>) semaphore(%arg16 : memref<!tpu.dma_semaphore, #tpu.memory_space<semaphore_mem>>) {add = true}
      %dma_start3A_479 = arith.constant 5 : i32
      %dma_start3A_480 = arith.constant 0 : i32
      %dma_start3A_481 = tpu.memref_slice %arg9[%rem3A_94, %dma_start3A_479, %dma_start3A_480] : memref<2x8x64xi32, #tpu.memory_space<vmem>> -> memref<1x1x64xi32, #tpu.memory_space<vmem>>
      %dma_start3A_482 = tpu.memref_squeeze %dma_start3A_481 : memref<1x1x64xi32, #tpu.memory_space<vmem>> -> memref<64xi32, #tpu.memory_space<vmem>>
      %dma_start3A_483 = arith.constant 0 : i32
      %dma_start3A_484 = arith.constant 0 : i32
      %dma_start3A_485 = tpu.memref_slice %arg14[%dma_start3A_483, %dma_start3A_484] : memref<10112x16xf32, #tpu.memory_space<vmem_shared>> -> memref<10112x16xf32, #tpu.memory_space<vmem_shared>>
      tpu.enqueue_indirect_dma source(%arg12 : memref<64x16xf32, #tpu.memory_space<vmem>>) target(%dma_start3A_485 : memref<10112x16xf32, #tpu.memory_space<vmem_shared>>) offsets(%dma_start3A_482 : memref<64xi32, #tpu.memory_space<vmem>>) semaphore(%arg16 : memref<!tpu.dma_semaphore, #tpu.memory_space<semaphore_mem>>) {add = true}
      %dma_wait3A_486 = arith.constant 6 : i32
      %dma_wait3A_487 = arith.constant 2 : i32
      %dma_wait3A_488 = arith.constant 0 : i32
      %dma_wait3A_489 = arith.constant 0 : i32
      %dma_wait3A_490 = tpu.memref_slice %arg10[%dma_wait3A_487, %dma_wait3A_488, %dma_wait3A_489] : memref<4x64x128xbf16, #tpu.memory_space<vmem>> -> memref<1x64x128xbf16, #tpu.memory_space<vmem>>
      %dma_wait3A_491 = tpu.memref_squeeze %dma_wait3A_490 : memref<1x64x128xbf16, #tpu.memory_space<vmem>> -> memref<64x128xbf16, #tpu.memory_space<vmem>>
      %dma_wait3A_492 = arith.constant 0 : i32
      %dma_wait3A_493 = tpu.memref_slice %arg8[%rem3A_94, %dma_wait3A_486, %dma_wait3A_492] : memref<2x8x64xi32, #tpu.memory_space<vmem>> -> memref<1x1x64xi32, #tpu.memory_space<vmem>>
      %dma_wait3A_494 = tpu.memref_squeeze %dma_wait3A_493 : memref<1x1x64xi32, #tpu.memory_space<vmem>> -> memref<64xi32, #tpu.memory_space<vmem>>
      %dma_wait3A_495 = arith.constant 0 : i32
      %dma_wait3A_496 = arith.constant 0 : i32
      %dma_wait3A_497 = tpu.memref_slice %arg3[%dma_wait3A_495, %dma_wait3A_496] : memref<10112x128xbf16, #tpu.memory_space<hbm>> -> memref<10112x128xbf16, #tpu.memory_space<hbm>>
      tpu.wait_indirect_dma semaphore(%arg15 : memref<!tpu.dma_semaphore, #tpu.memory_space<semaphore_mem>>) src(%dma_wait3A_497 : memref<10112x128xbf16, #tpu.memory_space<hbm>>) dst(%dma_wait3A_491 : memref<64x128xbf16, #tpu.memory_space<vmem>>)
      %add3A_498 = arith.constant 1 : i32
      %add3A_499 = arith.addi %scan3A_93, %add3A_498 : i32
      %lt3A_500 = arith.constant 40 : i32
      %lt3A_501 = arith.cmpi slt, %add3A_499, %lt3A_500 : i32
      %convert_element_type3A_502 = arith.extui %lt3A_501 : i1 to i32
      %cond3A_503 = arith.constant 0 : i32
      %cond3A_504 = arith.cmpi ne, %convert_element_type3A_502, %cond3A_503 : i32
      scf.if %cond3A_504 {
        %dma_wait3A_612 = arith.constant 0 : i32
        %dma_wait3A_613 = arith.constant 0 : i32
        %dma_wait3A_614 = tpu.memref_slice %arg8[%sub3A_96, %dma_wait3A_612, %dma_wait3A_613] : memref<2x8x64xi32, #tpu.memory_space<vmem>> -> memref<1x8x64xi32, #tpu.memory_space<vmem>>
        %dma_wait3A_615 = tpu.memref_squeeze %dma_wait3A_614 : memref<1x8x64xi32, #tpu.memory_space<vmem>> -> memref<8x64xi32, #tpu.memory_space<vmem>>
        %dma_wait3A_616 = arith.constant 0 : i32
        %dma_wait3A_617 = tpu.memref_slice %arg2[%arg0, %add3A_102, %dma_wait3A_616] : memref<2x5120x64xi32, #tpu.memory_space<hbm>> -> memref<1x8x64xi32, #tpu.memory_space<hbm>>
        %dma_wait3A_618 = tpu.memref_squeeze %dma_wait3A_617 : memref<1x8x64xi32, #tpu.memory_space<hbm>> -> memref<8x64xi32, #tpu.memory_space<hbm>>
        %dma_wait3A_619 = arith.constant 0 : i32
        %dma_wait3A_620 = arith.constant 0 : i32
        %dma_wait3A_621 = tpu.memref_slice %arg8[%sub3A_96, %dma_wait3A_619, %dma_wait3A_620] : memref<2x8x64xi32, #tpu.memory_space<vmem>> -> memref<1x8x64xi32, #tpu.memory_space<vmem>>
        %dma_wait3A_622 = tpu.memref_squeeze %dma_wait3A_621 : memref<1x8x64xi32, #tpu.memory_space<vmem>> -> memref<8x64xi32, #tpu.memory_space<vmem>>
        %dma_wait3A_623 = arith.constant 0 : i32
        %dma_wait3A_624 = tpu.memref_slice %arg2[%arg0, %add3A_102, %dma_wait3A_623] : memref<2x5120x64xi32, #tpu.memory_space<hbm>> -> memref<1x8x64xi32, #tpu.memory_space<hbm>>
        %dma_wait3A_625 = tpu.memref_squeeze %dma_wait3A_624 : memref<1x8x64xi32, #tpu.memory_space<hbm>> -> memref<8x64xi32, #tpu.memory_space<hbm>>
        tpu.wait_dma2 semaphore(%arg17 : memref<!tpu.dma_semaphore, #tpu.memory_space<semaphore_mem>>) src(%dma_wait3A_625 : memref<8x64xi32, #tpu.memory_space<hbm>>) dst(%dma_wait3A_622 : memref<8x64xi32, #tpu.memory_space<vmem>>)
        %sub3A_626 = arith.constant 1 : i32
        %sub3A_627 = arith.subi %sub3A_626, %arg0 : i32
        %dma_wait3A_628 = arith.constant 0 : i32
        %dma_wait3A_629 = arith.constant 0 : i32
        %dma_wait3A_630 = tpu.memref_slice %arg9[%sub3A_96, %dma_wait3A_628, %dma_wait3A_629] : memref<2x8x64xi32, #tpu.memory_space<vmem>> -> memref<1x8x64xi32, #tpu.memory_space<vmem>>
        %dma_wait3A_631 = tpu.memref_squeeze %dma_wait3A_630 : memref<1x8x64xi32, #tpu.memory_space<vmem>> -> memref<8x64xi32, #tpu.memory_space<vmem>>
        %dma_wait3A_632 = arith.constant 0 : i32
        %dma_wait3A_633 = tpu.memref_slice %arg2[%sub3A_627, %add3A_102, %dma_wait3A_632] : memref<2x5120x64xi32, #tpu.memory_space<hbm>> -> memref<1x8x64xi32, #tpu.memory_space<hbm>>
        %dma_wait3A_634 = tpu.memref_squeeze %dma_wait3A_633 : memref<1x8x64xi32, #tpu.memory_space<hbm>> -> memref<8x64xi32, #tpu.memory_space<hbm>>
        %dma_wait3A_635 = arith.constant 0 : i32
        %dma_wait3A_636 = arith.constant 0 : i32
        %dma_wait3A_637 = tpu.memref_slice %arg9[%sub3A_96, %dma_wait3A_635, %dma_wait3A_636] : memref<2x8x64xi32, #tpu.memory_space<vmem>> -> memref<1x8x64xi32, #tpu.memory_space<vmem>>
        %dma_wait3A_638 = tpu.memref_squeeze %dma_wait3A_637 : memref<1x8x64xi32, #tpu.memory_space<vmem>> -> memref<8x64xi32, #tpu.memory_space<vmem>>
        %dma_wait3A_639 = arith.constant 0 : i32
        %dma_wait3A_640 = tpu.memref_slice %arg2[%sub3A_627, %add3A_102, %dma_wait3A_639] : memref<2x5120x64xi32, #tpu.memory_space<hbm>> -> memref<1x8x64xi32, #tpu.memory_space<hbm>>
        %dma_wait3A_641 = tpu.memref_squeeze %dma_wait3A_640 : memref<1x8x64xi32, #tpu.memory_space<hbm>> -> memref<8x64xi32, #tpu.memory_space<hbm>>
        tpu.wait_dma2 semaphore(%arg17 : memref<!tpu.dma_semaphore, #tpu.memory_space<semaphore_mem>>) src(%dma_wait3A_641 : memref<8x64xi32, #tpu.memory_space<hbm>>) dst(%dma_wait3A_638 : memref<8x64xi32, #tpu.memory_space<vmem>>)
        %dma_start3A_642 = arith.constant 0 : i32
        %dma_start3A_643 = arith.constant 0 : i32
        %dma_start3A_644 = arith.constant 0 : i32
        %dma_start3A_645 = arith.constant 0 : i32
        %dma_start3A_646 = tpu.memref_slice %arg10[%dma_start3A_643, %dma_start3A_644, %dma_start3A_645] : memref<4x64x128xbf16, #tpu.memory_space<vmem>> -> memref<1x64x128xbf16, #tpu.memory_space<vmem>>
        %dma_start3A_647 = tpu.memref_squeeze %dma_start3A_646 : memref<1x64x128xbf16, #tpu.memory_space<vmem>> -> memref<64x128xbf16, #tpu.memory_space<vmem>>
        %dma_start3A_648 = arith.constant 0 : i32
        %dma_start3A_649 = tpu.memref_slice %arg8[%sub3A_96, %dma_start3A_642, %dma_start3A_648] : memref<2x8x64xi32, #tpu.memory_space<vmem>> -> memref<1x1x64xi32, #tpu.memory_space<vmem>>
        %dma_start3A_650 = tpu.memref_squeeze %dma_start3A_649 : memref<1x1x64xi32, #tpu.memory_space<vmem>> -> memref<64xi32, #tpu.memory_space<vmem>>
        %dma_start3A_651 = arith.constant 0 : i32
        %dma_start3A_652 = arith.constant 0 : i32
        %dma_start3A_653 = tpu.memref_slice %arg3[%dma_start3A_651, %dma_start3A_652] : memref<10112x128xbf16, #tpu.memory_space<hbm>> -> memref<10112x128xbf16, #tpu.memory_space<hbm>>
        tpu.enqueue_indirect_dma source(%dma_start3A_653 : memref<10112x128xbf16, #tpu.memory_space<hbm>>) target(%dma_start3A_647 : memref<64x128xbf16, #tpu.memory_space<vmem>>) offsets(%dma_start3A_650 : memref<64xi32, #tpu.memory_space<vmem>>) semaphore(%arg15 : memref<!tpu.dma_semaphore, #tpu.memory_space<semaphore_mem>>)
      } else {
      }
      %dma_wait3A_505 = arith.constant 0 : i32
      %dma_wait3A_506 = arith.constant 6 : i32
      %dma_wait3A_507 = arith.constant 0 : i32
      %dma_wait3A_508 = arith.constant 0 : i32
      %dma_wait3A_509 = tpu.memref_slice %arg11[%dma_wait3A_505, %dma_wait3A_507, %dma_wait3A_508] : memref<2x64x128xf32, #tpu.memory_space<vmem>> -> memref<1x64x128xf32, #tpu.memory_space<vmem>>
      %dma_wait3A_510 = tpu.memref_squeeze %dma_wait3A_509 : memref<1x64x128xf32, #tpu.memory_space<vmem>> -> memref<64x128xf32, #tpu.memory_space<vmem>>
      %dma_wait3A_511 = arith.constant 0 : i32
      %dma_wait3A_512 = tpu.memref_slice %arg9[%rem3A_94, %dma_wait3A_506, %dma_wait3A_511] : memref<2x8x64xi32, #tpu.memory_space<vmem>> -> memref<1x1x64xi32, #tpu.memory_space<vmem>>
      %dma_wait3A_513 = tpu.memref_squeeze %dma_wait3A_512 : memref<1x1x64xi32, #tpu.memory_space<vmem>> -> memref<64xi32, #tpu.memory_space<vmem>>
      %dma_wait3A_514 = arith.constant 0 : i32
      %dma_wait3A_515 = arith.constant 0 : i32
      %dma_wait3A_516 = tpu.memref_slice %arg13[%dma_wait3A_514, %dma_wait3A_515] : memref<10112x128xf32, #tpu.memory_space<vmem_shared>> -> memref<10112x128xf32, #tpu.memory_space<vmem_shared>>
      tpu.wait_indirect_dma semaphore(%arg16 : memref<!tpu.dma_semaphore, #tpu.memory_space<semaphore_mem>>) src(%dma_wait3A_510 : memref<64x128xf32, #tpu.memory_space<vmem>>) dst(%dma_wait3A_516 : memref<10112x128xf32, #tpu.memory_space<vmem_shared>>)
      %dma_wait3A_517 = arith.constant 6 : i32
      %dma_wait3A_518 = arith.constant 0 : i32
      %dma_wait3A_519 = tpu.memref_slice %arg9[%rem3A_94, %dma_wait3A_517, %dma_wait3A_518] : memref<2x8x64xi32, #tpu.memory_space<vmem>> -> memref<1x1x64xi32, #tpu.memory_space<vmem>>
      %dma_wait3A_520 = tpu.memref_squeeze %dma_wait3A_519 : memref<1x1x64xi32, #tpu.memory_space<vmem>> -> memref<64xi32, #tpu.memory_space<vmem>>
      %dma_wait3A_521 = arith.constant 0 : i32
      %dma_wait3A_522 = arith.constant 0 : i32
      %dma_wait3A_523 = tpu.memref_slice %arg14[%dma_wait3A_521, %dma_wait3A_522] : memref<10112x16xf32, #tpu.memory_space<vmem_shared>> -> memref<10112x16xf32, #tpu.memory_space<vmem_shared>>
      tpu.wait_indirect_dma semaphore(%arg16 : memref<!tpu.dma_semaphore, #tpu.memory_space<semaphore_mem>>) src(%arg12 : memref<64x16xf32, #tpu.memory_space<vmem>>) dst(%dma_wait3A_523 : memref<10112x16xf32, #tpu.memory_space<vmem_shared>>)
      %scan3A_524 = arith.constant 0 : i32
      %scan3A_525 = arith.constant 0 : i32
      %scan3A_526 = arith.constant 64 : i32
      %scan3A_527 = arith.addi %scan3A_525, %scan3A_526 : i32
      %scan3A_528 = arith.constant 1 : i32
      scf.for %scan3A_612 = %scan3A_525 to %scan3A_527 step %scan3A_528  : i32 {
        %get3A = arith.constant 2 : i32
        %get3A_613 = arith.index_cast %get3A : i32 to index
        %get3A_614 = arith.index_cast %scan3A_612 : i32 to index
        %get3A_615 = arith.constant 0 : index
        %get3A_616 = tpu.vector_load %arg10[%get3A_613, %get3A_614, %get3A_615] {strides = array<i32>} : memref<4x64x128xbf16, #tpu.memory_space<vmem>>, vector<32xbf16>,
        %unpack3A = tpu.unpack_subelements %get3A_616, 0 {pack_format = #tpu.pack_format<interleaved>} : vector<32xbf16> -> vector<16xf32>
        %unpack3A_617 = tpu.unpack_subelements %get3A_616, 1 {pack_format = #tpu.pack_format<interleaved>} : vector<32xbf16> -> vector<16xf32>
        %swap3A = arith.constant 0 : i32
        %swap3A_618 = arith.index_cast %swap3A : i32 to index
        %swap3A_619 = arith.index_cast %scan3A_612 : i32 to index
        %swap3A_620 = arith.constant 0 : index
        %swap3A_621 = tpu.vector_load %arg11[%swap3A_618, %swap3A_619, %swap3A_620] {strides = array<i32>} : memref<2x64x128xf32, #tpu.memory_space<vmem>>, vector<16xf32>,
        tpu.vector_store %arg11[%swap3A_618, %swap3A_619, %swap3A_620], %unpack3A {strides = array<i32>} : memref<2x64x128xf32, #tpu.memory_space<vmem>>, vector<16xf32>,
        %swap3A_622 = arith.constant 0 : i32
        %swap3A_623 = arith.index_cast %swap3A_622 : i32 to index
        %swap3A_624 = arith.index_cast %scan3A_612 : i32 to index
        %swap3A_625 = arith.constant 16 : index
        %swap3A_626 = tpu.vector_load %arg11[%swap3A_623, %swap3A_624, %swap3A_625] {strides = array<i32>} : memref<2x64x128xf32, #tpu.memory_space<vmem>>, vector<16xf32>,
        tpu.vector_store %arg11[%swap3A_623, %swap3A_624, %swap3A_625], %unpack3A_617 {strides = array<i32>} : memref<2x64x128xf32, #tpu.memory_space<vmem>>, vector<16xf32>,
        %get3A_627 = arith.constant 2 : i32
        %get3A_628 = arith.index_cast %get3A_627 : i32 to index
        %get3A_629 = arith.index_cast %scan3A_612 : i32 to index
        %get3A_630 = arith.constant 32 : index
        %get3A_631 = tpu.vector_load %arg10[%get3A_628, %get3A_629, %get3A_630] {strides = array<i32>} : memref<4x64x128xbf16, #tpu.memory_space<vmem>>, vector<32xbf16>,
        %unpack3A_632 = tpu.unpack_subelements %get3A_631, 0 {pack_format = #tpu.pack_format<interleaved>} : vector<32xbf16> -> vector<16xf32>
        %unpack3A_633 = tpu.unpack_subelements %get3A_631, 1 {pack_format = #tpu.pack_format<interleaved>} : vector<32xbf16> -> vector<16xf32>
        %swap3A_634 = arith.constant 0 : i32
        %swap3A_635 = arith.index_cast %swap3A_634 : i32 to index
        %swap3A_636 = arith.index_cast %scan3A_612 : i32 to index
        %swap3A_637 = arith.constant 32 : index
        %swap3A_638 = tpu.vector_load %arg11[%swap3A_635, %swap3A_636, %swap3A_637] {strides = array<i32>} : memref<2x64x128xf32, #tpu.memory_space<vmem>>, vector<16xf32>,
        tpu.vector_store %arg11[%swap3A_635, %swap3A_636, %swap3A_637], %unpack3A_632 {strides = array<i32>} : memref<2x64x128xf32, #tpu.memory_space<vmem>>, vector<16xf32>,
        %swap3A_639 = arith.constant 0 : i32
        %swap3A_640 = arith.index_cast %swap3A_639 : i32 to index
        %swap3A_641 = arith.index_cast %scan3A_612 : i32 to index
        %swap3A_642 = arith.constant 48 : index
        %swap3A_643 = tpu.vector_load %arg11[%swap3A_640, %swap3A_641, %swap3A_642] {strides = array<i32>} : memref<2x64x128xf32, #tpu.memory_space<vmem>>, vector<16xf32>,
        tpu.vector_store %arg11[%swap3A_640, %swap3A_641, %swap3A_642], %unpack3A_633 {strides = array<i32>} : memref<2x64x128xf32, #tpu.memory_space<vmem>>, vector<16xf32>,
        %get3A_644 = arith.constant 2 : i32
        %get3A_645 = arith.index_cast %get3A_644 : i32 to index
        %get3A_646 = arith.index_cast %scan3A_612 : i32 to index
        %get3A_647 = arith.constant 64 : index
        %get3A_648 = tpu.vector_load %arg10[%get3A_645, %get3A_646, %get3A_647] {strides = array<i32>} : memref<4x64x128xbf16, #tpu.memory_space<vmem>>, vector<32xbf16>,
        %unpack3A_649 = tpu.unpack_subelements %get3A_648, 0 {pack_format = #tpu.pack_format<interleaved>} : vector<32xbf16> -> vector<16xf32>
        %unpack3A_650 = tpu.unpack_subelements %get3A_648, 1 {pack_format = #tpu.pack_format<interleaved>} : vector<32xbf16> -> vector<16xf32>
        %swap3A_651 = arith.constant 0 : i32
        %swap3A_652 = arith.index_cast %swap3A_651 : i32 to index
        %swap3A_653 = arith.index_cast %scan3A_612 : i32 to index
        %swap3A_654 = arith.constant 64 : index
        %swap3A_655 = tpu.vector_load %arg11[%swap3A_652, %swap3A_653, %swap3A_654] {strides = array<i32>} : memref<2x64x128xf32, #tpu.memory_space<vmem>>, vector<16xf32>,
        tpu.vector_store %arg11[%swap3A_652, %swap3A_653, %swap3A_654], %unpack3A_649 {strides = array<i32>} : memref<2x64x128xf32, #tpu.memory_space<vmem>>, vector<16xf32>,
        %swap3A_656 = arith.constant 0 : i32
        %swap3A_657 = arith.index_cast %swap3A_656 : i32 to index
        %swap3A_658 = arith.index_cast %scan3A_612 : i32 to index
        %swap3A_659 = arith.constant 80 : index
        %swap3A_660 = tpu.vector_load %arg11[%swap3A_657, %swap3A_658, %swap3A_659] {strides = array<i32>} : memref<2x64x128xf32, #tpu.memory_space<vmem>>, vector<16xf32>,
        tpu.vector_store %arg11[%swap3A_657, %swap3A_658, %swap3A_659], %unpack3A_650 {strides = array<i32>} : memref<2x64x128xf32, #tpu.memory_space<vmem>>, vector<16xf32>,
        %get3A_661 = arith.constant 2 : i32
        %get3A_662 = arith.index_cast %get3A_661 : i32 to index
        %get3A_663 = arith.index_cast %scan3A_612 : i32 to index
        %get3A_664 = arith.constant 96 : index
        %get3A_665 = tpu.vector_load %arg10[%get3A_662, %get3A_663, %get3A_664] {strides = array<i32>} : memref<4x64x128xbf16, #tpu.memory_space<vmem>>, vector<32xbf16>,
        %unpack3A_666 = tpu.unpack_subelements %get3A_665, 0 {pack_format = #tpu.pack_format<interleaved>} : vector<32xbf16> -> vector<16xf32>
        %unpack3A_667 = tpu.unpack_subelements %get3A_665, 1 {pack_format = #tpu.pack_format<interleaved>} : vector<32xbf16> -> vector<16xf32>
        %swap3A_668 = arith.constant 0 : i32
        %swap3A_669 = arith.index_cast %swap3A_668 : i32 to index
        %swap3A_670 = arith.index_cast %scan3A_612 : i32 to index
        %swap3A_671 = arith.constant 96 : index
        %swap3A_672 = tpu.vector_load %arg11[%swap3A_669, %swap3A_670, %swap3A_671] {strides = array<i32>} : memref<2x64x128xf32, #tpu.memory_space<vmem>>, vector<16xf32>,
        tpu.vector_store %arg11[%swap3A_669, %swap3A_670, %swap3A_671], %unpack3A_666 {strides = array<i32>} : memref<2x64x128xf32, #tpu.memory_space<vmem>>, vector<16xf32>,
        %swap3A_673 = arith.constant 0 : i32
        %swap3A_674 = arith.index_cast %swap3A_673 : i32 to index
        %swap3A_675 = arith.index_cast %scan3A_612 : i32 to index
        %swap3A_676 = arith.constant 112 : index
        %swap3A_677 = tpu.vector_load %arg11[%swap3A_674, %swap3A_675, %swap3A_676] {strides = array<i32>} : memref<2x64x128xf32, #tpu.memory_space<vmem>>, vector<16xf32>,
        tpu.vector_store %arg11[%swap3A_674, %swap3A_675, %swap3A_676], %unpack3A_667 {strides = array<i32>} : memref<2x64x128xf32, #tpu.memory_space<vmem>>, vector<16xf32>,
      }
      %scan3A_529 = arith.constant 64 : i32
      %dma_start3A_530 = arith.constant 0 : i32
      %dma_start3A_531 = arith.constant 6 : i32
      %dma_start3A_532 = arith.constant 0 : i32
      %dma_start3A_533 = arith.constant 0 : i32
      %dma_start3A_534 = tpu.memref_slice %arg11[%dma_start3A_530, %dma_start3A_532, %dma_start3A_533] : memref<2x64x128xf32, #tpu.memory_space<vmem>> -> memref<1x64x128xf32, #tpu.memory_space<vmem>>
      %dma_start3A_535 = tpu.memref_squeeze %dma_start3A_534 : memref<1x64x128xf32, #tpu.memory_space<vmem>> -> memref<64x128xf32, #tpu.memory_space<vmem>>
      %dma_start3A_536 = arith.constant 0 : i32
      %dma_start3A_537 = tpu.memref_slice %arg9[%rem3A_94, %dma_start3A_531, %dma_start3A_536] : memref<2x8x64xi32, #tpu.memory_space<vmem>> -> memref<1x1x64xi32, #tpu.memory_space<vmem>>
      %dma_start3A_538 = tpu.memref_squeeze %dma_start3A_537 : memref<1x1x64xi32, #tpu.memory_space<vmem>> -> memref<64xi32, #tpu.memory_space<vmem>>
      %dma_start3A_539 = arith.constant 0 : i32
      %dma_start3A_540 = arith.constant 0 : i32
      %dma_start3A_541 = tpu.memref_slice %arg13[%dma_start3A_539, %dma_start3A_540] : memref<10112x128xf32, #tpu.memory_space<vmem_shared>> -> memref<10112x128xf32, #tpu.memory_space<vmem_shared>>
      tpu.enqueue_indirect_dma source(%dma_start3A_535 : memref<64x128xf32, #tpu.memory_space<vmem>>) target(%dma_start3A_541 : memref<10112x128xf32, #tpu.memory_space<vmem_shared>>) offsets(%dma_start3A_538 : memref<64xi32, #tpu.memory_space<vmem>>) semaphore(%arg16 : memref<!tpu.dma_semaphore, #tpu.memory_space<semaphore_mem>>) {add = true}
      %dma_start3A_542 = arith.constant 6 : i32
      %dma_start3A_543 = arith.constant 0 : i32
      %dma_start3A_544 = tpu.memref_slice %arg9[%rem3A_94, %dma_start3A_542, %dma_start3A_543] : memref<2x8x64xi32, #tpu.memory_space<vmem>> -> memref<1x1x64xi32, #tpu.memory_space<vmem>>
      %dma_start3A_545 = tpu.memref_squeeze %dma_start3A_544 : memref<1x1x64xi32, #tpu.memory_space<vmem>> -> memref<64xi32, #tpu.memory_space<vmem>>
      %dma_start3A_546 = arith.constant 0 : i32
      %dma_start3A_547 = arith.constant 0 : i32
      %dma_start3A_548 = tpu.memref_slice %arg14[%dma_start3A_546, %dma_start3A_547] : memref<10112x16xf32, #tpu.memory_space<vmem_shared>> -> memref<10112x16xf32, #tpu.memory_space<vmem_shared>>
      tpu.enqueue_indirect_dma source(%arg12 : memref<64x16xf32, #tpu.memory_space<vmem>>) target(%dma_start3A_548 : memref<10112x16xf32, #tpu.memory_space<vmem_shared>>) offsets(%dma_start3A_545 : memref<64xi32, #tpu.memory_space<vmem>>) semaphore(%arg16 : memref<!tpu.dma_semaphore, #tpu.memory_space<semaphore_mem>>) {add = true}
      %dma_wait3A_549 = arith.constant 7 : i32
      %dma_wait3A_550 = arith.constant 3 : i32
      %dma_wait3A_551 = arith.constant 0 : i32
      %dma_wait3A_552 = arith.constant 0 : i32
      %dma_wait3A_553 = tpu.memref_slice %arg10[%dma_wait3A_550, %dma_wait3A_551, %dma_wait3A_552] : memref<4x64x128xbf16, #tpu.memory_space<vmem>> -> memref<1x64x128xbf16, #tpu.memory_space<vmem>>
      %dma_wait3A_554 = tpu.memref_squeeze %dma_wait3A_553 : memref<1x64x128xbf16, #tpu.memory_space<vmem>> -> memref<64x128xbf16, #tpu.memory_space<vmem>>
      %dma_wait3A_555 = arith.constant 0 : i32
      %dma_wait3A_556 = tpu.memref_slice %arg8[%rem3A_94, %dma_wait3A_549, %dma_wait3A_555] : memref<2x8x64xi32, #tpu.memory_space<vmem>> -> memref<1x1x64xi32, #tpu.memory_space<vmem>>
      %dma_wait3A_557 = tpu.memref_squeeze %dma_wait3A_556 : memref<1x1x64xi32, #tpu.memory_space<vmem>> -> memref<64xi32, #tpu.memory_space<vmem>>
      %dma_wait3A_558 = arith.constant 0 : i32
      %dma_wait3A_559 = arith.constant 0 : i32
      %dma_wait3A_560 = tpu.memref_slice %arg3[%dma_wait3A_558, %dma_wait3A_559] : memref<10112x128xbf16, #tpu.memory_space<hbm>> -> memref<10112x128xbf16, #tpu.memory_space<hbm>>
      tpu.wait_indirect_dma semaphore(%arg15 : memref<!tpu.dma_semaphore, #tpu.memory_space<semaphore_mem>>) src(%dma_wait3A_560 : memref<10112x128xbf16, #tpu.memory_space<hbm>>) dst(%dma_wait3A_554 : memref<64x128xbf16, #tpu.memory_space<vmem>>)
      %add3A_561 = arith.constant 1 : i32
      %add3A_562 = arith.addi %scan3A_93, %add3A_561 : i32
      %lt3A_563 = arith.constant 40 : i32
      %lt3A_564 = arith.cmpi slt, %add3A_562, %lt3A_563 : i32
      %convert_element_type3A_565 = arith.extui %lt3A_564 : i1 to i32
      %cond3A_566 = arith.constant 0 : i32
      %cond3A_567 = arith.cmpi ne, %convert_element_type3A_565, %cond3A_566 : i32
      scf.if %cond3A_567 {
        %dma_start3A_612 = arith.constant 1 : i32
        %dma_start3A_613 = arith.constant 1 : i32
        %dma_start3A_614 = arith.constant 0 : i32
        %dma_start3A_615 = arith.constant 0 : i32
        %dma_start3A_616 = tpu.memref_slice %arg10[%dma_start3A_613, %dma_start3A_614, %dma_start3A_615] : memref<4x64x128xbf16, #tpu.memory_space<vmem>> -> memref<1x64x128xbf16, #tpu.memory_space<vmem>>
        %dma_start3A_617 = tpu.memref_squeeze %dma_start3A_616 : memref<1x64x128xbf16, #tpu.memory_space<vmem>> -> memref<64x128xbf16, #tpu.memory_space<vmem>>
        %dma_start3A_618 = arith.constant 0 : i32
        %dma_start3A_619 = tpu.memref_slice %arg8[%sub3A_96, %dma_start3A_612, %dma_start3A_618] : memref<2x8x64xi32, #tpu.memory_space<vmem>> -> memref<1x1x64xi32, #tpu.memory_space<vmem>>
        %dma_start3A_620 = tpu.memref_squeeze %dma_start3A_619 : memref<1x1x64xi32, #tpu.memory_space<vmem>> -> memref<64xi32, #tpu.memory_space<vmem>>
        %dma_start3A_621 = arith.constant 0 : i32
        %dma_start3A_622 = arith.constant 0 : i32
        %dma_start3A_623 = tpu.memref_slice %arg3[%dma_start3A_621, %dma_start3A_622] : memref<10112x128xbf16, #tpu.memory_space<hbm>> -> memref<10112x128xbf16, #tpu.memory_space<hbm>>
        tpu.enqueue_indirect_dma source(%dma_start3A_623 : memref<10112x128xbf16, #tpu.memory_space<hbm>>) target(%dma_start3A_617 : memref<64x128xbf16, #tpu.memory_space<vmem>>) offsets(%dma_start3A_620 : memref<64xi32, #tpu.memory_space<vmem>>) semaphore(%arg15 : memref<!tpu.dma_semaphore, #tpu.memory_space<semaphore_mem>>)
      } else {
      }
      %dma_wait3A_568 = arith.constant 1 : i32
      %dma_wait3A_569 = arith.constant 7 : i32
      %dma_wait3A_570 = arith.constant 0 : i32
      %dma_wait3A_571 = arith.constant 0 : i32
      %dma_wait3A_572 = tpu.memref_slice %arg11[%dma_wait3A_568, %dma_wait3A_570, %dma_wait3A_571] : memref<2x64x128xf32, #tpu.memory_space<vmem>> -> memref<1x64x128xf32, #tpu.memory_space<vmem>>
      %dma_wait3A_573 = tpu.memref_squeeze %dma_wait3A_572 : memref<1x64x128xf32, #tpu.memory_space<vmem>> -> memref<64x128xf32, #tpu.memory_space<vmem>>
      %dma_wait3A_574 = arith.constant 0 : i32
      %dma_wait3A_575 = tpu.memref_slice %arg9[%rem3A_94, %dma_wait3A_569, %dma_wait3A_574] : memref<2x8x64xi32, #tpu.memory_space<vmem>> -> memref<1x1x64xi32, #tpu.memory_space<vmem>>
      %dma_wait3A_576 = tpu.memref_squeeze %dma_wait3A_575 : memref<1x1x64xi32, #tpu.memory_space<vmem>> -> memref<64xi32, #tpu.memory_space<vmem>>
      %dma_wait3A_577 = arith.constant 0 : i32
      %dma_wait3A_578 = arith.constant 0 : i32
      %dma_wait3A_579 = tpu.memref_slice %arg13[%dma_wait3A_577, %dma_wait3A_578] : memref<10112x128xf32, #tpu.memory_space<vmem_shared>> -> memref<10112x128xf32, #tpu.memory_space<vmem_shared>>
      tpu.wait_indirect_dma semaphore(%arg16 : memref<!tpu.dma_semaphore, #tpu.memory_space<semaphore_mem>>) src(%dma_wait3A_573 : memref<64x128xf32, #tpu.memory_space<vmem>>) dst(%dma_wait3A_579 : memref<10112x128xf32, #tpu.memory_space<vmem_shared>>)
      %dma_wait3A_580 = arith.constant 7 : i32
      %dma_wait3A_581 = arith.constant 0 : i32
      %dma_wait3A_582 = tpu.memref_slice %arg9[%rem3A_94, %dma_wait3A_580, %dma_wait3A_581] : memref<2x8x64xi32, #tpu.memory_space<vmem>> -> memref<1x1x64xi32, #tpu.memory_space<vmem>>
      %dma_wait3A_583 = tpu.memref_squeeze %dma_wait3A_582 : memref<1x1x64xi32, #tpu.memory_space<vmem>> -> memref<64xi32, #tpu.memory_space<vmem>>
      %dma_wait3A_584 = arith.constant 0 : i32
      %dma_wait3A_585 = arith.constant 0 : i32
      %dma_wait3A_586 = tpu.memref_slice %arg14[%dma_wait3A_584, %dma_wait3A_585] : memref<10112x16xf32, #tpu.memory_space<vmem_shared>> -> memref<10112x16xf32, #tpu.memory_space<vmem_shared>>
      tpu.wait_indirect_dma semaphore(%arg16 : memref<!tpu.dma_semaphore, #tpu.memory_space<semaphore_mem>>) src(%arg12 : memref<64x16xf32, #tpu.memory_space<vmem>>) dst(%dma_wait3A_586 : memref<10112x16xf32, #tpu.memory_space<vmem_shared>>)
      %scan3A_587 = arith.constant 0 : i32
      %scan3A_588 = arith.constant 0 : i32
      %scan3A_589 = arith.constant 64 : i32
      %scan3A_590 = arith.addi %scan3A_588, %scan3A_589 : i32
      %scan3A_591 = arith.constant 1 : i32
      scf.for %scan3A_612 = %scan3A_588 to %scan3A_590 step %scan3A_591  : i32 {
        %get3A = arith.constant 3 : i32
        %get3A_613 = arith.index_cast %get3A : i32 to index
        %get3A_614 = arith.index_cast %scan3A_612 : i32 to index
        %get3A_615 = arith.constant 0 : index
        %get3A_616 = tpu.vector_load %arg10[%get3A_613, %get3A_614, %get3A_615] {strides = array<i32>} : memref<4x64x128xbf16, #tpu.memory_space<vmem>>, vector<32xbf16>,
        %unpack3A = tpu.unpack_subelements %get3A_616, 0 {pack_format = #tpu.pack_format<interleaved>} : vector<32xbf16> -> vector<16xf32>
        %unpack3A_617 = tpu.unpack_subelements %get3A_616, 1 {pack_format = #tpu.pack_format<interleaved>} : vector<32xbf16> -> vector<16xf32>
        %swap3A = arith.constant 1 : i32
        %swap3A_618 = arith.index_cast %swap3A : i32 to index
        %swap3A_619 = arith.index_cast %scan3A_612 : i32 to index
        %swap3A_620 = arith.constant 0 : index
        %swap3A_621 = tpu.vector_load %arg11[%swap3A_618, %swap3A_619, %swap3A_620] {strides = array<i32>} : memref<2x64x128xf32, #tpu.memory_space<vmem>>, vector<16xf32>,
        tpu.vector_store %arg11[%swap3A_618, %swap3A_619, %swap3A_620], %unpack3A {strides = array<i32>} : memref<2x64x128xf32, #tpu.memory_space<vmem>>, vector<16xf32>,
        %swap3A_622 = arith.constant 1 : i32
        %swap3A_623 = arith.index_cast %swap3A_622 : i32 to index
        %swap3A_624 = arith.index_cast %scan3A_612 : i32 to index
        %swap3A_625 = arith.constant 16 : index
        %swap3A_626 = tpu.vector_load %arg11[%swap3A_623, %swap3A_624, %swap3A_625] {strides = array<i32>} : memref<2x64x128xf32, #tpu.memory_space<vmem>>, vector<16xf32>,
        tpu.vector_store %arg11[%swap3A_623, %swap3A_624, %swap3A_625], %unpack3A_617 {strides = array<i32>} : memref<2x64x128xf32, #tpu.memory_space<vmem>>, vector<16xf32>,
        %get3A_627 = arith.constant 3 : i32
        %get3A_628 = arith.index_cast %get3A_627 : i32 to index
        %get3A_629 = arith.index_cast %scan3A_612 : i32 to index
        %get3A_630 = arith.constant 32 : index
        %get3A_631 = tpu.vector_load %arg10[%get3A_628, %get3A_629, %get3A_630] {strides = array<i32>} : memref<4x64x128xbf16, #tpu.memory_space<vmem>>, vector<32xbf16>,
        %unpack3A_632 = tpu.unpack_subelements %get3A_631, 0 {pack_format = #tpu.pack_format<interleaved>} : vector<32xbf16> -> vector<16xf32>
        %unpack3A_633 = tpu.unpack_subelements %get3A_631, 1 {pack_format = #tpu.pack_format<interleaved>} : vector<32xbf16> -> vector<16xf32>
        %swap3A_634 = arith.constant 1 : i32
        %swap3A_635 = arith.index_cast %swap3A_634 : i32 to index
        %swap3A_636 = arith.index_cast %scan3A_612 : i32 to index
        %swap3A_637 = arith.constant 32 : index
        %swap3A_638 = tpu.vector_load %arg11[%swap3A_635, %swap3A_636, %swap3A_637] {strides = array<i32>} : memref<2x64x128xf32, #tpu.memory_space<vmem>>, vector<16xf32>,
        tpu.vector_store %arg11[%swap3A_635, %swap3A_636, %swap3A_637], %unpack3A_632 {strides = array<i32>} : memref<2x64x128xf32, #tpu.memory_space<vmem>>, vector<16xf32>,
        %swap3A_639 = arith.constant 1 : i32
        %swap3A_640 = arith.index_cast %swap3A_639 : i32 to index
        %swap3A_641 = arith.index_cast %scan3A_612 : i32 to index
        %swap3A_642 = arith.constant 48 : index
        %swap3A_643 = tpu.vector_load %arg11[%swap3A_640, %swap3A_641, %swap3A_642] {strides = array<i32>} : memref<2x64x128xf32, #tpu.memory_space<vmem>>, vector<16xf32>,
        tpu.vector_store %arg11[%swap3A_640, %swap3A_641, %swap3A_642], %unpack3A_633 {strides = array<i32>} : memref<2x64x128xf32, #tpu.memory_space<vmem>>, vector<16xf32>,
        %get3A_644 = arith.constant 3 : i32
        %get3A_645 = arith.index_cast %get3A_644 : i32 to index
        %get3A_646 = arith.index_cast %scan3A_612 : i32 to index
        %get3A_647 = arith.constant 64 : index
        %get3A_648 = tpu.vector_load %arg10[%get3A_645, %get3A_646, %get3A_647] {strides = array<i32>} : memref<4x64x128xbf16, #tpu.memory_space<vmem>>, vector<32xbf16>,
        %unpack3A_649 = tpu.unpack_subelements %get3A_648, 0 {pack_format = #tpu.pack_format<interleaved>} : vector<32xbf16> -> vector<16xf32>
        %unpack3A_650 = tpu.unpack_subelements %get3A_648, 1 {pack_format = #tpu.pack_format<interleaved>} : vector<32xbf16> -> vector<16xf32>
        %swap3A_651 = arith.constant 1 : i32
        %swap3A_652 = arith.index_cast %swap3A_651 : i32 to index
        %swap3A_653 = arith.index_cast %scan3A_612 : i32 to index
        %swap3A_654 = arith.constant 64 : index
        %swap3A_655 = tpu.vector_load %arg11[%swap3A_652, %swap3A_653, %swap3A_654] {strides = array<i32>} : memref<2x64x128xf32, #tpu.memory_space<vmem>>, vector<16xf32>,
        tpu.vector_store %arg11[%swap3A_652, %swap3A_653, %swap3A_654], %unpack3A_649 {strides = array<i32>} : memref<2x64x128xf32, #tpu.memory_space<vmem>>, vector<16xf32>,
        %swap3A_656 = arith.constant 1 : i32
        %swap3A_657 = arith.index_cast %swap3A_656 : i32 to index
        %swap3A_658 = arith.index_cast %scan3A_612 : i32 to index
        %swap3A_659 = arith.constant 80 : index
        %swap3A_660 = tpu.vector_load %arg11[%swap3A_657, %swap3A_658, %swap3A_659] {strides = array<i32>} : memref<2x64x128xf32, #tpu.memory_space<vmem>>, vector<16xf32>,
        tpu.vector_store %arg11[%swap3A_657, %swap3A_658, %swap3A_659], %unpack3A_650 {strides = array<i32>} : memref<2x64x128xf32, #tpu.memory_space<vmem>>, vector<16xf32>,
        %get3A_661 = arith.constant 3 : i32
        %get3A_662 = arith.index_cast %get3A_661 : i32 to index
        %get3A_663 = arith.index_cast %scan3A_612 : i32 to index
        %get3A_664 = arith.constant 96 : index
        %get3A_665 = tpu.vector_load %arg10[%get3A_662, %get3A_663, %get3A_664] {strides = array<i32>} : memref<4x64x128xbf16, #tpu.memory_space<vmem>>, vector<32xbf16>,
        %unpack3A_666 = tpu.unpack_subelements %get3A_665, 0 {pack_format = #tpu.pack_format<interleaved>} : vector<32xbf16> -> vector<16xf32>
        %unpack3A_667 = tpu.unpack_subelements %get3A_665, 1 {pack_format = #tpu.pack_format<interleaved>} : vector<32xbf16> -> vector<16xf32>
        %swap3A_668 = arith.constant 1 : i32
        %swap3A_669 = arith.index_cast %swap3A_668 : i32 to index
        %swap3A_670 = arith.index_cast %scan3A_612 : i32 to index
        %swap3A_671 = arith.constant 96 : index
        %swap3A_672 = tpu.vector_load %arg11[%swap3A_669, %swap3A_670, %swap3A_671] {strides = array<i32>} : memref<2x64x128xf32, #tpu.memory_space<vmem>>, vector<16xf32>,
        tpu.vector_store %arg11[%swap3A_669, %swap3A_670, %swap3A_671], %unpack3A_666 {strides = array<i32>} : memref<2x64x128xf32, #tpu.memory_space<vmem>>, vector<16xf32>,
        %swap3A_673 = arith.constant 1 : i32
        %swap3A_674 = arith.index_cast %swap3A_673 : i32 to index
        %swap3A_675 = arith.index_cast %scan3A_612 : i32 to index
        %swap3A_676 = arith.constant 112 : index
        %swap3A_677 = tpu.vector_load %arg11[%swap3A_674, %swap3A_675, %swap3A_676] {strides = array<i32>} : memref<2x64x128xf32, #tpu.memory_space<vmem>>, vector<16xf32>,
        tpu.vector_store %arg11[%swap3A_674, %swap3A_675, %swap3A_676], %unpack3A_667 {strides = array<i32>} : memref<2x64x128xf32, #tpu.memory_space<vmem>>, vector<16xf32>,
      }
      %scan3A_592 = arith.constant 64 : i32
      %dma_start3A_593 = arith.constant 1 : i32
      %dma_start3A_594 = arith.constant 7 : i32
      %dma_start3A_595 = arith.constant 0 : i32
      %dma_start3A_596 = arith.constant 0 : i32
      %dma_start3A_597 = tpu.memref_slice %arg11[%dma_start3A_593, %dma_start3A_595, %dma_start3A_596] : memref<2x64x128xf32, #tpu.memory_space<vmem>> -> memref<1x64x128xf32, #tpu.memory_space<vmem>>
      %dma_start3A_598 = tpu.memref_squeeze %dma_start3A_597 : memref<1x64x128xf32, #tpu.memory_space<vmem>> -> memref<64x128xf32, #tpu.memory_space<vmem>>
      %dma_start3A_599 = arith.constant 0 : i32
      %dma_start3A_600 = tpu.memref_slice %arg9[%rem3A_94, %dma_start3A_594, %dma_start3A_599] : memref<2x8x64xi32, #tpu.memory_space<vmem>> -> memref<1x1x64xi32, #tpu.memory_space<vmem>>
      %dma_start3A_601 = tpu.memref_squeeze %dma_start3A_600 : memref<1x1x64xi32, #tpu.memory_space<vmem>> -> memref<64xi32, #tpu.memory_space<vmem>>
      %dma_start3A_602 = arith.constant 0 : i32
      %dma_start3A_603 = arith.constant 0 : i32
      %dma_start3A_604 = tpu.memref_slice %arg13[%dma_start3A_602, %dma_start3A_603] : memref<10112x128xf32, #tpu.memory_space<vmem_shared>> -> memref<10112x128xf32, #tpu.memory_space<vmem_shared>>
      tpu.enqueue_indirect_dma source(%dma_start3A_598 : memref<64x128xf32, #tpu.memory_space<vmem>>) target(%dma_start3A_604 : memref<10112x128xf32, #tpu.memory_space<vmem_shared>>) offsets(%dma_start3A_601 : memref<64xi32, #tpu.memory_space<vmem>>) semaphore(%arg16 : memref<!tpu.dma_semaphore, #tpu.memory_space<semaphore_mem>>) {add = true}
      %dma_start3A_605 = arith.constant 7 : i32
      %dma_start3A_606 = arith.constant 0 : i32
      %dma_start3A_607 = tpu.memref_slice %arg9[%rem3A_94, %dma_start3A_605, %dma_start3A_606] : memref<2x8x64xi32, #tpu.memory_space<vmem>> -> memref<1x1x64xi32, #tpu.memory_space<vmem>>
      %dma_start3A_608 = tpu.memref_squeeze %dma_start3A_607 : memref<1x1x64xi32, #tpu.memory_space<vmem>> -> memref<64xi32, #tpu.memory_space<vmem>>
      %dma_start3A_609 = arith.constant 0 : i32
      %dma_start3A_610 = arith.constant 0 : i32
      %dma_start3A_611 = tpu.memref_slice %arg14[%dma_start3A_609, %dma_start3A_610] : memref<10112x16xf32, #tpu.memory_space<vmem_shared>> -> memref<10112x16xf32, #tpu.memory_space<vmem_shared>>
      tpu.enqueue_indirect_dma source(%arg12 : memref<64x16xf32, #tpu.memory_space<vmem>>) target(%dma_start3A_611 : memref<10112x16xf32, #tpu.memory_space<vmem_shared>>) offsets(%dma_start3A_608 : memref<64xi32, #tpu.memory_space<vmem>>) semaphore(%arg16 : memref<!tpu.dma_semaphore, #tpu.memory_space<semaphore_mem>>) {add = true}
    }
    %scan3A_42 = arith.constant 40 : i32
    %dma_wait3A = arith.constant 0 : i32
    %dma_wait3A_43 = arith.constant 0 : i32
    %dma_wait3A_44 = arith.constant 0 : i32
    %dma_wait3A_45 = arith.constant 0 : i32
    %dma_wait3A_46 = arith.constant 0 : i32
    %dma_wait3A_47 = tpu.memref_slice %arg11[%dma_wait3A, %dma_wait3A_45, %dma_wait3A_46] : memref<2x64x128xf32, #tpu.memory_space<vmem>> -> memref<1x64x128xf32, #tpu.memory_space<vmem>>
    %dma_wait3A_48 = tpu.memref_squeeze %dma_wait3A_47 : memref<1x64x128xf32, #tpu.memory_space<vmem>> -> memref<64x128xf32, #tpu.memory_space<vmem>>
    %dma_wait3A_49 = arith.constant 0 : i32
    %dma_wait3A_50 = tpu.memref_slice %arg9[%dma_wait3A_43, %dma_wait3A_44, %dma_wait3A_49] : memref<2x8x64xi32, #tpu.memory_space<vmem>> -> memref<1x1x64xi32, #tpu.memory_space<vmem>>
    %dma_wait3A_51 = tpu.memref_squeeze %dma_wait3A_50 : memref<1x1x64xi32, #tpu.memory_space<vmem>> -> memref<64xi32, #tpu.memory_space<vmem>>
    %dma_wait3A_52 = arith.constant 0 : i32
    %dma_wait3A_53 = arith.constant 0 : i32
    %dma_wait3A_54 = tpu.memref_slice %arg13[%dma_wait3A_52, %dma_wait3A_53] : memref<10112x128xf32, #tpu.memory_space<vmem_shared>> -> memref<10112x128xf32, #tpu.memory_space<vmem_shared>>
    tpu.wait_indirect_dma semaphore(%arg16 : memref<!tpu.dma_semaphore, #tpu.memory_space<semaphore_mem>>) src(%dma_wait3A_48 : memref<64x128xf32, #tpu.memory_space<vmem>>) dst(%dma_wait3A_54 : memref<10112x128xf32, #tpu.memory_space<vmem_shared>>)
    %dma_wait3A_55 = arith.constant 0 : i32
    %dma_wait3A_56 = arith.constant 0 : i32
    %dma_wait3A_57 = arith.constant 0 : i32
    %dma_wait3A_58 = tpu.memref_slice %arg9[%dma_wait3A_55, %dma_wait3A_56, %dma_wait3A_57] : memref<2x8x64xi32, #tpu.memory_space<vmem>> -> memref<1x1x64xi32, #tpu.memory_space<vmem>>
    %dma_wait3A_59 = tpu.memref_squeeze %dma_wait3A_58 : memref<1x1x64xi32, #tpu.memory_space<vmem>> -> memref<64xi32, #tpu.memory_space<vmem>>
    %dma_wait3A_60 = arith.constant 0 : i32
    %dma_wait3A_61 = arith.constant 0 : i32
    %dma_wait3A_62 = tpu.memref_slice %arg14[%dma_wait3A_60, %dma_wait3A_61] : memref<10112x16xf32, #tpu.memory_space<vmem_shared>> -> memref<10112x16xf32, #tpu.memory_space<vmem_shared>>
    tpu.wait_indirect_dma semaphore(%arg16 : memref<!tpu.dma_semaphore, #tpu.memory_space<semaphore_mem>>) src(%arg12 : memref<64x16xf32, #tpu.memory_space<vmem>>) dst(%dma_wait3A_62 : memref<10112x16xf32, #tpu.memory_space<vmem_shared>>)
    %dma_wait3A_63 = arith.constant 1 : i32
    %dma_wait3A_64 = arith.constant 0 : i32
    %dma_wait3A_65 = arith.constant 0 : i32
    %dma_wait3A_66 = arith.constant 0 : i32
    %dma_wait3A_67 = arith.constant 0 : i32
    %dma_wait3A_68 = tpu.memref_slice %arg11[%dma_wait3A_63, %dma_wait3A_66, %dma_wait3A_67] : memref<2x64x128xf32, #tpu.memory_space<vmem>> -> memref<1x64x128xf32, #tpu.memory_space<vmem>>
    %dma_wait3A_69 = tpu.memref_squeeze %dma_wait3A_68 : memref<1x64x128xf32, #tpu.memory_space<vmem>> -> memref<64x128xf32, #tpu.memory_space<vmem>>
    %dma_wait3A_70 = arith.constant 0 : i32
    %dma_wait3A_71 = tpu.memref_slice %arg9[%dma_wait3A_64, %dma_wait3A_65, %dma_wait3A_70] : memref<2x8x64xi32, #tpu.memory_space<vmem>> -> memref<1x1x64xi32, #tpu.memory_space<vmem>>
    %dma_wait3A_72 = tpu.memref_squeeze %dma_wait3A_71 : memref<1x1x64xi32, #tpu.memory_space<vmem>> -> memref<64xi32, #tpu.memory_space<vmem>>
    %dma_wait3A_73 = arith.constant 0 : i32
    %dma_wait3A_74 = arith.constant 0 : i32
    %dma_wait3A_75 = tpu.memref_slice %arg13[%dma_wait3A_73, %dma_wait3A_74] : memref<10112x128xf32, #tpu.memory_space<vmem_shared>> -> memref<10112x128xf32, #tpu.memory_space<vmem_shared>>
    tpu.wait_indirect_dma semaphore(%arg16 : memref<!tpu.dma_semaphore, #tpu.memory_space<semaphore_mem>>) src(%dma_wait3A_69 : memref<64x128xf32, #tpu.memory_space<vmem>>) dst(%dma_wait3A_75 : memref<10112x128xf32, #tpu.memory_space<vmem_shared>>)
    %dma_wait3A_76 = arith.constant 0 : i32
    %dma_wait3A_77 = arith.constant 0 : i32
    %dma_wait3A_78 = arith.constant 0 : i32
    %dma_wait3A_79 = tpu.memref_slice %arg9[%dma_wait3A_76, %dma_wait3A_77, %dma_wait3A_78] : memref<2x8x64xi32, #tpu.memory_space<vmem>> -> memref<1x1x64xi32, #tpu.memory_space<vmem>>
    %dma_wait3A_80 = tpu.memref_squeeze %dma_wait3A_79 : memref<1x1x64xi32, #tpu.memory_space<vmem>> -> memref<64xi32, #tpu.memory_space<vmem>>
    %dma_wait3A_81 = arith.constant 0 : i32
    %dma_wait3A_82 = arith.constant 0 : i32
    %dma_wait3A_83 = tpu.memref_slice %arg14[%dma_wait3A_81, %dma_wait3A_82] : memref<10112x16xf32, #tpu.memory_space<vmem_shared>> -> memref<10112x16xf32, #tpu.memory_space<vmem_shared>>
    tpu.wait_indirect_dma semaphore(%arg16 : memref<!tpu.dma_semaphore, #tpu.memory_space<semaphore_mem>>) src(%arg12 : memref<64x16xf32, #tpu.memory_space<vmem>>) dst(%dma_wait3A_83 : memref<10112x16xf32, #tpu.memory_space<vmem_shared>>)
    %barrier3A_84 = arith.constant 0 : index
    tpu.barrier barrier_id(%barrier3A_84)
    %mul3A_85 = arith.constant 632 : i32
    %mul3A_86 = arith.muli %arg1, %mul3A_85 : i32
    %mul3A_87 = arith.constant 632 : i32
    %mul3A_88 = arith.muli %arg1, %mul3A_87 : i32
    "tpu.region"() ({
      %run_scoped3A_93 = tpu.sem_alloc : memref<!tpu.dma_semaphore, #tpu.memory_space<semaphore_mem>>
      %dma_start3A_94 = arith.constant 0 : i32
      %dma_start3A_95 = tpu.memref_slice %arg6[%arg0, %mul3A_88, %dma_start3A_94] : memref<2x10112x128xf32, #tpu.memory_space<hbm>> -> memref<1x632x128xf32, #tpu.memory_space<hbm>>
      %dma_start3A_96 = tpu.memref_squeeze %dma_start3A_95 : memref<1x632x128xf32, #tpu.memory_space<hbm>> -> memref<632x128xf32, #tpu.memory_space<hbm>>
      %dma_start3A_97 = arith.constant 0 : i32
      %dma_start3A_98 = tpu.memref_slice %arg13[%mul3A_86, %dma_start3A_97] : memref<10112x128xf32, #tpu.memory_space<vmem_shared>> -> memref<632x128xf32, #tpu.memory_space<vmem_shared>>
      tpu.enqueue_dma source(%dma_start3A_98 : memref<632x128xf32, #tpu.memory_space<vmem_shared>>) target(%dma_start3A_96 : memref<632x128xf32, #tpu.memory_space<hbm>>) target_semaphore(%run_scoped3A_93 : memref<!tpu.dma_semaphore, #tpu.memory_space<semaphore_mem>>)
      %dma_wait3A_99 = arith.constant 0 : i32
      %dma_wait3A_100 = tpu.memref_slice %arg6[%arg0, %mul3A_88, %dma_wait3A_99] : memref<2x10112x128xf32, #tpu.memory_space<hbm>> -> memref<1x632x128xf32, #tpu.memory_space<hbm>>
      %dma_wait3A_101 = tpu.memref_squeeze %dma_wait3A_100 : memref<1x632x128xf32, #tpu.memory_space<hbm>> -> memref<632x128xf32, #tpu.memory_space<hbm>>
      %dma_wait3A_102 = arith.constant 0 : i32
      %dma_wait3A_103 = tpu.memref_slice %arg13[%mul3A_86, %dma_wait3A_102] : memref<10112x128xf32, #tpu.memory_space<vmem_shared>> -> memref<632x128xf32, #tpu.memory_space<vmem_shared>>
      tpu.wait_dma2 semaphore(%run_scoped3A_93 : memref<!tpu.dma_semaphore, #tpu.memory_space<semaphore_mem>>) src(%dma_wait3A_103 : memref<632x128xf32, #tpu.memory_space<vmem_shared>>) dst(%dma_wait3A_101 : memref<632x128xf32, #tpu.memory_space<hbm>>)
      tpu.yield
    }) : () -> ()
    %mul3A_89 = arith.constant 632 : i32
    %mul3A_90 = arith.muli %arg1, %mul3A_89 : i32
    %mul3A_91 = arith.constant 632 : i32
    %mul3A_92 = arith.muli %arg1, %mul3A_91 : i32
    "tpu.region"() ({
      %run_scoped3A_93 = tpu.sem_alloc : memref<!tpu.dma_semaphore, #tpu.memory_space<semaphore_mem>>
      %dma_start3A_94 = arith.constant 0 : i32
      %dma_start3A_95 = tpu.memref_slice %arg7[%arg0, %mul3A_92, %dma_start3A_94] : memref<2x10112x16xf32, #tpu.memory_space<hbm>> -> memref<1x632x16xf32, #tpu.memory_space<hbm>>
      %dma_start3A_96 = tpu.memref_squeeze %dma_start3A_95 : memref<1x632x16xf32, #tpu.memory_space<hbm>> -> memref<632x16xf32, #tpu.memory_space<hbm>>
      %dma_start3A_97 = arith.constant 0 : i32
      %dma_start3A_98 = tpu.memref_slice %arg14[%mul3A_90, %dma_start3A_97] : memref<10112x16xf32, #tpu.memory_space<vmem_shared>> -> memref<632x16xf32, #tpu.memory_space<vmem_shared>>
      tpu.enqueue_dma source(%dma_start3A_98 : memref<632x16xf32, #tpu.memory_space<vmem_shared>>) target(%dma_start3A_96 : memref<632x16xf32, #tpu.memory_space<hbm>>) target_semaphore(%run_scoped3A_93 : memref<!tpu.dma_semaphore, #tpu.memory_space<semaphore_mem>>)
      %dma_wait3A_99 = arith.constant 0 : i32
      %dma_wait3A_100 = tpu.memref_slice %arg7[%arg0, %mul3A_92, %dma_wait3A_99] : memref<2x10112x16xf32, #tpu.memory_space<hbm>> -> memref<1x632x16xf32, #tpu.memory_space<hbm>>
      %dma_wait3A_101 = tpu.memref_squeeze %dma_wait3A_100 : memref<1x632x16xf32, #tpu.memory_space<hbm>> -> memref<632x16xf32, #tpu.memory_space<hbm>>
      %dma_wait3A_102 = arith.constant 0 : i32
      %dma_wait3A_103 = tpu.memref_slice %arg14[%mul3A_90, %dma_wait3A_102] : memref<10112x16xf32, #tpu.memory_space<vmem_shared>> -> memref<632x16xf32, #tpu.memory_space<vmem_shared>>
      tpu.wait_dma2 semaphore(%run_scoped3A_93 : memref<!tpu.dma_semaphore, #tpu.memory_space<semaphore_mem>>) src(%dma_wait3A_103 : memref<632x16xf32, #tpu.memory_space<vmem_shared>>) dst(%dma_wait3A_101 : memref<632x16xf32, #tpu.memory_space<hbm>>)
      tpu.yield
    }) : () -> ()
    return
  }
}

module attributes {stable_mosaic.version = 14 : i64} {
  func.func @_mlp_body(%arg0: i32, %arg1: memref<2528x128xf32, #tpu.memory_space<vmem>>, %arg2: memref<128x512xf32, #tpu.memory_space<vmem>>, %arg3: memref<1x512xf32, #tpu.memory_space<vmem>>, %arg4: memref<512x128xf32, #tpu.memory_space<vmem>>, %arg5: memref<1x128xf32, #tpu.memory_space<vmem>>, %arg6: memref<2528x128xf32, #tpu.memory_space<vmem>>) attributes {dimension_semantics = [#tpu.dimension_semantics<arbitrary>], iteration_bounds = array<i64: 4>, scalar_prefetch = 0 : i64, scratch_operands = 0 : i64, tpu.core_type = #tpu.core_type<tc>, window_params = [{transform_indices = @transform_0, window_bounds = array<i64: 2528, 128>}, {pipeline_mode = #tpu.pipeline_mode<synchronous>, transform_indices = @transform_1, window_bounds = array<i64: 128, 512>}, {pipeline_mode = #tpu.pipeline_mode<synchronous>, transform_indices = @transform_2, window_bounds = array<i64: 1, 512>}, {pipeline_mode = #tpu.pipeline_mode<synchronous>, transform_indices = @transform_3, window_bounds = array<i64: 512, 128>}, {pipeline_mode = #tpu.pipeline_mode<synchronous>, transform_indices = @transform_4, window_bounds = array<i64: 1, 128>}, {transform_indices = @transform_5, window_bounds = array<i64: 2528, 128>}]} {
    %get3A = arith.constant 0 : index
    %get3A_0 = arith.constant 0 : index
    %get3A_1 = vector.load %arg1[%get3A, %get3A_0] : memref<2528x128xf32, #tpu.memory_space<vmem>>, vector<2528x128xf32>
    %get3A_2 = arith.constant 0 : index
    %get3A_3 = arith.constant 0 : index
    %get3A_4 = vector.load %arg2[%get3A_2, %get3A_3] : memref<128x512xf32, #tpu.memory_space<vmem>>, vector<128x512xf32>
    %dot_general3A = arith.constant dense<0.000000e+00> : vector<2528x512xf32>
    %dot_general3A_5 = tpu.matmul %get3A_1, %get3A_4, %dot_general3A {dimension_numbers = #tpu.dot_dimension_numbers<[1], [0], [0], [1], [0, 0, 1, 1], [], []>, transpose_lhs_hint = false} : vector<2528x128xf32>, vector<128x512xf32>, vector<2528x512xf32> -> vector<2528x512xf32>
    %get3A_6 = arith.constant 0 : index
    %get3A_7 = arith.constant 0 : index
    %get3A_8 = vector.load %arg3[%get3A_6, %get3A_7] : memref<1x512xf32, #tpu.memory_space<vmem>>, vector<1x512xf32>
    %add3A = vector.broadcast %get3A_8 : vector<1x512xf32> to vector<2528x512xf32>
    %add3A_9 = arith.addf %dot_general3A_5, %add3A : vector<2528x512xf32>
    %gt3A = arith.constant 0.000000e+00 : f32
    %gt3A_10 = vector.broadcast %gt3A : f32 to vector<2528x512xf32>
    %gt3A_11 = arith.cmpf ogt, %add3A_9, %gt3A_10 : vector<2528x512xf32>
    %min3A = arith.constant 0.000000e+00 : f32
    %min3A_12 = vector.broadcast %min3A : f32 to vector<2528x512xf32>
    %min3A_13 = arith.minimumf %add3A_9, %min3A_12 : vector<2528x512xf32>
    %exp3A = math.exp %min3A_13 : vector<2528x512xf32>
    %sub3A = arith.constant 1.000000e+00 : f32
    %sub3A_14 = vector.broadcast %sub3A : f32 to vector<2528x512xf32>
    %sub3A_15 = arith.subf %exp3A, %sub3A_14 : vector<2528x512xf32>
    %select_n3A = arith.select %gt3A_11, %add3A_9, %sub3A_15 : vector<2528x512xi1>, vector<2528x512xf32>
    %get3A_16 = arith.constant 0 : index
    %get3A_17 = arith.constant 0 : index
    %get3A_18 = vector.load %arg4[%get3A_16, %get3A_17] : memref<512x128xf32, #tpu.memory_space<vmem>>, vector<512x128xf32>
    %dot_general3A_19 = arith.constant dense<0.000000e+00> : vector<2528x128xf32>
    %dot_general3A_20 = tpu.matmul %select_n3A, %get3A_18, %dot_general3A_19 {dimension_numbers = #tpu.dot_dimension_numbers<[1], [0], [0], [1], [0, 0, 1, 1], [], []>, transpose_lhs_hint = false} : vector<2528x512xf32>, vector<512x128xf32>, vector<2528x128xf32> -> vector<2528x128xf32>
    %get3A_21 = arith.constant 0 : index
    %get3A_22 = arith.constant 0 : index
    %get3A_23 = vector.load %arg5[%get3A_21, %get3A_22] : memref<1x128xf32, #tpu.memory_space<vmem>>, vector<1x128xf32>
    %add3A_24 = vector.broadcast %get3A_23 : vector<1x128xf32> to vector<2528x128xf32>
    %add3A_25 = arith.addf %dot_general3A_20, %add3A_24 : vector<2528x128xf32>
    %gt3A_26 = arith.constant 0.000000e+00 : f32
    %gt3A_27 = vector.broadcast %gt3A_26 : f32 to vector<2528x128xf32>
    %gt3A_28 = arith.cmpf ogt, %add3A_25, %gt3A_27 : vector<2528x128xf32>
    %min3A_29 = arith.constant 0.000000e+00 : f32
    %min3A_30 = vector.broadcast %min3A_29 : f32 to vector<2528x128xf32>
    %min3A_31 = arith.minimumf %add3A_25, %min3A_30 : vector<2528x128xf32>
    %exp3A_32 = math.exp %min3A_31 : vector<2528x128xf32>
    %sub3A_33 = arith.constant 1.000000e+00 : f32
    %sub3A_34 = vector.broadcast %sub3A_33 : f32 to vector<2528x128xf32>
    %sub3A_35 = arith.subf %exp3A_32, %sub3A_34 : vector<2528x128xf32>
    %select_n3A_36 = arith.select %gt3A_28, %add3A_25, %sub3A_35 : vector<2528x128xi1>, vector<2528x128xf32>
    %swap3A = arith.constant 0 : index
    %swap3A_37 = arith.constant 0 : index
    %swap3A_38 = vector.load %arg6[%swap3A, %swap3A_37] : memref<2528x128xf32, #tpu.memory_space<vmem>>, vector<2528x128xf32>
    tpu.vector_store %arg6[%swap3A, %swap3A_37], %select_n3A_36 {strides = array<i32>} : memref<2528x128xf32, #tpu.memory_space<vmem>>, vector<2528x128xf32>,
    return
  }
  func.func @transform_0(%arg0: i32) -> (i32, i32) {
    %c0_i32 = arith.constant 0 : i32
    %c0_i32_0 = arith.constant 0 : i32
    return %arg0, %c0_i32 : i32, i32
  }
  func.func @transform_1(%arg0: i32) -> (i32, i32) {
    %c0_i32 = arith.constant 0 : i32
    %c0_i32_0 = arith.constant 0 : i32
    %c0_i32_1 = arith.constant 0 : i32
    return %c0_i32, %c0_i32_0 : i32, i32
  }
  func.func @transform_2(%arg0: i32) -> (i32, i32) {
    %c0_i32 = arith.constant 0 : i32
    %c0_i32_0 = arith.constant 0 : i32
    %c0_i32_1 = arith.constant 0 : i32
    return %c0_i32, %c0_i32_0 : i32, i32
  }
  func.func @transform_3(%arg0: i32) -> (i32, i32) {
    %c0_i32 = arith.constant 0 : i32
    %c0_i32_0 = arith.constant 0 : i32
    %c0_i32_1 = arith.constant 0 : i32
    return %c0_i32, %c0_i32_0 : i32, i32
  }
  func.func @transform_4(%arg0: i32) -> (i32, i32) {
    %c0_i32 = arith.constant 0 : i32
    %c0_i32_0 = arith.constant 0 : i32
    %c0_i32_1 = arith.constant 0 : i32
    return %c0_i32, %c0_i32_0 : i32, i32
  }
  func.func @transform_5(%arg0: i32) -> (i32, i32) {
    %c0_i32 = arith.constant 0 : i32
    %c0_i32_0 = arith.constant 0 : i32
    return %arg0, %c0_i32 : i32, i32
  }
}

module attributes {stable_mosaic.version = 14 : i64} {
  func.func @_agg_body(%arg0: i32, %arg1: memref<2x2528x128xf32, #tpu.memory_space<vmem>>, %arg2: memref<2x2528x16xf32, #tpu.memory_space<vmem>>, %arg3: memref<128x128xf32, #tpu.memory_space<vmem>>, %arg4: memref<1x128xf32, #tpu.memory_space<vmem>>, %arg5: memref<128x128xf32, #tpu.memory_space<vmem>>, %arg6: memref<1x128xf32, #tpu.memory_space<vmem>>, %arg7: memref<2528x128xf32, #tpu.memory_space<vmem>>, %arg8: memref<2528x128xf32, #tpu.memory_space<vmem>>) attributes {dimension_semantics = [#tpu.dimension_semantics<arbitrary>], iteration_bounds = array<i64: 4>, scalar_prefetch = 0 : i64, scratch_operands = 0 : i64, tpu.core_type = #tpu.core_type<tc>, window_params = [{transform_indices = @transform_0, window_bounds = array<i64: 2, 2528, 128>}, {transform_indices = @transform_1, window_bounds = array<i64: 2, 2528, 16>}, {pipeline_mode = #tpu.pipeline_mode<synchronous>, transform_indices = @transform_2, window_bounds = array<i64: 128, 128>}, {pipeline_mode = #tpu.pipeline_mode<synchronous>, transform_indices = @transform_3, window_bounds = array<i64: 1, 128>}, {pipeline_mode = #tpu.pipeline_mode<synchronous>, transform_indices = @transform_4, window_bounds = array<i64: 128, 128>}, {pipeline_mode = #tpu.pipeline_mode<synchronous>, transform_indices = @transform_5, window_bounds = array<i64: 1, 128>}, {transform_indices = @transform_6, window_bounds = array<i64: 2528, 128>}, {transform_indices = @transform_7, window_bounds = array<i64: 2528, 128>}]} {
    %get3A = arith.constant 0 : index
    %get3A_0 = arith.constant 0 : index
    %get3A_1 = arith.constant 0 : index
    %get3A_2 = vector.load %arg1[%get3A, %get3A_0, %get3A_1] : memref<2x2528x128xf32, #tpu.memory_space<vmem>>, vector<1x2528x128xf32>
    %get3A_3 = vector.shape_cast %get3A_2 : vector<1x2528x128xf32> to vector<2528x128xf32>
    %get3A_4 = arith.constant 0 : index
    %get3A_5 = arith.constant 0 : index
    %get3A_6 = arith.constant 0 : index
    %get3A_7 = vector.load %arg2[%get3A_4, %get3A_5, %get3A_6] : memref<2x2528x16xf32, #tpu.memory_space<vmem>>, vector<1x2528x1xf32>
    %get3A_8 = vector.shape_cast %get3A_7 : vector<1x2528x1xf32> to vector<2528x1xf32>
    %max3A = arith.constant 1.000000e+00 : f32
    %max3A_9 = vector.broadcast %max3A : f32 to vector<2528x1xf32>
    %max3A_10 = arith.maximumf %get3A_8, %max3A_9 : vector<2528x1xf32>
    %div3A = vector.broadcast %max3A_10 : vector<2528x1xf32> to vector<2528x128xf32>
    %div3A_11 = arith.divf %get3A_3, %div3A : vector<2528x128xf32>
    %get3A_12 = arith.constant 0 : index
    %get3A_13 = arith.constant 0 : index
    %get3A_14 = vector.load %arg3[%get3A_12, %get3A_13] : memref<128x128xf32, #tpu.memory_space<vmem>>, vector<128x128xf32>
    %dot_general3A = arith.constant dense<0.000000e+00> : vector<2528x128xf32>
    %dot_general3A_15 = tpu.matmul %div3A_11, %get3A_14, %dot_general3A {dimension_numbers = #tpu.dot_dimension_numbers<[1], [0], [0], [1], [0, 0, 1, 1], [], []>, transpose_lhs_hint = false} : vector<2528x128xf32>, vector<128x128xf32>, vector<2528x128xf32> -> vector<2528x128xf32>
    %get3A_16 = arith.constant 0 : index
    %get3A_17 = arith.constant 0 : index
    %get3A_18 = vector.load %arg4[%get3A_16, %get3A_17] : memref<1x128xf32, #tpu.memory_space<vmem>>, vector<1x128xf32>
    %add3A = vector.broadcast %get3A_18 : vector<1x128xf32> to vector<2528x128xf32>
    %add3A_19 = arith.addf %dot_general3A_15, %add3A : vector<2528x128xf32>
    %gt3A = arith.constant 0.000000e+00 : f32
    %gt3A_20 = vector.broadcast %gt3A : f32 to vector<2528x128xf32>
    %gt3A_21 = arith.cmpf ogt, %add3A_19, %gt3A_20 : vector<2528x128xf32>
    %min3A = arith.constant 0.000000e+00 : f32
    %min3A_22 = vector.broadcast %min3A : f32 to vector<2528x128xf32>
    %min3A_23 = arith.minimumf %add3A_19, %min3A_22 : vector<2528x128xf32>
    %exp3A = math.exp %min3A_23 : vector<2528x128xf32>
    %sub3A = arith.constant 1.000000e+00 : f32
    %sub3A_24 = vector.broadcast %sub3A : f32 to vector<2528x128xf32>
    %sub3A_25 = arith.subf %exp3A, %sub3A_24 : vector<2528x128xf32>
    %select_n3A = arith.select %gt3A_21, %add3A_19, %sub3A_25 : vector<2528x128xi1>, vector<2528x128xf32>
    %swap3A = arith.constant 0 : index
    %swap3A_26 = arith.constant 0 : index
    %swap3A_27 = vector.load %arg7[%swap3A, %swap3A_26] : memref<2528x128xf32, #tpu.memory_space<vmem>>, vector<2528x128xf32>
    tpu.vector_store %arg7[%swap3A, %swap3A_26], %select_n3A {strides = array<i32>} : memref<2528x128xf32, #tpu.memory_space<vmem>>, vector<2528x128xf32>,
    %get3A_28 = arith.constant 1 : index
    %get3A_29 = arith.constant 0 : index
    %get3A_30 = arith.constant 0 : index
    %get3A_31 = vector.load %arg1[%get3A_28, %get3A_29, %get3A_30] : memref<2x2528x128xf32, #tpu.memory_space<vmem>>, vector<1x2528x128xf32>
    %get3A_32 = vector.shape_cast %get3A_31 : vector<1x2528x128xf32> to vector<2528x128xf32>
    %get3A_33 = arith.constant 1 : index
    %get3A_34 = arith.constant 0 : index
    %get3A_35 = arith.constant 0 : index
    %get3A_36 = vector.load %arg2[%get3A_33, %get3A_34, %get3A_35] : memref<2x2528x16xf32, #tpu.memory_space<vmem>>, vector<1x2528x1xf32>
    %get3A_37 = vector.shape_cast %get3A_36 : vector<1x2528x1xf32> to vector<2528x1xf32>
    %max3A_38 = arith.constant 1.000000e+00 : f32
    %max3A_39 = vector.broadcast %max3A_38 : f32 to vector<2528x1xf32>
    %max3A_40 = arith.maximumf %get3A_37, %max3A_39 : vector<2528x1xf32>
    %div3A_41 = vector.broadcast %max3A_40 : vector<2528x1xf32> to vector<2528x128xf32>
    %div3A_42 = arith.divf %get3A_32, %div3A_41 : vector<2528x128xf32>
    %get3A_43 = arith.constant 0 : index
    %get3A_44 = arith.constant 0 : index
    %get3A_45 = vector.load %arg5[%get3A_43, %get3A_44] : memref<128x128xf32, #tpu.memory_space<vmem>>, vector<128x128xf32>
    %dot_general3A_46 = arith.constant dense<0.000000e+00> : vector<2528x128xf32>
    %dot_general3A_47 = tpu.matmul %div3A_42, %get3A_45, %dot_general3A_46 {dimension_numbers = #tpu.dot_dimension_numbers<[1], [0], [0], [1], [0, 0, 1, 1], [], []>, transpose_lhs_hint = false} : vector<2528x128xf32>, vector<128x128xf32>, vector<2528x128xf32> -> vector<2528x128xf32>
    %get3A_48 = arith.constant 0 : index
    %get3A_49 = arith.constant 0 : index
    %get3A_50 = vector.load %arg6[%get3A_48, %get3A_49] : memref<1x128xf32, #tpu.memory_space<vmem>>, vector<1x128xf32>
    %add3A_51 = vector.broadcast %get3A_50 : vector<1x128xf32> to vector<2528x128xf32>
    %add3A_52 = arith.addf %dot_general3A_47, %add3A_51 : vector<2528x128xf32>
    %gt3A_53 = arith.constant 0.000000e+00 : f32
    %gt3A_54 = vector.broadcast %gt3A_53 : f32 to vector<2528x128xf32>
    %gt3A_55 = arith.cmpf ogt, %add3A_52, %gt3A_54 : vector<2528x128xf32>
    %min3A_56 = arith.constant 0.000000e+00 : f32
    %min3A_57 = vector.broadcast %min3A_56 : f32 to vector<2528x128xf32>
    %min3A_58 = arith.minimumf %add3A_52, %min3A_57 : vector<2528x128xf32>
    %exp3A_59 = math.exp %min3A_58 : vector<2528x128xf32>
    %sub3A_60 = arith.constant 1.000000e+00 : f32
    %sub3A_61 = vector.broadcast %sub3A_60 : f32 to vector<2528x128xf32>
    %sub3A_62 = arith.subf %exp3A_59, %sub3A_61 : vector<2528x128xf32>
    %select_n3A_63 = arith.select %gt3A_55, %add3A_52, %sub3A_62 : vector<2528x128xi1>, vector<2528x128xf32>
    %swap3A_64 = arith.constant 0 : index
    %swap3A_65 = arith.constant 0 : index
    %swap3A_66 = vector.load %arg8[%swap3A_64, %swap3A_65] : memref<2528x128xf32, #tpu.memory_space<vmem>>, vector<2528x128xf32>
    tpu.vector_store %arg8[%swap3A_64, %swap3A_65], %select_n3A_63 {strides = array<i32>} : memref<2528x128xf32, #tpu.memory_space<vmem>>, vector<2528x128xf32>,
    return
  }
  func.func @transform_0(%arg0: i32) -> (i32, i32, i32) {
    %c0_i32 = arith.constant 0 : i32
    %c0_i32_0 = arith.constant 0 : i32
    %c0_i32_1 = arith.constant 0 : i32
    return %c0_i32, %arg0, %c0_i32_0 : i32, i32, i32
  }
  func.func @transform_1(%arg0: i32) -> (i32, i32, i32) {
    %c0_i32 = arith.constant 0 : i32
    %c0_i32_0 = arith.constant 0 : i32
    %c0_i32_1 = arith.constant 0 : i32
    return %c0_i32, %arg0, %c0_i32_0 : i32, i32, i32
  }
  func.func @transform_2(%arg0: i32) -> (i32, i32) {
    %c0_i32 = arith.constant 0 : i32
    %c0_i32_0 = arith.constant 0 : i32
    %c0_i32_1 = arith.constant 0 : i32
    return %c0_i32, %c0_i32_0 : i32, i32
  }
  func.func @transform_3(%arg0: i32) -> (i32, i32) {
    %c0_i32 = arith.constant 0 : i32
    %c0_i32_0 = arith.constant 0 : i32
    %c0_i32_1 = arith.constant 0 : i32
    return %c0_i32, %c0_i32_0 : i32, i32
  }
  func.func @transform_4(%arg0: i32) -> (i32, i32) {
    %c0_i32 = arith.constant 0 : i32
    %c0_i32_0 = arith.constant 0 : i32
    %c0_i32_1 = arith.constant 0 : i32
    return %c0_i32, %c0_i32_0 : i32, i32
  }
  func.func @transform_5(%arg0: i32) -> (i32, i32) {
    %c0_i32 = arith.constant 0 : i32
    %c0_i32_0 = arith.constant 0 : i32
    %c0_i32_1 = arith.constant 0 : i32
    return %c0_i32, %c0_i32_0 : i32, i32
  }
  func.func @transform_6(%arg0: i32) -> (i32, i32) {
    %c0_i32 = arith.constant 0 : i32
    %c0_i32_0 = arith.constant 0 : i32
    return %arg0, %c0_i32 : i32, i32
  }
  func.func @transform_7(%arg0: i32) -> (i32, i32) {
    %c0_i32 = arith.constant 0 : i32
    %c0_i32_0 = arith.constant 0 : i32
    return %arg0, %c0_i32 : i32, i32
  }
}

</mosaic_0001>

<sc_bundles>
// kernel: kernel.5.cloned.1.call-start
scs
__scs_entry_jumppad:
0x0: {  	(pc) =	sbr.rel $0x88, $3  }
0x1: {  	(tag) =	ssettag $0x0;
	lr =	simm.s32 $0x1  }
0x2: {  	[smem:$0x3F97] =	sst lr;
	_ =	strace $0xD0000000  }
0x3: {  	_ = 	snop  }
0x4: {  	_ = 	snop  }
0x5: {  	_ = 	snop  }
0x6: {  	_ = 	snop  }
0x7: {  	_ = 	snop  }
__scs_overlays_trampoline_lowered:
0x8: {  	[smem:$0x3FA6] =	sst s0  }
0x9: {  	[smem:$0x3FA7] =	sst s1  }
0xa: {  	[smem:$0x3FA8] =	sst s2  }
0xb: {  	[smem:$0x3FA9] =	sst s3  }
0xc: {  	[smem:$0x3FAA] =	sst s4  }
0xd: {  	[smem:$0x3FAB] =	sst s5  }
0xe: {  	[smem:$0x3FAC] =	sst s6  }
0xf: {  	[smem:$0x3FAD] =	sst s7  }
0x10: {  	[smem:$0x3FAE] =	sst s8  }
0x11: {  	[smem:$0x3FAF] =	sst s9;
	s0 =	simm.s32 @!p0 $0x0  }
0x12: {  	s1 =	sld [smem:$0x3F95];
	s0 =	simm.s32 @p0 $0x1  }
0x13: {  	[smem:$0x3FB0] =	sst s0;
	s0 =	simm.s32 @!p1 $0x0  }
0x14: {  	s2 =	sld [smem:$0x3F94];
	s0 =	simm.s32 @p1 $0x1  }
0x15: {  	[smem:$0x3FB1] =	sst s0;
	s0 =	simm.s32 @!p2 $0x0  }
0x16: {  	s3 =	sld [smem:$0x3FDB];
	s0 =	simm.s32 @p2 $0x1  }
0x17: {  	s4 =	simm.s32 $0x1BF5;
	[smem:$0x3FB3] =	sst s0  }
0x18: {  	s0 =	sld [smem:$0x3F96];
	_ =	swait.ge [sflag:s4], $0x0  }
0x19: {  	s7 =	sld [smem:$0x3F97]  }
0x1a: {  	s8 =	sadd.s32 $0xFFFFE003, lr  }
0x1b: {  	s9 =	sadd.s32 $0xFFFFFEF7, lr;
	s5 =	simm.s32 $0xFFFFFFFF;
	p2 =	slt.u32 s8, $0xFFFFF086  }
0x1c: {  	p1 =	slt.u32 s9, $0xF7A;
	s5 =	simm.s32 @!p2 $0x0  }
0x1d: {  	s5 =	simm.s32 @p1 $0x1;
	p0 =	seq.s32 s7, s2  }
0x1e: {  	s7 =	smul.u32 @!p0 $0xF7A, s2;
	p2 =	seq.s32 @!p0 s5, $0x0  }
0x1f: {  	s9 =	smul.u32 $0xF7A, s1;
	s8 =	simm.s32 @!p0 $0x1BF5;
	p2 =	por !p2, p0  }
0x20: {  	[sflag:s8] =	ssyncset.s32 @!p0 $0xFFFFF086;
	s6 =	sadd.s32 @!p0 s3, s7;
	s7 =	simm.s32 @!p0 $0x108  }
0x21: {  	s3 =	sadd.s32 s3, s9;
	s6 =	sadd.s32 @!p0 $0x88, s6;
	s7 =	simm.s32 @p2 $0x1082  }
0x22: {  	[simem:s7], [sflag:s8] =	dma.local @!p0 [hbm:s6], $0xF7A  }
0x23: {  	s9 =	sor.u32 $0xD0000000, s2;
	s6 =	simm.s32 $0x108;
	_ =	swait.ge @!p0 [sflag:s8], $0x0  }
0x24: {  	s3 =	sadd.s32 $0x88, s3;
	s6 =	simm.s32 @!p1 $0x1082;
	[sflag:s4] =	ssyncset.s32 $0xFFFFF086  }
0x25: {  	[simem:s6], [sflag:s4] =	dma.local [hbm:s3], $0xF7A  }
0x26: {  	[smem:$0x3F97] =	sst s1;
	(tag) =	ssettag s2;
	_ =	strace s9  }
0x27: {  	s1 =	sld [smem:$0x3FA7]  }
0x28: {  	s2 =	sld [smem:$0x3FA8]  }
0x29: {  	s4 =	sld [smem:$0x3FAA]  }
0x2a: {  	p0 =	seq.s32 s5, $0x0;
	s5 =	sld [smem:$0x3FAB]  }
0x2b: {  	s6 =	sld [smem:$0x3FAC]  }
0x2c: {  	s7 =	sld [smem:$0x3FAD]  }
0x2d: {  	s3 =	simm.s32 $0x108;
	s8 =	sld [smem:$0x3FAE]  }
0x2e: {  	s3 =	simm.s32 @!p0 $0x1082;
	s9 =	sld [smem:$0x3FAF]  }
0x2f: {  	lr =	sadd.s32 s0, s3;
	s0 =	sld [smem:$0x3FA6]  }
0x30: {  	s3 =	sld [smem:$0x3FA9]  }
0x31: {  	[smem:$0x3FB2] =	sst s10  }
0x32: {  	s10 =	sld [smem:$0x3FB0];
	_ =	sdelay $0x3  }
0x33: {  	p0 =	seq.s32 s10, $0x1;
	s10 =	sld [smem:$0x3FB2];
	_ =	sdelay $0x3  }
0x34: {  	[smem:$0x3FB2] =	sst s10  }
0x35: {  	s10 =	sld [smem:$0x3FB1];
	_ =	sdelay $0x3  }
0x36: {  	p1 =	seq.s32 s10, $0x1;
	s10 =	sld [smem:$0x3FB2];
	_ =	sdelay $0x3  }
0x37: {  	[smem:$0x3FB2] =	sst s10  }
0x38: {  	s10 =	sld [smem:$0x3FB3]  }
0x39: {  	_ = 	snop;
	(pc) =	sbr.ind lr, $3  }
0x3a: {  	_ = 	snop  }
0x3b: {  	_ = 	snop  }
0x3c: {  	p2 =	seq.s32 s10, $0x1;
	s10 =	sld [smem:$0x3FB2]  }
0x3d: {  	_ =	shalt  }
0x3e: {  	_ =	shalt  }
0x3f: {  	_ =	shalt  }
0x40: {  	_ =	shalt  }
0x41: {  	_ =	shalt  }
0x42: {  	_ =	shalt  }
0x43: {  	_ =	shalt  }
0x44: {  	_ =	shalt  }
0x45: {  	_ =	shalt  }
0x46: {  	_ =	shalt  }
0x47: {  	_ =	shalt  }
0x48: {  	_ =	shalt  }
0x49: {  	_ =	shalt  }
0x4a: {  	_ =	shalt  }
0x4b: {  	_ =	shalt  }
0x4c: {  	_ =	shalt  }
0x4d: {  	_ =	shalt  }
0x4e: {  	_ =	shalt  }
0x4f: {  	_ =	shalt  }
0x50: {  	_ =	shalt  }
0x51: {  	_ =	shalt  }
0x52: {  	_ =	shalt  }
0x53: {  	_ =	shalt  }
0x54: {  	_ =	shalt  }
0x55: {  	_ =	shalt  }
0x56: {  	_ =	shalt  }
0x57: {  	_ =	shalt  }
0x58: {  	_ =	shalt  }
0x59: {  	_ =	shalt  }
0x5a: {  	_ =	shalt  }
0x5b: {  	_ =	shalt  }
0x5c: {  	_ =	shalt  }
0x5d: {  	_ =	shalt  }
0x5e: {  	_ =	shalt  }
0x5f: {  	_ =	shalt  }
0x60: {  	_ =	shalt  }
0x61: {  	_ =	shalt  }
0x62: {  	_ =	shalt  }
0x63: {  	_ =	shalt  }
0x64: {  	_ =	shalt  }
0x65: {  	_ =	shalt  }
0x66: {  	_ =	shalt  }
0x67: {  	_ =	shalt  }
0x68: {  	_ =	shalt  }
0x69: {  	_ =	shalt  }
0x6a: {  	_ =	shalt  }
0x6b: {  	_ =	shalt  }
0x6c: {  	_ =	shalt  }
0x6d: {  	_ =	shalt  }
0x6e: {  	_ =	shalt  }
0x6f: {  	_ =	shalt  }
0x70: {  	_ =	shalt  }
0x71: {  	_ =	shalt  }
0x72: {  	_ =	shalt  }
0x73: {  	_ =	shalt  }
0x74: {  	_ =	shalt  }
0x75: {  	_ =	shalt  }
0x76: {  	_ =	shalt  }
0x77: {  	_ =	shalt  }
0x78: {  	_ =	shalt  }
0x79: {  	_ =	shalt  }
0x7a: {  	_ =	shalt  }
0x7b: {  	_ =	shalt  }
0x7c: {  	_ =	shalt  }
0x7d: {  	_ =	shalt  }
0x7e: {  	_ =	shalt  }
0x7f: {  	_ =	shalt  }
0x80: {  	_ =	shalt  }
0x81: {  	_ =	shalt  }
0x82: {  	_ =	shalt  }
0x83: {  	_ =	shalt  }
0x84: {  	_ =	shalt  }
0x85: {  	_ =	shalt  }
0x86: {  	_ =	shalt  }
0x87: {  	_ =	shalt  }
.Lfunc_end0:
.L_simem_size_0:
called_computation_lowered:
.L_overlay_start_0:
0x88: {  	s2 =	sld [smem:$0x3FD9]  }
0x89: {  	s3 =	sld [smem:$0x3FFE];
	_ =	sdelay $0x1  }
0x8a: {  	s1 =	srdreg.scid  }
0x8b: {  	s0 =	sand.u32 $0x1, s1  }
0x8c: {  	s14 =	sshll.u32 s0, $0xA;
	s2 =	sadd.s32 s3, s2  }
0x8d: {  	s2 =	sadd.s32 s2, s14  }
0x8e: {  	[smem:$0x3FBE] =	sst s2  }
0x8f: {  	_ = 	snop  }
0x90: {  	s2 =	sld [smem:$0x3FD0];
	_ =	sdelay $0x2  }
0x91: {  	s15 =	simm.s32 $0xA;
	s4 =	simm.s32 $0x10  }
0x92: {  	[smem:s4], [sflag:s15] =	dma.local [hbm:s2], $0x1  }
0x93: {  	_ =	swait.eq [sflag:s15], $0x1  }
0x94: {  	[sflag:s15] =	ssyncset.done $0x0  }
0x95: {  	s16 =	sld [smem:$0x10];
	[sflag:s15] =	ssyncadd.s32 $0xFFFFFFFF  }
0x96: {  	s17 =	sld [smem:$0x11];
	(tm) =	ssettm $0x1  }
0x97: {  	s18 =	sld [smem:$0x3FFB];
	_ =	sdelay $0x3  }
0x98: {  	_ =	strace s18  }
0x99: {  	s4 =	sld [smem:$0x3FFC];
	_ =	sdelay $0x3  }
0x9a: {  	_ =	strace s4  }
0x9b: {  	s4 =	sld [smem:$0x3FFD];
	_ =	sdelay $0x3  }
0x9c: {  	_ =	strace s4  }
0x9d: {  	_ =	strace $0x8FFFFFFF  }
0x9e: {  	s19 =	sld [smem:$0x3FDB];
	_ =	sdelay $0x1  }
0x9f: {  	s5 =	simm.s32 $_scs_section_size  }
0xa0: {  	s6 =	simm.s32 $_size__tile_overlayer_lowered;
	s7 =	simm.s32 $_tile_overlayer_lowered  }
0xa1: {  	s22 =	simm.s32 $0x1BFF;
	s21 =	sshll.u32 s7, $0x1;
	s4 =	sadd.s32 s5, s19  }
0xa2: {  	s8 =	simm.s32 $0x0;
	s20 =	sshll.u32 s6, $0x1;
	s6 =	sadd.s32 s21, s4  }
0xa3: {  	[timem:s8], [sflag:s22] =	dma.local [hbm:s6], s20  }
0xa4: {  	_ =	swait.ge [sflag:s22], s20  }
0xa5: {  	s5 =	ssub.s32 $0x0, s20;
	[sflag:s22] =	ssyncset.done $0x0  }
0xa6: {  	[sflag:s22] =	ssyncadd.s32 s5;
	_ =	sdelay $0x1  }
0xa7: {  	s23 =	simm.s32 $0x1B8B  }
0xa8: {  	_ =	swait.ge [sflag:s23], $0x1  }
0xa9: {  	[sflag:s23] =	ssyncset.done $0x0  }
0xaa: {  	s25 =	simm.s32 $0x1B8E;
	s24 =	sld [smem:$0x3FFE];
	[sflag:s23] =	ssyncadd.s32 $0xFFFFFFFF  }
0xab: {  	s26 =	simm.s32 $execute0_lowered;
	[smem:$0x3FD2] =	sst s25  }
0xac: {  	s6 =	sshll.u32 s26, $0x1;
	_ =	strace $0x80000046;
	[dreg:$0x1] =	wrdreg $0xFFFFFFFF  }
0xad: {  	s28 =	simm.s32 $_size_execute0_lowered;
	s4 =	sadd.s32 s4, s6;
	[dreg:$0x0] =	wrdreg $0x0  }
0xae: {  	s6 =	sshll.u32 s28, $0x1;
	[dreg:$0x2] =	wrdreg s4  }
0xaf: {  	[dreg:$0x3] =	wrdreg s6  }
0xb0: {  	[dreg:$0x4] =	wrdreg $0xC0  }
0xb1: {  	_ =	task [dreg:s8], $0x5FFFF  }
0xb2: {  	[dreg:$0x1] =	wrdreg $0xFFFFFFFF  }
0xb3: {  	[dreg:$0x0] =	wrdreg $0x60  }
0xb4: {  	[dreg:$0x2] =	wrdreg s17  }
0xb5: {  	[dreg:$0x3] =	wrdreg s16  }
0xb6: {  	[dreg:$0x4] =	wrdreg s24  }
0xb7: {  	[dreg:$0x5] =	wrdreg $0x8C000  }
0xb8: {  	[dreg:$0x6] =	wrdreg $0x1C8000  }
0xb9: {  	[dreg:$0x7] =	wrdreg $0x9  }
0xba: {  	_ =	task.clear_ibuf [dreg:s8], $0x8FFFF;
	_ =	strace $0x90000046  }
0xbb: {  	s29 =	simm.s32 $0x9;
	_ =	strace $0x80000048  }
0xbc: {  	_ =	swait.ge [sflag:s29], $0x1  }
0xbd: {  	[sflag:s29] =	ssyncadd.s32 $0xFFFFFFFF  }
0xbe: {  	_ =	strace $0x90000048  }
0xbf: {  	_ =	sfence  }
0xc0: {  	s30 =	sld [smem:$0x0];
	_ =	sdelay $0x2  }
0xc1: {  	s31 =	sshll.u32 s1, $0xD;
	s1 =	sshrl.u32 s1, $0x2  }
0xc2: {  	s3 =	sand.u32 $0x4000, s31;
	s1 =	sadd.s32 s1, s30  }
0xc3: {  	s0 =	sor.u32 s3, s0;
	s1 =	sshll.u32 s1, $0x11  }
0xc4: {  	s0 =	sor.u32 s1, s0  }
0xc5: {  	s0 =	sadd.s32 $0x8F2B, s0  }
0xc6: {  	[sflag:s0] =	ssyncadd.remote.s32 $0x1  }
0xc7: {  	_ =	sfence.sel $0xFFFF  }
0xc8: {  	[dreg:$0x0] =	wrdreg $0xFFFFFFFF;
	(pc) =	sbr.abs _section_cstart, $3  }
0xc9: {  	[dreg:$0x1] =	wrdreg $0xFFFFFFFF  }
0xca: {  	_ =	task.clear_ibuf [dreg:s8], $0x2FFFF;
	_ =	strace $0x9FFFFFFF  }
0xcb: {  	(tm) =	ssettm $0x7FFFFFFF  }
tec
execute0_lowered:
.L_overlay_start_1:
0x0: {  	(tag) =	ssettag $0x1  }
0x1: {  	s1 =	rddreg [dreg:$0x0]  }
0x2: {  	s2 =	rddreg [dreg:$0x1]  }
0x3: {  	s0 =	rddreg [dreg:$0x2];
	s3 =	srdreg.scid  }
0x4: {  	s15 =	stileid.u32;
	s4 =	rddreg [dreg:$0x3]  }
0x5: {  	s5 =	rddreg [dreg:$0x4];
	s6 =	simm.s32 $0x0;
	s28 =	simm.s32 $0x4800  }
0x6: {  	s29 =	simm.s32 $0x8800;
	s30 =	simm.s32 $0x3800;
	s7 =	smul.u32 $0x13C00, s15  }
0x7: {  	s31 =	simm.s32 $0x6800;
	s3 =	sand.u32 $0x1, s3;
	s13 =	smul.u32 $0x2780, s15  }
0x8: {  	[smem:$0x7FF] =	sst s6;
	s10 =	sadd.s32 $0x1E00, s0;
	s8 =	smul.u32 $0x13C000, s3  }
0x9: {  	s18 =	sadd.s32 $0x4600, s0;
	s20 =	sshll.u32 s15, $0x6;
	s9 =	smul.u32 $0x27800, s3  }
0xa: {  	_ =	strace $0x80000047;
	[dreg:$0x6] =	wrdreg s10;
	s12 =	ssub.s32 $0x2, s3  }
0xb: {  	[dreg:$0x7] =	wrdreg s18;
	s10 =	smul.u32 $0x5000, s15;
	s14 =	sshrl.u32 s12, $0x1  }
0xc: {  	s19 =	sadd.s32 s7, s4;
	s8 =	sadd.s32 s7, s8;
	s9 =	sadd.s32 s13, s9  }
0xd: {  	s14 =	ssub.s32 s12, s14;
	s12 =	sor.u32 $0x1C04, s20;
	s13 =	sadd.s32 s13, s5  }
0xe: {  	s18 =	sshrl.u32 s19, $0x3;
	s19 =	simm.s32 $0x4;
	s8 =	sshrl.u32 s8, $0x3  }
0xf: {  	s11 =	sshrl.u32 s9, $0x3;
	s9 =	smul.u32 $0x50000, s3;
	s3 =	sxor.u32 $0x1, s3  }
0x10: {  	s26 =	smax.u32 s14, $0x1;
	s20 =	sshrl.u32 s13, $0x3;
	s8 =	sadd.s32 s8, s0  }
0x11: {  	s0 =	sadd.s32 s11, s0;
	s11 =	smul.u32 $0x50000, s3;
	[dreg:$0xc] =	wrdreg s26  }
0x12: {  	s26 =	simm.s32 $0x2800;
	s3 =	simm.s32 $0x2;
	s25 =	sadd.s32 $0xEA00, s8  }
0x13: {  	s21 =	sadd.s32 s10, s9;
	s0 =	sadd.s32 $0x4C00, s0;
	[dreg:$0xa] =	wrdreg s25  }
0x14: {  	s22 =	sshrl.u32 s21, $0x3;
	s23 =	sadd.s32 s10, s11;
	[dreg:$0xb] =	wrdreg s0  }
0x15: {  	s25 =	simm.s32 $0x1;
	s7 =	sadd.s32 s1, s22;
	s24 =	sshrl.u32 s23, $0x3  }
0x16: {  	s22 =	simm.s32 $0x40;
	[dreg:$0x8] =	wrdreg s7;
	s7 =	sadd.s32 s1, s24  }
0x17: {  	v0 =	vimm.f32 $1.000000000e+00;
	s23 =	simm.s32 $0x800;
	s24 =	simm.s32 $0x1800;
	[dreg:$0x9] =	wrdreg s7  }
.LBB2_1:
0x18: {  	s0 =	rddreg [dreg:$0x6]  }
0x19: {  	[spmem:s18], [sflag:s12] =	dma.local [hbm:s0], $0x2780  }
0x1a: {  	_ =	swait.ge [sflag:s19], $0x2780  }
0x1b: {  	[sflag:s19] =	ssyncset.done $0x0  }
0x1c: {  	s21 =	rddreg [dreg:$0x7];
	[sflag:s19] =	ssyncadd.s32 $0xFFFFD880  }
0x1d: {  	[spmem:s20], [sflag:s12] =	dma.local [hbm:s21], $0x4F0  }
0x1e: {  	_ =	swait.ge [sflag:s19], $0x4F0  }
0x1f: {  	[sflag:s19] =	ssyncset.done $0x0  }
0x20: {  	s7 =	simm.s32 $0x0;
	s0 =	simm.s32 $0x40;
	[sflag:s19] =	ssyncadd.s32 $0xFFFFFB10  }
.LBB2_2:
0x21: {  	p0 =	sne.s32 s0, $0xFC0;
	[tilespmem:s7+$0x8800] =	vst v0;
	s7 =	smov.u32 s0;
	s0 =	sadd.s32 $0x40, s0  }
.Ltmp0:
0x22: {  	(pc) =	sbr.rel @p0 .LBB2_2-.Ltmp0, $2  }
0x23: {  	_ =	sdelay $0x2  }
0x24: {  	s7 =	sshra.s32 s7, $0x2  }
0x25: {  	[tilespmem:s7+$0x8800] =	vst v0  }
0x26: {  	[bflag:$0x0] =	sbarrier.arrive $0xFFFF  }
0x27: {  	s0 =	simm.s32 $0x0;
	s17 =	rddreg [dreg:$0x8]  }
0x28: {  	[tilespmem:s0], [sflag:$0x4] =	stream.linear.gather [hbm4b:s17+s0], $0x200, $0x38;
	[tilespmem:$0x1EF80] =	vst v63  }
0x29: {  	_ =	swait.ge [sflag:s19], $0x200  }
0x2a: {  	[sflag:s19] =	ssyncset.done $0x0  }
0x2b: {  	s8 =	simm.s32 $0x400;
	s21 =	rddreg [dreg:$0x9];
	[sflag:s19] =	ssyncadd.s32 $0xFFFFFE00  }
0x2c: {  	[tilespmem:s8], [sflag:$0x4] =	stream.linear.gather [hbm4b:s21+s0], $0x200, $0x38;
	[tilespmem:$0x1EF80] =	vst v63  }
0x2d: {  	_ =	swait.ge [sflag:s19], $0x200  }
0x2e: {  	[sflag:s19] =	ssyncset.done $0x0  }
0x2f: {  	[sflag:s19] =	ssyncadd.s32 $0xFFFFFE00  }
0x30: {  	[tilespmem:s23], [sflag:$0x1] =	stream.indirect.gather [hbm4b:s2+s22], $0x40, s0, s22, $0xb8;
	[tilespmem:$0x1EF80] =	vst v63  }
0x31: {  	_ = 	snop  }
0x32: {  	[tilespmem:s24], [sflag:$0x1] =	stream.indirect.gather [hbm4b:s2+s22], $0x40, s22, s22, $0xb8;
	[tilespmem:$0x1EF80] =	vst v63  }
.LBB2_4:
0x33: {  	s13 =	smov.u32 s0  }
0x34: {  	s0 =	sadd.s32 $0x1, s0;
	p0 =	seq.s32 s13, $0x27  }
0x35: {  	s7 =	sshll.u32 @!p0 s0, $0x9  }
0x36: {  	s8 =	sand.u32 $0x1, s13;
	s7 =	sadd.s32 @!p0 s10, s7  }
0x37: {  	s15 =	sxor.u32 $0x1, s8;
	s14 =	sadd.s32 @!p0 s9, s7  }
0x38: {  	s21 =	sshll.u32 @!p0 s15, $0x9;
	s7 =	sadd.s32 @!p0 s11, s7;
	s14 =	sshrl.u32 @!p0 s14, $0x3  }
0x39: {  	s15 =	simm.s32 @!p0 $0x0;
	s7 =	sshrl.u32 @!p0 s7, $0x3;
	s14 =	sadd.s32 @!p0 s1, s14  }
0x3a: {  	[tilespmem:s21], [sflag:$0x3] =	stream.linear.gather @!p0 [hbm4b:s14+s15], $0x200, $0x38;
	[tilespmem:$0x1EF80] =	vst v63  }
0x3b: {  	s7 =	sadd.s32 @!p0 s1, s7;
	s14 =	sor.u32 @!p0 $0x400, s21  }
0x3c: {  	[tilespmem:s14], [sflag:$0x3] =	stream.linear.gather @!p0 [hbm4b:s7+s15], $0x200, $0x38;
	[tilespmem:$0x1EF80] =	vst v63  }
0x3d: {  	_ =	swait.ge [sflag:s25], $0x1000  }
0x3e: {  	p1 =	seq.s32 s13, $0x0;
	s7 =	sshll.u32 s8, $0x9;
	[sflag:s25] =	ssyncset.done $0x0  }
0x3f: {  	s13 =	simm.s32 @!p1 $0x2;
	s8 =	sor.u32 $0x80, s7;
	[sflag:s25] =	ssyncadd.s32 $0xFFFFF000  }
0x40: {  	[tilespmem:s26], [sflag:$0x1] =	stream.indirect.gather [hbm4b:s2+s22], $0x40, s8, s22, $0xb8;
	[tilespmem:$0x1EF80] =	vst v63  }
0x41: {  	_ =	swait.ge @!p1 [sflag:s13], $0x2000  }
0x42: {  	[sflag:s13] =	ssyncset.done @!p1 $0x0  }
0x43: {  	[sflag:s13] =	ssyncadd.s32 @!p1 $0xFFFFE000  }
0x44: {  	_ =	swait.ge @!p1 [sflag:s13], $0x400  }
0x45: {  	[sflag:s13] =	ssyncset.done @!p1 $0x0  }
0x46: {  	s17 =	simm.s32 $0x0;
	[sflag:s13] =	ssyncadd.s32 @!p1 $0xFFFFFC00  }
0x47: {  	v1 =	vld [tilespmem:s17+$0x800];
	_ =	sdelay $0x4  }
0x48: {  	s13 =	simm.s32 $0x4840;
	v2 =	vunpack.i.l.bf16.f32 v1  }
0x49: {  	v1 =	vunpack.i.u.bf16.f32 v1;
	[tilespmem:s13+$0xFFFFFFC0] =	vst v2  }
0x4a: {  	[tilespmem:s13+$0xFFFFFFD0] =	vst v1  }
0x4b: {  	v1 =	vld [tilespmem:s17+$0x810];
	_ =	sdelay $0x4  }
0x4c: {  	v2 =	vunpack.i.l.bf16.f32 v1  }
0x4d: {  	v1 =	vunpack.i.u.bf16.f32 v1;
	[tilespmem:s13+$0xFFFFFFE0] =	vst v2  }
0x4e: {  	[tilespmem:s13+$0xFFFFFFF0] =	vst v1  }
0x4f: {  	v1 =	vld [tilespmem:s17+$0x820];
	_ =	sdelay $0x4  }
0x50: {  	v2 =	vunpack.i.u.bf16.f32 v1  }
0x51: {  	v1 =	vunpack.i.l.bf16.f32 v1;
	[tilespmem:s13+$0x10] =	vst v2  }
0x52: {  	[tilespmem:s13+$0x0] =	vst v1  }
0x53: {  	v1 =	vld [tilespmem:s17+$0x830];
	_ =	sdelay $0x4  }
0x54: {  	v2 =	vunpack.i.l.bf16.f32 v1  }
0x55: {  	v1 =	vunpack.i.u.bf16.f32 v1;
	[tilespmem:s13+$0x20] =	vst v2  }
0x56: {  	s14 =	simm.s32 $0x40;
	[tilespmem:s13+$0x30] =	vst v1  }
0x57: {  	v1 =	vld [tilespmem:s14+$0x800]  }
0x58: {  	s15 =	simm.s32 $0x200  }
.LBB2_5:
0x59: {  	p2 =	sne.s32 s15, $0x3F00;
	_ =	sdelay $0x2  }
0x5a: {  	s13 =	sadd.s32 $0x80, s13;
	v2 =	vunpack.i.l.bf16.f32 v1  }
0x5b: {  	v1 =	vunpack.i.u.bf16.f32 v1;
	[tilespmem:s13+$0xFFFFFFC0] =	vst v2  }
0x5c: {  	[tilespmem:s13+$0xFFFFFFD0] =	vst v1  }
0x5d: {  	v1 =	vld [tilespmem:s14+$0x810];
	_ =	sdelay $0x4  }
0x5e: {  	v2 =	vunpack.i.l.bf16.f32 v1  }
0x5f: {  	v1 =	vunpack.i.u.bf16.f32 v1;
	[tilespmem:s13+$0xFFFFFFE0] =	vst v2  }
0x60: {  	[tilespmem:s13+$0xFFFFFFF0] =	vst v1  }
0x61: {  	v1 =	vld [tilespmem:s14+$0x820];
	_ =	sdelay $0x4  }
0x62: {  	v2 =	vunpack.i.u.bf16.f32 v1;
	v1 =	vunpack.i.l.bf16.f32 v1  }
0x63: {  	[tilespmem:s13+$0x10] =	vst v2  }
0x64: {  	[tilespmem:s13+$0x0] =	vst v1  }
0x65: {  	v1 =	vld [tilespmem:s14+$0x830];
	_ =	sdelay $0x4  }
.Ltmp1:
0x66: {  	v2 =	vunpack.i.u.bf16.f32 v1;
	v1 =	vunpack.i.l.bf16.f32 v1;
	(pc) =	sbr.rel @p2 .LBB2_5-.Ltmp1, $4  }
0x67: {  	[tilespmem:s13+$0x20] =	vst v1  }
0x68: {  	s14 =	sshra.s32 s15, $0x2;
	[tilespmem:s13+$0x30] =	vst v2  }
0x69: {  	v1 =	vld [tilespmem:s14+$0x800]  }
0x6a: {  	s15 =	sadd.s32 $0x100, s15  }
0x6b: {  	_ =	sdelay $0x2  }
0x6c: {  	s13 =	sadd.s32 $0x80, s13;
	v2 =	vunpack.i.l.bf16.f32 v1  }
0x6d: {  	v1 =	vunpack.i.u.bf16.f32 v1;
	[tilespmem:s13+$0xFFFFFFC0] =	vst v2  }
0x6e: {  	[tilespmem:s13+$0xFFFFFFD0] =	vst v1  }
0x6f: {  	v1 =	vld [tilespmem:s14+$0x810];
	_ =	sdelay $0x4  }
0x70: {  	v2 =	vunpack.i.l.bf16.f32 v1  }
0x71: {  	v1 =	vunpack.i.u.bf16.f32 v1;
	[tilespmem:s13+$0xFFFFFFE0] =	vst v2  }
0x72: {  	[tilespmem:s13+$0xFFFFFFF0] =	vst v1  }
0x73: {  	v1 =	vld [tilespmem:s14+$0x820];
	_ =	sdelay $0x4  }
0x74: {  	v2 =	vunpack.i.u.bf16.f32 v1  }
0x75: {  	v1 =	vunpack.i.l.bf16.f32 v1;
	[tilespmem:s13+$0x10] =	vst v2  }
0x76: {  	[tilespmem:s13+$0x0] =	vst v1  }
0x77: {  	v1 =	vld [tilespmem:s14+$0x830];
	_ =	sdelay $0x4  }
0x78: {  	v2 =	vunpack.i.l.bf16.f32 v1  }
0x79: {  	v1 =	vunpack.i.u.bf16.f32 v1;
	[tilespmem:s13+$0x20] =	vst v2  }
0x7a: {  	s17 =	sor.u32 $0x400, s7;
	[tilespmem:s13+$0x30] =	vst v1  }
0x7b: {  	[spmem:s4] =	stream.indirect.scatter.add.f32 [tilespmem:s28], [sflag:$0x2], $0x80, s17, s22, $0xb8;
	[tilespmem:$0x1EF80] =	vst v63  }
0x7c: {  	_ = 	snop  }
0x7d: {  	[spmem:s5] =	stream.indirect.scatter.add.f32 [tilespmem:s29], [sflag:$0x2], $0x10, s17, s22, $0xb8;
	[tilespmem:$0x1EF80] =	vst v63  }
0x7e: {  	_ =	swait.ge [sflag:s25], $0x1000  }
0x7f: {  	[sflag:s25] =	ssyncset.done $0x0  }
0x80: {  	s14 =	simm.s32 @!p1 $0x2;
	s13 =	sor.u32 $0xC0, s7;
	[sflag:s25] =	ssyncadd.s32 $0xFFFFF000  }
0x81: {  	[tilespmem:s30], [sflag:$0x1] =	stream.indirect.gather [hbm4b:s2+s22], $0x40, s13, s22, $0xb8;
	[tilespmem:$0x1EF80] =	vst v63  }
0x82: {  	_ =	swait.ge @!p1 [sflag:s14], $0x2000  }
0x83: {  	[sflag:s14] =	ssyncset.done @!p1 $0x0  }
0x84: {  	[sflag:s14] =	ssyncadd.s32 @!p1 $0xFFFFE000  }
0x85: {  	_ =	swait.ge @!p1 [sflag:s14], $0x400  }
0x86: {  	[sflag:s14] =	ssyncset.done @!p1 $0x0  }
0x87: {  	s15 =	simm.s32 $0x0;
	[sflag:s14] =	ssyncadd.s32 @!p1 $0xFFFFFC00  }
0x88: {  	v1 =	vld [tilespmem:s15+$0x1800];
	_ =	sdelay $0x4  }
0x89: {  	s14 =	simm.s32 $0x6870;
	v2 =	vunpack.i.l.bf16.f32 v1  }
0x8a: {  	v1 =	vunpack.i.u.bf16.f32 v1;
	[tilespmem:s14+$0xFFFFFF90] =	vst v2  }
0x8b: {  	[tilespmem:s14+$0xFFFFFFA0] =	vst v1  }
0x8c: {  	v1 =	vld [tilespmem:s15+$0x1810];
	_ =	sdelay $0x4  }
0x8d: {  	v2 =	vunpack.i.l.bf16.f32 v1  }
0x8e: {  	v1 =	vunpack.i.u.bf16.f32 v1;
	[tilespmem:s14+$0xFFFFFFB0] =	vst v2  }
0x8f: {  	[tilespmem:s14+$0xFFFFFFC0] =	vst v1  }
0x90: {  	v1 =	vld [tilespmem:s15+$0x1820];
	_ =	sdelay $0x4  }
0x91: {  	v2 =	vunpack.i.u.bf16.f32 v1  }
0x92: {  	v1 =	vunpack.i.l.bf16.f32 v1;
	[tilespmem:s14+$0xFFFFFFE0] =	vst v2  }
0x93: {  	[tilespmem:s14+$0xFFFFFFD0] =	vst v1  }
0x94: {  	v1 =	vld [tilespmem:s15+$0x1830];
	_ =	sdelay $0x4  }
0x95: {  	v2 =	vunpack.i.l.bf16.f32 v1  }
0x96: {  	v1 =	vunpack.i.u.bf16.f32 v1;
	[tilespmem:s14+$0xFFFFFFF0] =	vst v2  }
0x97: {  	s15 =	simm.s32 $0x40;
	[tilespmem:s14+$0x0] =	vst v1  }
0x98: {  	v1 =	vld [tilespmem:s15+$0x1800]  }
0x99: {  	s16 =	simm.s32 $0x200  }
.LBB2_7:
0x9a: {  	p1 =	sne.s32 s16, $0x3F00;
	_ =	sdelay $0x2  }
0x9b: {  	s14 =	sadd.s32 $0x80, s14;
	v2 =	vunpack.i.l.bf16.f32 v1  }
0x9c: {  	v1 =	vunpack.i.u.bf16.f32 v1;
	[tilespmem:s14+$0xFFFFFF90] =	vst v2  }
0x9d: {  	[tilespmem:s14+$0xFFFFFFA0] =	vst v1  }
0x9e: {  	v1 =	vld [tilespmem:s15+$0x1810];
	_ =	sdelay $0x4  }
0x9f: {  	v2 =	vunpack.i.l.bf16.f32 v1  }
0xa0: {  	v1 =	vunpack.i.u.bf16.f32 v1;
	[tilespmem:s14+$0xFFFFFFB0] =	vst v2  }
0xa1: {  	[tilespmem:s14+$0xFFFFFFC0] =	vst v1  }
0xa2: {  	v1 =	vld [tilespmem:s15+$0x1820];
	_ =	sdelay $0x4  }
0xa3: {  	v2 =	vunpack.i.u.bf16.f32 v1;
	v1 =	vunpack.i.l.bf16.f32 v1  }
0xa4: {  	[tilespmem:s14+$0xFFFFFFE0] =	vst v2  }
0xa5: {  	[tilespmem:s14+$0xFFFFFFD0] =	vst v1  }
0xa6: {  	v1 =	vld [tilespmem:s15+$0x1830];
	_ =	sdelay $0x4  }
.Ltmp2:
0xa7: {  	v2 =	vunpack.i.u.bf16.f32 v1;
	v1 =	vunpack.i.l.bf16.f32 v1;
	(pc) =	sbr.rel @p1 .LBB2_7-.Ltmp2, $4  }
0xa8: {  	[tilespmem:s14+$0xFFFFFFF0] =	vst v1  }
0xa9: {  	s15 =	sshra.s32 s16, $0x2;
	[tilespmem:s14+$0x0] =	vst v2  }
0xaa: {  	v1 =	vld [tilespmem:s15+$0x1800]  }
0xab: {  	s16 =	sadd.s32 $0x100, s16  }
0xac: {  	_ =	sdelay $0x2  }
0xad: {  	s14 =	sadd.s32 $0x80, s14;
	v2 =	vunpack.i.l.bf16.f32 v1  }
0xae: {  	v1 =	vunpack.i.u.bf16.f32 v1;
	[tilespmem:s14+$0xFFFFFF90] =	vst v2  }
0xaf: {  	[tilespmem:s14+$0xFFFFFFA0] =	vst v1  }
0xb0: {  	v1 =	vld [tilespmem:s15+$0x1810];
	_ =	sdelay $0x4  }
0xb1: {  	v2 =	vunpack.i.l.bf16.f32 v1  }
0xb2: {  	v1 =	vunpack.i.u.bf16.f32 v1;
	[tilespmem:s14+$0xFFFFFFB0] =	vst v2  }
0xb3: {  	[tilespmem:s14+$0xFFFFFFC0] =	vst v1  }
0xb4: {  	v1 =	vld [tilespmem:s15+$0x1820];
	_ =	sdelay $0x4  }
0xb5: {  	v2 =	vunpack.i.u.bf16.f32 v1  }
0xb6: {  	v1 =	vunpack.i.l.bf16.f32 v1;
	[tilespmem:s14+$0xFFFFFFE0] =	vst v2  }
0xb7: {  	[tilespmem:s14+$0xFFFFFFD0] =	vst v1  }
0xb8: {  	v1 =	vld [tilespmem:s15+$0x1830];
	_ =	sdelay $0x4  }
0xb9: {  	v2 =	vunpack.i.l.bf16.f32 v1  }
0xba: {  	v1 =	vunpack.i.u.bf16.f32 v1;
	[tilespmem:s14+$0xFFFFFFF0] =	vst v2  }
0xbb: {  	s17 =	sadd.s32 $0x440, s7;
	[tilespmem:s14+$0x0] =	vst v1  }
0xbc: {  	[spmem:s4] =	stream.indirect.scatter.add.f32 [tilespmem:s31], [sflag:$0x2], $0x80, s17, s22, $0xb8;
	[tilespmem:$0x1EF80] =	vst v63  }
0xbd: {  	_ = 	snop  }
0xbe: {  	[spmem:s5] =	stream.indirect.scatter.add.f32 [tilespmem:s29], [sflag:$0x2], $0x10, s17, s22, $0xb8;
	[tilespmem:$0x1EF80] =	vst v63  }
0xbf: {  	_ =	swait.ge [sflag:s25], $0x1000  }
0xc0: {  	[sflag:s25] =	ssyncset.done $0x0  }
0xc1: {  	s14 =	sor.u32 $0x100, s7;
	[sflag:s25] =	ssyncadd.s32 $0xFFFFF000  }
0xc2: {  	[tilespmem:s23], [sflag:$0x1] =	stream.indirect.gather [hbm4b:s2+s22], $0x40, s14, s22, $0xb8;
	[tilespmem:$0x1EF80] =	vst v63  }
0xc3: {  	_ =	swait.ge [sflag:s3], $0x2000  }
0xc4: {  	[sflag:s3] =	ssyncset.done $0x0  }
0xc5: {  	[sflag:s3] =	ssyncadd.s32 $0xFFFFE000  }
0xc6: {  	_ =	swait.ge [sflag:s3], $0x400  }
0xc7: {  	[sflag:s3] =	ssyncset.done $0x0  }
0xc8: {  	s16 =	simm.s32 $0x0;
	[sflag:s3] =	ssyncadd.s32 $0xFFFFFC00  }
0xc9: {  	v1 =	vld [tilespmem:s16+$0x2800];
	_ =	sdelay $0x4  }
0xca: {  	s15 =	simm.s32 $0x4840;
	v2 =	vunpack.i.l.bf16.f32 v1  }
0xcb: {  	v1 =	vunpack.i.u.bf16.f32 v1;
	[tilespmem:s15+$0xFFFFFFC0] =	vst v2  }
0xcc: {  	[tilespmem:s15+$0xFFFFFFD0] =	vst v1  }
0xcd: {  	v1 =	vld [tilespmem:s16+$0x2810];
	_ =	sdelay $0x4  }
0xce: {  	v2 =	vunpack.i.l.bf16.f32 v1  }
0xcf: {  	v1 =	vunpack.i.u.bf16.f32 v1;
	[tilespmem:s15+$0xFFFFFFE0] =	vst v2  }
0xd0: {  	[tilespmem:s15+$0xFFFFFFF0] =	vst v1  }
0xd1: {  	v1 =	vld [tilespmem:s16+$0x2820];
	_ =	sdelay $0x4  }
0xd2: {  	v2 =	vunpack.i.u.bf16.f32 v1  }
0xd3: {  	v1 =	vunpack.i.l.bf16.f32 v1;
	[tilespmem:s15+$0x10] =	vst v2  }
0xd4: {  	[tilespmem:s15+$0x0] =	vst v1  }
0xd5: {  	v1 =	vld [tilespmem:s16+$0x2830];
	_ =	sdelay $0x4  }
0xd6: {  	v2 =	vunpack.i.l.bf16.f32 v1  }
0xd7: {  	v1 =	vunpack.i.u.bf16.f32 v1;
	[tilespmem:s15+$0x20] =	vst v2  }
0xd8: {  	s16 =	simm.s32 $0x40;
	[tilespmem:s15+$0x30] =	vst v1  }
0xd9: {  	v1 =	vld [tilespmem:s16+$0x2800]  }
0xda: {  	s17 =	simm.s32 $0x200  }
.LBB2_9:
0xdb: {  	p1 =	sne.s32 s17, $0x3F00;
	_ =	sdelay $0x2  }
0xdc: {  	s15 =	sadd.s32 $0x80, s15;
	v2 =	vunpack.i.l.bf16.f32 v1  }
0xdd: {  	v1 =	vunpack.i.u.bf16.f32 v1;
	[tilespmem:s15+$0xFFFFFFC0] =	vst v2  }
0xde: {  	[tilespmem:s15+$0xFFFFFFD0] =	vst v1  }
0xdf: {  	v1 =	vld [tilespmem:s16+$0x2810];
	_ =	sdelay $0x4  }
0xe0: {  	v2 =	vunpack.i.l.bf16.f32 v1  }
0xe1: {  	v1 =	vunpack.i.u.bf16.f32 v1;
	[tilespmem:s15+$0xFFFFFFE0] =	vst v2  }
0xe2: {  	[tilespmem:s15+$0xFFFFFFF0] =	vst v1  }
0xe3: {  	v1 =	vld [tilespmem:s16+$0x2820];
	_ =	sdelay $0x4  }
0xe4: {  	v2 =	vunpack.i.u.bf16.f32 v1;
	v1 =	vunpack.i.l.bf16.f32 v1  }
0xe5: {  	[tilespmem:s15+$0x10] =	vst v2  }
0xe6: {  	[tilespmem:s15+$0x0] =	vst v1  }
0xe7: {  	v1 =	vld [tilespmem:s16+$0x2830];
	_ =	sdelay $0x4  }
.Ltmp3:
0xe8: {  	v2 =	vunpack.i.u.bf16.f32 v1;
	v1 =	vunpack.i.l.bf16.f32 v1;
	(pc) =	sbr.rel @p1 .LBB2_9-.Ltmp3, $4  }
0xe9: {  	[tilespmem:s15+$0x20] =	vst v1  }
0xea: {  	s16 =	sshra.s32 s17, $0x2;
	[tilespmem:s15+$0x30] =	vst v2  }
0xeb: {  	v1 =	vld [tilespmem:s16+$0x2800]  }
0xec: {  	s17 =	sadd.s32 $0x100, s17  }
0xed: {  	_ =	sdelay $0x2  }
0xee: {  	s15 =	sadd.s32 $0x80, s15;
	v2 =	vunpack.i.l.bf16.f32 v1  }
0xef: {  	v1 =	vunpack.i.u.bf16.f32 v1;
	[tilespmem:s15+$0xFFFFFFC0] =	vst v2  }
0xf0: {  	[tilespmem:s15+$0xFFFFFFD0] =	vst v1  }
0xf1: {  	v1 =	vld [tilespmem:s16+$0x2810];
	_ =	sdelay $0x4  }
0xf2: {  	v2 =	vunpack.i.l.bf16.f32 v1  }
0xf3: {  	v1 =	vunpack.i.u.bf16.f32 v1;
	[tilespmem:s15+$0xFFFFFFE0] =	vst v2  }
0xf4: {  	[tilespmem:s15+$0xFFFFFFF0] =	vst v1  }
0xf5: {  	v1 =	vld [tilespmem:s16+$0x2820];
	_ =	sdelay $0x4  }
0xf6: {  	v2 =	vunpack.i.u.bf16.f32 v1  }
0xf7: {  	v1 =	vunpack.i.l.bf16.f32 v1;
	[tilespmem:s15+$0x10] =	vst v2  }
0xf8: {  	[tilespmem:s15+$0x0] =	vst v1  }
0xf9: {  	v1 =	vld [tilespmem:s16+$0x2830];
	_ =	sdelay $0x4  }
0xfa: {  	v2 =	vunpack.i.l.bf16.f32 v1  }
0xfb: {  	v1 =	vunpack.i.u.bf16.f32 v1;
	[tilespmem:s15+$0x20] =	vst v2  }
0xfc: {  	s8 =	sor.u32 $0x400, s8;
	[tilespmem:s15+$0x30] =	vst v1  }
0xfd: {  	[spmem:s4] =	stream.indirect.scatter.add.f32 [tilespmem:s28], [sflag:$0x2], $0x80, s8, s22, $0xb8;
	[tilespmem:$0x1EF80] =	vst v63  }
0xfe: {  	_ = 	snop  }
0xff: {  	[spmem:s5] =	stream.indirect.scatter.add.f32 [tilespmem:s29], [sflag:$0x2], $0x10, s8, s22, $0xb8;
	[tilespmem:$0x1EF80] =	vst v63  }
0x100: {  	_ =	swait.ge [sflag:s25], $0x1000  }
0x101: {  	[sflag:s25] =	ssyncset.done $0x0  }
0x102: {  	s15 =	sor.u32 $0x140, s7;
	[sflag:s25] =	ssyncadd.s32 $0xFFFFF000  }
0x103: {  	[tilespmem:s24], [sflag:$0x1] =	stream.indirect.gather [hbm4b:s2+s22], $0x40, s15, s22, $0xb8;
	[tilespmem:$0x1EF80] =	vst v63  }
0x104: {  	_ =	swait.ge [sflag:s3], $0x2000  }
0x105: {  	[sflag:s3] =	ssyncset.done $0x0  }
0x106: {  	[sflag:s3] =	ssyncadd.s32 $0xFFFFE000  }
0x107: {  	_ =	swait.ge [sflag:s3], $0x400  }
0x108: {  	[sflag:s3] =	ssyncset.done $0x0  }
0x109: {  	s17 =	simm.s32 $0x0;
	[sflag:s3] =	ssyncadd.s32 $0xFFFFFC00  }
0x10a: {  	v1 =	vld [tilespmem:s17+$0x3800];
	_ =	sdelay $0x4  }
0x10b: {  	s8 =	simm.s32 $0x6870;
	v2 =	vunpack.i.l.bf16.f32 v1  }
0x10c: {  	v1 =	vunpack.i.u.bf16.f32 v1;
	[tilespmem:s8+$0xFFFFFF90] =	vst v2  }
0x10d: {  	[tilespmem:s8+$0xFFFFFFA0] =	vst v1  }
0x10e: {  	v1 =	vld [tilespmem:s17+$0x3810];
	_ =	sdelay $0x4  }
0x10f: {  	v2 =	vunpack.i.l.bf16.f32 v1  }
0x110: {  	v1 =	vunpack.i.u.bf16.f32 v1;
	[tilespmem:s8+$0xFFFFFFB0] =	vst v2  }
0x111: {  	[tilespmem:s8+$0xFFFFFFC0] =	vst v1  }
0x112: {  	v1 =	vld [tilespmem:s17+$0x3820];
	_ =	sdelay $0x4  }
0x113: {  	v2 =	vunpack.i.u.bf16.f32 v1  }
0x114: {  	v1 =	vunpack.i.l.bf16.f32 v1;
	[tilespmem:s8+$0xFFFFFFE0] =	vst v2  }
0x115: {  	[tilespmem:s8+$0xFFFFFFD0] =	vst v1  }
0x116: {  	v1 =	vld [tilespmem:s17+$0x3830];
	_ =	sdelay $0x4  }
0x117: {  	v2 =	vunpack.i.l.bf16.f32 v1  }
0x118: {  	v1 =	vunpack.i.u.bf16.f32 v1;
	[tilespmem:s8+$0xFFFFFFF0] =	vst v2  }
0x119: {  	s16 =	simm.s32 $0x40;
	[tilespmem:s8+$0x0] =	vst v1  }
0x11a: {  	v1 =	vld [tilespmem:s16+$0x3800]  }
0x11b: {  	s17 =	simm.s32 $0x200  }
.LBB2_11:
0x11c: {  	p1 =	sne.s32 s17, $0x3F00;
	_ =	sdelay $0x2  }
0x11d: {  	s8 =	sadd.s32 $0x80, s8;
	v2 =	vunpack.i.l.bf16.f32 v1  }
0x11e: {  	v1 =	vunpack.i.u.bf16.f32 v1;
	[tilespmem:s8+$0xFFFFFF90] =	vst v2  }
0x11f: {  	[tilespmem:s8+$0xFFFFFFA0] =	vst v1  }
0x120: {  	v1 =	vld [tilespmem:s16+$0x3810];
	_ =	sdelay $0x4  }
0x121: {  	v2 =	vunpack.i.l.bf16.f32 v1  }
0x122: {  	v1 =	vunpack.i.u.bf16.f32 v1;
	[tilespmem:s8+$0xFFFFFFB0] =	vst v2  }
0x123: {  	[tilespmem:s8+$0xFFFFFFC0] =	vst v1  }
0x124: {  	v1 =	vld [tilespmem:s16+$0x3820];
	_ =	sdelay $0x4  }
0x125: {  	v2 =	vunpack.i.u.bf16.f32 v1;
	v1 =	vunpack.i.l.bf16.f32 v1  }
0x126: {  	[tilespmem:s8+$0xFFFFFFE0] =	vst v2  }
0x127: {  	[tilespmem:s8+$0xFFFFFFD0] =	vst v1  }
0x128: {  	v1 =	vld [tilespmem:s16+$0x3830];
	_ =	sdelay $0x4  }
.Ltmp4:
0x129: {  	v2 =	vunpack.i.u.bf16.f32 v1;
	v1 =	vunpack.i.l.bf16.f32 v1;
	(pc) =	sbr.rel @p1 .LBB2_11-.Ltmp4, $4  }
0x12a: {  	[tilespmem:s8+$0xFFFFFFF0] =	vst v1  }
0x12b: {  	s16 =	sshra.s32 s17, $0x2;
	[tilespmem:s8+$0x0] =	vst v2  }
0x12c: {  	v1 =	vld [tilespmem:s16+$0x3800]  }
0x12d: {  	s17 =	sadd.s32 $0x100, s17  }
0x12e: {  	_ =	sdelay $0x2  }
0x12f: {  	s8 =	sadd.s32 $0x80, s8;
	v2 =	vunpack.i.l.bf16.f32 v1  }
0x130: {  	v1 =	vunpack.i.u.bf16.f32 v1;
	[tilespmem:s8+$0xFFFFFF90] =	vst v2  }
0x131: {  	[tilespmem:s8+$0xFFFFFFA0] =	vst v1  }
0x132: {  	v1 =	vld [tilespmem:s16+$0x3810];
	_ =	sdelay $0x4  }
0x133: {  	v2 =	vunpack.i.l.bf16.f32 v1  }
0x134: {  	v1 =	vunpack.i.u.bf16.f32 v1;
	[tilespmem:s8+$0xFFFFFFB0] =	vst v2  }
0x135: {  	[tilespmem:s8+$0xFFFFFFC0] =	vst v1  }
0x136: {  	v1 =	vld [tilespmem:s16+$0x3820];
	_ =	sdelay $0x4  }
0x137: {  	v2 =	vunpack.i.u.bf16.f32 v1  }
0x138: {  	v1 =	vunpack.i.l.bf16.f32 v1;
	[tilespmem:s8+$0xFFFFFFE0] =	vst v2  }
0x139: {  	[tilespmem:s8+$0xFFFFFFD0] =	vst v1  }
0x13a: {  	v1 =	vld [tilespmem:s16+$0x3830];
	_ =	sdelay $0x4  }
0x13b: {  	v2 =	vunpack.i.l.bf16.f32 v1  }
0x13c: {  	v1 =	vunpack.i.u.bf16.f32 v1;
	[tilespmem:s8+$0xFFFFFFF0] =	vst v2  }
0x13d: {  	s16 =	sor.u32 $0x400, s13;
	[tilespmem:s8+$0x0] =	vst v1  }
0x13e: {  	[spmem:s4] =	stream.indirect.scatter.add.f32 [tilespmem:s31], [sflag:$0x2], $0x80, s16, s22, $0xb8;
	[tilespmem:$0x1EF80] =	vst v63  }
0x13f: {  	_ = 	snop  }
0x140: {  	[spmem:s5] =	stream.indirect.scatter.add.f32 [tilespmem:s29], [sflag:$0x2], $0x10, s16, s22, $0xb8;
	[tilespmem:$0x1EF80] =	vst v63  }
0x141: {  	_ =	swait.ge [sflag:s25], $0x1000  }
0x142: {  	[sflag:s25] =	ssyncset.done $0x0  }
0x143: {  	s8 =	sor.u32 $0x180, s7;
	[sflag:s25] =	ssyncadd.s32 $0xFFFFF000  }
0x144: {  	[tilespmem:s26], [sflag:$0x1] =	stream.indirect.gather [hbm4b:s2+s22], $0x40, s8, s22, $0xb8;
	[tilespmem:$0x1EF80] =	vst v63  }
0x145: {  	_ =	swait.ge [sflag:s3], $0x2000  }
0x146: {  	[sflag:s3] =	ssyncset.done $0x0  }
0x147: {  	[sflag:s3] =	ssyncadd.s32 $0xFFFFE000  }
0x148: {  	_ =	swait.ge [sflag:s3], $0x400  }
0x149: {  	[sflag:s3] =	ssyncset.done $0x0  }
0x14a: {  	s17 =	simm.s32 $0x0;
	[sflag:s3] =	ssyncadd.s32 $0xFFFFFC00  }
0x14b: {  	v1 =	vld [tilespmem:s17+$0x800];
	_ =	sdelay $0x4  }
0x14c: {  	s13 =	simm.s32 $0x4840;
	v2 =	vunpack.i.l.bf16.f32 v1  }
0x14d: {  	v1 =	vunpack.i.u.bf16.f32 v1;
	[tilespmem:s13+$0xFFFFFFC0] =	vst v2  }
0x14e: {  	[tilespmem:s13+$0xFFFFFFD0] =	vst v1  }
0x14f: {  	v1 =	vld [tilespmem:s17+$0x810];
	_ =	sdelay $0x4  }
0x150: {  	v2 =	vunpack.i.l.bf16.f32 v1  }
0x151: {  	v1 =	vunpack.i.u.bf16.f32 v1;
	[tilespmem:s13+$0xFFFFFFE0] =	vst v2  }
0x152: {  	[tilespmem:s13+$0xFFFFFFF0] =	vst v1  }
0x153: {  	v1 =	vld [tilespmem:s17+$0x820];
	_ =	sdelay $0x4  }
0x154: {  	v2 =	vunpack.i.u.bf16.f32 v1  }
0x155: {  	v1 =	vunpack.i.l.bf16.f32 v1;
	[tilespmem:s13+$0x10] =	vst v2  }
0x156: {  	[tilespmem:s13+$0x0] =	vst v1  }
0x157: {  	v1 =	vld [tilespmem:s17+$0x830];
	_ =	sdelay $0x4  }
0x158: {  	v2 =	vunpack.i.l.bf16.f32 v1  }
0x159: {  	v1 =	vunpack.i.u.bf16.f32 v1;
	[tilespmem:s13+$0x20] =	vst v2  }
0x15a: {  	s16 =	simm.s32 $0x40;
	[tilespmem:s13+$0x30] =	vst v1  }
0x15b: {  	v1 =	vld [tilespmem:s16+$0x800]  }
0x15c: {  	s17 =	simm.s32 $0x200  }
.LBB2_13:
0x15d: {  	p1 =	sne.s32 s17, $0x3F00;
	_ =	sdelay $0x2  }
0x15e: {  	s13 =	sadd.s32 $0x80, s13;
	v2 =	vunpack.i.l.bf16.f32 v1  }
0x15f: {  	v1 =	vunpack.i.u.bf16.f32 v1;
	[tilespmem:s13+$0xFFFFFFC0] =	vst v2  }
0x160: {  	[tilespmem:s13+$0xFFFFFFD0] =	vst v1  }
0x161: {  	v1 =	vld [tilespmem:s16+$0x810];
	_ =	sdelay $0x4  }
0x162: {  	v2 =	vunpack.i.l.bf16.f32 v1  }
0x163: {  	v1 =	vunpack.i.u.bf16.f32 v1;
	[tilespmem:s13+$0xFFFFFFE0] =	vst v2  }
0x164: {  	[tilespmem:s13+$0xFFFFFFF0] =	vst v1  }
0x165: {  	v1 =	vld [tilespmem:s16+$0x820];
	_ =	sdelay $0x4  }
0x166: {  	v2 =	vunpack.i.u.bf16.f32 v1;
	v1 =	vunpack.i.l.bf16.f32 v1  }
0x167: {  	[tilespmem:s13+$0x10] =	vst v2  }
0x168: {  	[tilespmem:s13+$0x0] =	vst v1  }
0x169: {  	v1 =	vld [tilespmem:s16+$0x830];
	_ =	sdelay $0x4  }
.Ltmp5:
0x16a: {  	v2 =	vunpack.i.u.bf16.f32 v1;
	v1 =	vunpack.i.l.bf16.f32 v1;
	(pc) =	sbr.rel @p1 .LBB2_13-.Ltmp5, $4  }
0x16b: {  	[tilespmem:s13+$0x20] =	vst v1  }
0x16c: {  	s16 =	sshra.s32 s17, $0x2;
	[tilespmem:s13+$0x30] =	vst v2  }
0x16d: {  	v1 =	vld [tilespmem:s16+$0x800]  }
0x16e: {  	s17 =	sadd.s32 $0x100, s17  }
0x16f: {  	_ =	sdelay $0x2  }
0x170: {  	s13 =	sadd.s32 $0x80, s13;
	v2 =	vunpack.i.l.bf16.f32 v1  }
0x171: {  	v1 =	vunpack.i.u.bf16.f32 v1;
	[tilespmem:s13+$0xFFFFFFC0] =	vst v2  }
0x172: {  	[tilespmem:s13+$0xFFFFFFD0] =	vst v1  }
0x173: {  	v1 =	vld [tilespmem:s16+$0x810];
	_ =	sdelay $0x4  }
0x174: {  	v2 =	vunpack.i.l.bf16.f32 v1  }
0x175: {  	v1 =	vunpack.i.u.bf16.f32 v1;
	[tilespmem:s13+$0xFFFFFFE0] =	vst v2  }
0x176: {  	[tilespmem:s13+$0xFFFFFFF0] =	vst v1  }
0x177: {  	v1 =	vld [tilespmem:s16+$0x820];
	_ =	sdelay $0x4  }
0x178: {  	v2 =	vunpack.i.u.bf16.f32 v1  }
0x179: {  	v1 =	vunpack.i.l.bf16.f32 v1;
	[tilespmem:s13+$0x10] =	vst v2  }
0x17a: {  	[tilespmem:s13+$0x0] =	vst v1  }
0x17b: {  	v1 =	vld [tilespmem:s16+$0x830];
	_ =	sdelay $0x4  }
0x17c: {  	v2 =	vunpack.i.l.bf16.f32 v1  }
0x17d: {  	v1 =	vunpack.i.u.bf16.f32 v1;
	[tilespmem:s13+$0x20] =	vst v2  }
0x17e: {  	s16 =	sor.u32 $0x400, s14;
	[tilespmem:s13+$0x30] =	vst v1  }
0x17f: {  	[spmem:s4] =	stream.indirect.scatter.add.f32 [tilespmem:s28], [sflag:$0x2], $0x80, s16, s22, $0xb8;
	[tilespmem:$0x1EF80] =	vst v63  }
0x180: {  	_ = 	snop  }
0x181: {  	[spmem:s5] =	stream.indirect.scatter.add.f32 [tilespmem:s29], [sflag:$0x2], $0x10, s16, s22, $0xb8;
	[tilespmem:$0x1EF80] =	vst v63  }
0x182: {  	_ =	swait.ge [sflag:s25], $0x1000  }
0x183: {  	[sflag:s25] =	ssyncset.done $0x0  }
0x184: {  	s7 =	sor.u32 $0x1C0, s7;
	[sflag:s25] =	ssyncadd.s32 $0xFFFFF000  }
0x185: {  	[tilespmem:s30], [sflag:$0x1] =	stream.indirect.gather [hbm4b:s2+s22], $0x40, s7, s22, $0xb8;
	[tilespmem:$0x1EF80] =	vst v63  }
0x186: {  	_ =	swait.ge [sflag:s3], $0x2000  }
0x187: {  	[sflag:s3] =	ssyncset.done $0x0  }
0x188: {  	[sflag:s3] =	ssyncadd.s32 $0xFFFFE000  }
0x189: {  	_ =	swait.ge [sflag:s3], $0x400  }
0x18a: {  	[sflag:s3] =	ssyncset.done $0x0  }
0x18b: {  	s17 =	simm.s32 $0x0;
	[sflag:s3] =	ssyncadd.s32 $0xFFFFFC00  }
0x18c: {  	v1 =	vld [tilespmem:s17+$0x1800];
	_ =	sdelay $0x4  }
0x18d: {  	s13 =	simm.s32 $0x6870;
	v2 =	vunpack.i.l.bf16.f32 v1  }
0x18e: {  	v1 =	vunpack.i.u.bf16.f32 v1;
	[tilespmem:s13+$0xFFFFFF90] =	vst v2  }
0x18f: {  	[tilespmem:s13+$0xFFFFFFA0] =	vst v1  }
0x190: {  	v1 =	vld [tilespmem:s17+$0x1810];
	_ =	sdelay $0x4  }
0x191: {  	v2 =	vunpack.i.l.bf16.f32 v1  }
0x192: {  	v1 =	vunpack.i.u.bf16.f32 v1;
	[tilespmem:s13+$0xFFFFFFB0] =	vst v2  }
0x193: {  	[tilespmem:s13+$0xFFFFFFC0] =	vst v1  }
0x194: {  	v1 =	vld [tilespmem:s17+$0x1820];
	_ =	sdelay $0x4  }
0x195: {  	v2 =	vunpack.i.u.bf16.f32 v1  }
0x196: {  	v1 =	vunpack.i.l.bf16.f32 v1;
	[tilespmem:s13+$0xFFFFFFE0] =	vst v2  }
0x197: {  	[tilespmem:s13+$0xFFFFFFD0] =	vst v1  }
0x198: {  	v1 =	vld [tilespmem:s17+$0x1830];
	_ =	sdelay $0x4  }
0x199: {  	v2 =	vunpack.i.l.bf16.f32 v1  }
0x19a: {  	v1 =	vunpack.i.u.bf16.f32 v1;
	[tilespmem:s13+$0xFFFFFFF0] =	vst v2  }
0x19b: {  	s14 =	simm.s32 $0x40;
	[tilespmem:s13+$0x0] =	vst v1  }
0x19c: {  	v1 =	vld [tilespmem:s14+$0x1800]  }
0x19d: {  	s16 =	simm.s32 $0x200  }
.LBB2_15:
0x19e: {  	p1 =	sne.s32 s16, $0x3F00;
	_ =	sdelay $0x2  }
0x19f: {  	s13 =	sadd.s32 $0x80, s13;
	v2 =	vunpack.i.l.bf16.f32 v1  }
0x1a0: {  	v1 =	vunpack.i.u.bf16.f32 v1;
	[tilespmem:s13+$0xFFFFFF90] =	vst v2  }
0x1a1: {  	[tilespmem:s13+$0xFFFFFFA0] =	vst v1  }
0x1a2: {  	v1 =	vld [tilespmem:s14+$0x1810];
	_ =	sdelay $0x4  }
0x1a3: {  	v2 =	vunpack.i.l.bf16.f32 v1  }
0x1a4: {  	v1 =	vunpack.i.u.bf16.f32 v1;
	[tilespmem:s13+$0xFFFFFFB0] =	vst v2  }
0x1a5: {  	[tilespmem:s13+$0xFFFFFFC0] =	vst v1  }
0x1a6: {  	v1 =	vld [tilespmem:s14+$0x1820];
	_ =	sdelay $0x4  }
0x1a7: {  	v2 =	vunpack.i.u.bf16.f32 v1;
	v1 =	vunpack.i.l.bf16.f32 v1  }
0x1a8: {  	[tilespmem:s13+$0xFFFFFFE0] =	vst v2  }
0x1a9: {  	[tilespmem:s13+$0xFFFFFFD0] =	vst v1  }
0x1aa: {  	v1 =	vld [tilespmem:s14+$0x1830];
	_ =	sdelay $0x4  }
.Ltmp6:
0x1ab: {  	v2 =	vunpack.i.u.bf16.f32 v1;
	v1 =	vunpack.i.l.bf16.f32 v1;
	(pc) =	sbr.rel @p1 .LBB2_15-.Ltmp6, $4  }
0x1ac: {  	[tilespmem:s13+$0xFFFFFFF0] =	vst v1  }
0x1ad: {  	s14 =	sshra.s32 s16, $0x2;
	[tilespmem:s13+$0x0] =	vst v2  }
0x1ae: {  	v1 =	vld [tilespmem:s14+$0x1800]  }
0x1af: {  	s16 =	sadd.s32 $0x100, s16  }
0x1b0: {  	_ =	sdelay $0x2  }
0x1b1: {  	s13 =	sadd.s32 $0x80, s13;
	v2 =	vunpack.i.l.bf16.f32 v1  }
0x1b2: {  	v1 =	vunpack.i.u.bf16.f32 v1;
	[tilespmem:s13+$0xFFFFFF90] =	vst v2  }
0x1b3: {  	[tilespmem:s13+$0xFFFFFFA0] =	vst v1  }
0x1b4: {  	v1 =	vld [tilespmem:s14+$0x1810];
	_ =	sdelay $0x4  }
0x1b5: {  	v2 =	vunpack.i.l.bf16.f32 v1  }
0x1b6: {  	v1 =	vunpack.i.u.bf16.f32 v1;
	[tilespmem:s13+$0xFFFFFFB0] =	vst v2  }
0x1b7: {  	[tilespmem:s13+$0xFFFFFFC0] =	vst v1  }
0x1b8: {  	v1 =	vld [tilespmem:s14+$0x1820];
	_ =	sdelay $0x4  }
0x1b9: {  	v2 =	vunpack.i.u.bf16.f32 v1  }
0x1ba: {  	v1 =	vunpack.i.l.bf16.f32 v1;
	[tilespmem:s13+$0xFFFFFFE0] =	vst v2  }
0x1bb: {  	[tilespmem:s13+$0xFFFFFFD0] =	vst v1  }
0x1bc: {  	v1 =	vld [tilespmem:s14+$0x1830];
	_ =	sdelay $0x4  }
0x1bd: {  	v2 =	vunpack.i.l.bf16.f32 v1  }
0x1be: {  	v1 =	vunpack.i.u.bf16.f32 v1;
	[tilespmem:s13+$0xFFFFFFF0] =	vst v2  }
0x1bf: {  	s16 =	sor.u32 $0x400, s15;
	[tilespmem:s13+$0x0] =	vst v1  }
0x1c0: {  	[spmem:s4] =	stream.indirect.scatter.add.f32 [tilespmem:s31], [sflag:$0x2], $0x80, s16, s22, $0xb8;
	[tilespmem:$0x1EF80] =	vst v63  }
0x1c1: {  	_ = 	snop  }
0x1c2: {  	[spmem:s5] =	stream.indirect.scatter.add.f32 [tilespmem:s29], [sflag:$0x2], $0x10, s16, s22, $0xb8;
	[tilespmem:$0x1EF80] =	vst v63  }
0x1c3: {  	_ =	swait.ge [sflag:s25], $0x1000  }
0x1c4: {  	[sflag:s25] =	ssyncset.done $0x0  }
0x1c5: {  	s13 =	simm.s32 @!p0 $0x3;
	[sflag:s25] =	ssyncadd.s32 $0xFFFFF000  }
0x1c6: {  	_ =	swait.ge @!p0 [sflag:s13], $0x200  }
0x1c7: {  	[sflag:s13] =	ssyncset.done @!p0 $0x0  }
0x1c8: {  	[sflag:s13] =	ssyncadd.s32 @!p0 $0xFFFFFE00  }
0x1c9: {  	_ =	swait.ge @!p0 [sflag:s13], $0x200  }
0x1ca: {  	[sflag:s13] =	ssyncset.done @!p0 $0x0  }
0x1cb: {  	s14 =	simm.s32 @!p0 $0x800;
	[sflag:s13] =	ssyncadd.s32 @!p0 $0xFFFFFE00;
	s13 =	simm.s32 @!p0 $0x40  }
0x1cc: {  	[tilespmem:s14], [sflag:$0x1] =	stream.indirect.gather @!p0 [hbm4b:s2+s13], $0x40, s21, s13, $0xb8;
	[tilespmem:$0x1EF80] =	vst v63  }
0x1cd: {  	_ =	swait.ge [sflag:s3], $0x2000  }
0x1ce: {  	[sflag:s3] =	ssyncset.done $0x0  }
0x1cf: {  	[sflag:s3] =	ssyncadd.s32 $0xFFFFE000  }
0x1d0: {  	_ =	swait.ge [sflag:s3], $0x400  }
0x1d1: {  	[sflag:s3] =	ssyncset.done $0x0  }
0x1d2: {  	s17 =	simm.s32 $0x0;
	[sflag:s3] =	ssyncadd.s32 $0xFFFFFC00  }
0x1d3: {  	v1 =	vld [tilespmem:s17+$0x2800];
	_ =	sdelay $0x4  }
0x1d4: {  	s13 =	simm.s32 $0x4840;
	v2 =	vunpack.i.l.bf16.f32 v1  }
0x1d5: {  	v1 =	vunpack.i.u.bf16.f32 v1;
	[tilespmem:s13+$0xFFFFFFC0] =	vst v2  }
0x1d6: {  	[tilespmem:s13+$0xFFFFFFD0] =	vst v1  }
0x1d7: {  	v1 =	vld [tilespmem:s17+$0x2810];
	_ =	sdelay $0x4  }
0x1d8: {  	v2 =	vunpack.i.l.bf16.f32 v1  }
0x1d9: {  	v1 =	vunpack.i.u.bf16.f32 v1;
	[tilespmem:s13+$0xFFFFFFE0] =	vst v2  }
0x1da: {  	[tilespmem:s13+$0xFFFFFFF0] =	vst v1  }
0x1db: {  	v1 =	vld [tilespmem:s17+$0x2820];
	_ =	sdelay $0x4  }
0x1dc: {  	v2 =	vunpack.i.u.bf16.f32 v1  }
0x1dd: {  	v1 =	vunpack.i.l.bf16.f32 v1;
	[tilespmem:s13+$0x10] =	vst v2  }
0x1de: {  	[tilespmem:s13+$0x0] =	vst v1  }
0x1df: {  	v1 =	vld [tilespmem:s17+$0x2830];
	_ =	sdelay $0x4  }
0x1e0: {  	v2 =	vunpack.i.l.bf16.f32 v1  }
0x1e1: {  	v1 =	vunpack.i.u.bf16.f32 v1;
	[tilespmem:s13+$0x20] =	vst v2  }
0x1e2: {  	s14 =	simm.s32 $0x40;
	[tilespmem:s13+$0x30] =	vst v1  }
0x1e3: {  	v1 =	vld [tilespmem:s14+$0x2800]  }
0x1e4: {  	s15 =	simm.s32 $0x200  }
.LBB2_17:
0x1e5: {  	p1 =	sne.s32 s15, $0x3F00;
	_ =	sdelay $0x2  }
0x1e6: {  	s13 =	sadd.s32 $0x80, s13;
	v2 =	vunpack.i.l.bf16.f32 v1  }
0x1e7: {  	v1 =	vunpack.i.u.bf16.f32 v1;
	[tilespmem:s13+$0xFFFFFFC0] =	vst v2  }
0x1e8: {  	[tilespmem:s13+$0xFFFFFFD0] =	vst v1  }
0x1e9: {  	v1 =	vld [tilespmem:s14+$0x2810];
	_ =	sdelay $0x4  }
0x1ea: {  	v2 =	vunpack.i.l.bf16.f32 v1  }
0x1eb: {  	v1 =	vunpack.i.u.bf16.f32 v1;
	[tilespmem:s13+$0xFFFFFFE0] =	vst v2  }
0x1ec: {  	[tilespmem:s13+$0xFFFFFFF0] =	vst v1  }
0x1ed: {  	v1 =	vld [tilespmem:s14+$0x2820];
	_ =	sdelay $0x4  }
0x1ee: {  	v2 =	vunpack.i.u.bf16.f32 v1;
	v1 =	vunpack.i.l.bf16.f32 v1  }
0x1ef: {  	[tilespmem:s13+$0x10] =	vst v2  }
0x1f0: {  	[tilespmem:s13+$0x0] =	vst v1  }
0x1f1: {  	v1 =	vld [tilespmem:s14+$0x2830];
	_ =	sdelay $0x4  }
.Ltmp7:
0x1f2: {  	v2 =	vunpack.i.u.bf16.f32 v1;
	v1 =	vunpack.i.l.bf16.f32 v1;
	(pc) =	sbr.rel @p1 .LBB2_17-.Ltmp7, $4  }
0x1f3: {  	[tilespmem:s13+$0x20] =	vst v1  }
0x1f4: {  	s14 =	sshra.s32 s15, $0x2;
	[tilespmem:s13+$0x30] =	vst v2  }
0x1f5: {  	v1 =	vld [tilespmem:s14+$0x2800]  }
0x1f6: {  	s15 =	sadd.s32 $0x100, s15  }
0x1f7: {  	_ =	sdelay $0x2  }
0x1f8: {  	s13 =	sadd.s32 $0x80, s13;
	v2 =	vunpack.i.l.bf16.f32 v1  }
0x1f9: {  	v1 =	vunpack.i.u.bf16.f32 v1;
	[tilespmem:s13+$0xFFFFFFC0] =	vst v2  }
0x1fa: {  	[tilespmem:s13+$0xFFFFFFD0] =	vst v1  }
0x1fb: {  	v1 =	vld [tilespmem:s14+$0x2810];
	_ =	sdelay $0x4  }
0x1fc: {  	v2 =	vunpack.i.l.bf16.f32 v1  }
0x1fd: {  	v1 =	vunpack.i.u.bf16.f32 v1;
	[tilespmem:s13+$0xFFFFFFE0] =	vst v2  }
0x1fe: {  	[tilespmem:s13+$0xFFFFFFF0] =	vst v1  }
0x1ff: {  	v1 =	vld [tilespmem:s14+$0x2820];
	_ =	sdelay $0x4  }
0x200: {  	v2 =	vunpack.i.u.bf16.f32 v1  }
0x201: {  	v1 =	vunpack.i.l.bf16.f32 v1;
	[tilespmem:s13+$0x10] =	vst v2  }
0x202: {  	[tilespmem:s13+$0x0] =	vst v1  }
0x203: {  	v1 =	vld [tilespmem:s14+$0x2830];
	_ =	sdelay $0x4  }
0x204: {  	v2 =	vunpack.i.l.bf16.f32 v1  }
0x205: {  	v1 =	vunpack.i.u.bf16.f32 v1;
	[tilespmem:s13+$0x20] =	vst v2  }
0x206: {  	s8 =	sor.u32 $0x400, s8;
	[tilespmem:s13+$0x30] =	vst v1  }
0x207: {  	[spmem:s4] =	stream.indirect.scatter.add.f32 [tilespmem:s28], [sflag:$0x2], $0x80, s8, s22, $0xb8;
	[tilespmem:$0x1EF80] =	vst v63  }
0x208: {  	_ = 	snop  }
0x209: {  	[spmem:s5] =	stream.indirect.scatter.add.f32 [tilespmem:s29], [sflag:$0x2], $0x10, s8, s22, $0xb8;
	[tilespmem:$0x1EF80] =	vst v63  }
0x20a: {  	_ =	swait.ge [sflag:s25], $0x1000  }
0x20b: {  	s14 =	simm.s32 @!p0 $0x1800;
	[sflag:s25] =	ssyncset.done $0x0  }
0x20c: {  	s13 =	simm.s32 @!p0 $0x40;
	s8 =	sor.u32 @!p0 $0x40, s21;
	[sflag:s25] =	ssyncadd.s32 $0xFFFFF000  }
0x20d: {  	[tilespmem:s14], [sflag:$0x1] =	stream.indirect.gather @!p0 [hbm4b:s2+s13], $0x40, s8, s13, $0xb8;
	[tilespmem:$0x1EF80] =	vst v63  }
0x20e: {  	_ =	swait.ge [sflag:s3], $0x2000  }
0x20f: {  	[sflag:s3] =	ssyncset.done $0x0  }
0x210: {  	[sflag:s3] =	ssyncadd.s32 $0xFFFFE000  }
0x211: {  	_ =	swait.ge [sflag:s3], $0x400  }
0x212: {  	[sflag:s3] =	ssyncset.done $0x0  }
0x213: {  	s21 =	simm.s32 $0x0;
	[sflag:s3] =	ssyncadd.s32 $0xFFFFFC00  }
0x214: {  	v1 =	vld [tilespmem:s21+$0x3800];
	_ =	sdelay $0x4  }
0x215: {  	s8 =	simm.s32 $0x6870;
	v2 =	vunpack.i.l.bf16.f32 v1  }
0x216: {  	v1 =	vunpack.i.u.bf16.f32 v1;
	[tilespmem:s8+$0xFFFFFF90] =	vst v2  }
0x217: {  	[tilespmem:s8+$0xFFFFFFA0] =	vst v1  }
0x218: {  	v1 =	vld [tilespmem:s21+$0x3810];
	_ =	sdelay $0x4  }
0x219: {  	v2 =	vunpack.i.l.bf16.f32 v1  }
0x21a: {  	v1 =	vunpack.i.u.bf16.f32 v1;
	[tilespmem:s8+$0xFFFFFFB0] =	vst v2  }
0x21b: {  	[tilespmem:s8+$0xFFFFFFC0] =	vst v1  }
0x21c: {  	v1 =	vld [tilespmem:s21+$0x3820];
	_ =	sdelay $0x4  }
0x21d: {  	v2 =	vunpack.i.u.bf16.f32 v1  }
0x21e: {  	v1 =	vunpack.i.l.bf16.f32 v1;
	[tilespmem:s8+$0xFFFFFFE0] =	vst v2  }
0x21f: {  	[tilespmem:s8+$0xFFFFFFD0] =	vst v1  }
0x220: {  	v1 =	vld [tilespmem:s21+$0x3830];
	_ =	sdelay $0x4  }
0x221: {  	v2 =	vunpack.i.l.bf16.f32 v1  }
0x222: {  	v1 =	vunpack.i.u.bf16.f32 v1;
	[tilespmem:s8+$0xFFFFFFF0] =	vst v2  }
0x223: {  	s13 =	simm.s32 $0x40;
	[tilespmem:s8+$0x0] =	vst v1  }
0x224: {  	v1 =	vld [tilespmem:s13+$0x3800]  }
0x225: {  	s14 =	simm.s32 $0x200  }
.LBB2_19:
0x226: {  	p0 =	sne.s32 s14, $0x3F00;
	_ =	sdelay $0x2  }
0x227: {  	s8 =	sadd.s32 $0x80, s8;
	v2 =	vunpack.i.l.bf16.f32 v1  }
0x228: {  	v1 =	vunpack.i.u.bf16.f32 v1;
	[tilespmem:s8+$0xFFFFFF90] =	vst v2  }
0x229: {  	[tilespmem:s8+$0xFFFFFFA0] =	vst v1  }
0x22a: {  	v1 =	vld [tilespmem:s13+$0x3810];
	_ =	sdelay $0x4  }
0x22b: {  	v2 =	vunpack.i.l.bf16.f32 v1  }
0x22c: {  	v1 =	vunpack.i.u.bf16.f32 v1;
	[tilespmem:s8+$0xFFFFFFB0] =	vst v2  }
0x22d: {  	[tilespmem:s8+$0xFFFFFFC0] =	vst v1  }
0x22e: {  	v1 =	vld [tilespmem:s13+$0x3820];
	_ =	sdelay $0x4  }
0x22f: {  	v2 =	vunpack.i.u.bf16.f32 v1;
	v1 =	vunpack.i.l.bf16.f32 v1  }
0x230: {  	[tilespmem:s8+$0xFFFFFFE0] =	vst v2  }
0x231: {  	[tilespmem:s8+$0xFFFFFFD0] =	vst v1  }
0x232: {  	v1 =	vld [tilespmem:s13+$0x3830];
	_ =	sdelay $0x4  }
.Ltmp8:
0x233: {  	v2 =	vunpack.i.u.bf16.f32 v1;
	v1 =	vunpack.i.l.bf16.f32 v1;
	(pc) =	sbr.rel @p0 .LBB2_19-.Ltmp8, $4  }
0x234: {  	[tilespmem:s8+$0xFFFFFFF0] =	vst v1  }
0x235: {  	s13 =	sshra.s32 s14, $0x2;
	[tilespmem:s8+$0x0] =	vst v2  }
0x236: {  	v1 =	vld [tilespmem:s13+$0x3800]  }
0x237: {  	s14 =	sadd.s32 $0x100, s14  }
0x238: {  	_ =	sdelay $0x2  }
0x239: {  	s8 =	sadd.s32 $0x80, s8;
	v2 =	vunpack.i.l.bf16.f32 v1  }
0x23a: {  	v1 =	vunpack.i.u.bf16.f32 v1;
	[tilespmem:s8+$0xFFFFFF90] =	vst v2  }
0x23b: {  	[tilespmem:s8+$0xFFFFFFA0] =	vst v1  }
0x23c: {  	v1 =	vld [tilespmem:s13+$0x3810];
	_ =	sdelay $0x4  }
0x23d: {  	v2 =	vunpack.i.l.bf16.f32 v1  }
0x23e: {  	v1 =	vunpack.i.u.bf16.f32 v1;
	[tilespmem:s8+$0xFFFFFFB0] =	vst v2  }
0x23f: {  	[tilespmem:s8+$0xFFFFFFC0] =	vst v1  }
0x240: {  	v1 =	vld [tilespmem:s13+$0x3820];
	_ =	sdelay $0x4  }
0x241: {  	v2 =	vunpack.i.u.bf16.f32 v1  }
0x242: {  	v1 =	vunpack.i.l.bf16.f32 v1;
	[tilespmem:s8+$0xFFFFFFE0] =	vst v2  }
0x243: {  	[tilespmem:s8+$0xFFFFFFD0] =	vst v1  }
0x244: {  	v1 =	vld [tilespmem:s13+$0x3830];
	_ =	sdelay $0x4  }
0x245: {  	p0 =	sne.s32 s0, $0x28;
	v2 =	vunpack.i.l.bf16.f32 v1  }
.Ltmp9:
0x246: {  	v1 =	vunpack.i.u.bf16.f32 v1;
	[tilespmem:s8+$0xFFFFFFF0] =	vst v2;
	(pc) =	sbr.rel @p0 .LBB2_4-.Ltmp9, $4  }
0x247: {  	s7 =	sor.u32 $0x400, s7;
	[tilespmem:s8+$0x0] =	vst v1  }
0x248: {  	[spmem:s4] =	stream.indirect.scatter.add.f32 [tilespmem:s31], [sflag:$0x2], $0x80, s7, s22, $0xb8;
	[tilespmem:$0x1EF80] =	vst v63  }
0x249: {  	_ = 	snop  }
0x24a: {  	[spmem:s5] =	stream.indirect.scatter.add.f32 [tilespmem:s29], [sflag:$0x2], $0x10, s7, s22, $0xb8;
	[tilespmem:$0x1EF80] =	vst v63  }
0x24b: {  	_ =	swait.ge [sflag:s3], $0x2000  }
0x24c: {  	[sflag:s3] =	ssyncset.done $0x0  }
0x24d: {  	[sflag:s3] =	ssyncadd.s32 $0xFFFFE000  }
0x24e: {  	_ =	swait.ge [sflag:s3], $0x400  }
0x24f: {  	[sflag:s3] =	ssyncset.done $0x0  }
0x250: {  	[sflag:s3] =	ssyncadd.s32 $0xFFFFFC00  }
0x251: {  	_ =	swait.ge [sflag:s3], $0x2000  }
0x252: {  	[sflag:s3] =	ssyncset.done $0x0  }
0x253: {  	[sflag:s3] =	ssyncadd.s32 $0xFFFFE000  }
0x254: {  	_ =	swait.ge [sflag:s3], $0x400  }
0x255: {  	[sflag:s3] =	ssyncset.done $0x0  }
0x256: {  	[sflag:s3] =	ssyncadd.s32 $0xFFFFFC00  }
0x257: {  	[bflag:$0x0] =	sbarrier.arrive $0xFFFF  }
0x258: {  	s0 =	rddreg [dreg:$0xa]  }
0x259: {  	[hbm:s0], [sflag:s12] =	dma.local [spmem:s18], $0x2780  }
0x25a: {  	_ =	swait.ge [sflag:s19], $0x2780  }
0x25b: {  	[sflag:s19] =	ssyncset.done $0x0  }
0x25c: {  	s17 =	rddreg [dreg:$0xb];
	[sflag:s19] =	ssyncadd.s32 $0xFFFFD880  }
0x25d: {  	[hbm:s17], [sflag:s12] =	dma.local [spmem:s20], $0x4F0  }
0x25e: {  	_ =	swait.ge [sflag:s19], $0x4F0  }
0x25f: {  	s6 =	sadd.s32 $0x1, s6;
	s21 =	rddreg [dreg:$0xc]  }
0x260: {  	p0 =	sne.s32 s6, s21  }
.Ltmp10:
0x261: {  	_ = 	snop;
	(pc) =	sbr.rel @p0 .LBB2_1-.Ltmp10, $3  }
0x262: {  	_ =	sdelay $0x1  }
0x263: {  	[sflag:s19] =	ssyncset.done $0x0  }
0x264: {  	[sflag:s19] =	ssyncadd.s32 $0xFFFFFB10  }
0x265: {  	_ =	sfence.sel $0x180000  }
0x266: {  	[bflag:$0x0] =	sbarrier.arrive $0xFFFF  }
0x267: {  	_ =	strace $0x90000047  }
0x268: {  	s0 =	stileid.u32;
	[bflag:$0x2] =	sbarrier.arrive $0xFFFF  }
0x269: {  	p0 =	sne.s32 s0, $0x0;
	s0 =	rddreg [dreg:$0x5]  }
0x26a: {  	s0 =	sadd.s32 @!p0 $0x100000, s0  }
0x26b: {  	[sflag:s0] =	ssyncadd.tile.s32 @!p0 $0x1;
	_ =	shalt  }
.Lfunc_end2:
_tile_overlayer_lowered:
.L_overlay_start_2:
0x26c: {  	(tag) =	ssettag $0x2  }
0x26d: {  	s0 =	rddreg [dreg:$0x0];
	s2 =	stileid.u32  }
0x26e: {  	s1 =	rddreg [dreg:$0x1];
	p0 =	sne.s32 s2, $0x0  }
0x26f: {  	s3 =	rddreg [dreg:$0x2];
	[bflag:$0x3] =	sbarrier.arrive $0xFFFF;
	s2 =	simm.s32 @!p0 $0x1C04  }
0x270: {  	[timem:s3], [sflag:s2] =	dma.local @!p0 [hbm:s0], s1  }
0x271: {  	s0 =	simm.s32 @!p0 $0x4  }
0x272: {  	_ =	swait.ge @!p0 [sflag:s0], s1  }
0x273: {  	s1 =	ssub.s32 @!p0 $0x0, s1;
	[sflag:s0] =	ssyncset.done @!p0 $0x0  }
0x274: {  	[sflag:s0] =	ssyncadd.s32 @!p0 s1  }
0x275: {  	[bflag:$0x3] =	sbarrier.arrive $0xFFFF  }
0x276: {  	_ =	shalt  }

</sc_bundles>
